<compile_context>
chip_gen: v7x
topology: tpu7x:2x2x1
jax: 0.10.2.dev20260603
libtpu: 0.0.44.dev20260713+nightly
codegen_flags: <defaults>
</compile_context>

<pallas_src>
import functools

import jax
import jax.numpy as jnp
from jax import lax
from jax.experimental import pallas as pl
from jax.experimental.pallas import tpu as pltpu
from jax.experimental.pallas import tpu_sc as plsc

H = 128
N_NODES = 10000
N_TRIPLES = 320000

NUM_CORES = 2
NUM_SUBCORES = 16

K = 56
C0 = 312
C1 = 48
G = 8
CT = NUM_SUBCORES * (C0 + C1)
TOTAL_PAD = CT * K

DUMMY = N_NODES
NS_ROWS = N_NODES + 8
AGG_ROWS = 10112
ZROWS = AGG_ROWS // NUM_SUBCORES


def _sc_body(ns_hbm, rs_hbm, zeros_hbm, subj_hbm, rel_hbm, obj_hbm, agg_hbm,
             agg_sh, subj_v, rel_v, obj_v,
             ba0, ba1, ba2, bb0, bb1, bb2,
             ga0, ga1, ga2, gb0, gb1, gb2,
             sa0, sa1, sa2, sb0, sb1, sb2):
    cid = lax.axis_index("c")
    sid = lax.axis_index("s")

    bufs_a = [ba0, ba1, ba2]
    bufs_b = [bb0, bb1, bb2]
    gsem_a = [ga0, ga1, ga2]
    gsem_b = [gb0, gb1, gb2]
    ssem_a = [sa0, sa1, sa2]
    ssem_b = [sb0, sb1, sb2]

    pltpu.sync_copy(zeros_hbm, agg_sh.at[pl.ds(sid * ZROWS, ZROWS)])

    plsc.subcore_barrier()

    start = jnp.where(cid == 0, sid * C0, NUM_SUBCORES * C0 + sid * C1)
    n_groups = jnp.where(cid == 0, C0 // G, C1 // G)

    def group(g, carry):
        base = pl.multiple_of(start + g * G, 8)
        pltpu.sync_copy(subj_hbm.at[pl.ds(base, G)], subj_v)
        pltpu.sync_copy(rel_hbm.at[pl.ds(base, G)], rel_v)
        pltpu.sync_copy(obj_hbm.at[pl.ds(base, G)], obj_v)

        gath_a = [None] * G
        gath_b = [None] * G
        gadd_a = [None] * G
        gadd_b = [None] * G
        pend_sa = [None, None, None]
        pend_sb = [None, None, None]

        def stage2(c):
            q = c % 3
            gath_a[c].wait()
            gadd_a[c] = pltpu.async_copy(
                ns_hbm.at[subj_v.at[c]], bufs_a[q], gsem_a[q], add=True)
            gath_b[c].wait()
            gadd_b[c] = pltpu.async_copy(
                ns_hbm.at[obj_v.at[c]], bufs_b[q], gsem_b[q], add=True)

        def stage3(c):
            r = c % 3
            gadd_a[c].wait()
            pend_sa[r] = pltpu.async_copy(
                bufs_a[r], agg_sh.at[obj_v.at[c]], ssem_a[r], add=True)
            gadd_b[c].wait()
            pend_sb[r] = pltpu.async_copy(
                bufs_b[r], agg_sh.at[subj_v.at[c]], ssem_b[r], add=True)

        for cc in range(G):
            p = cc % 3
            if pend_sa[p] is not None:
                pend_sa[p].wait()
            gath_a[cc] = pltpu.async_copy(
                rs_hbm.at[rel_v.at[cc]], bufs_a[p], gsem_a[p])
            if pend_sb[p] is not None:
                pend_sb[p].wait()
            gath_b[cc] = pltpu.async_copy(
                rs_hbm.at[rel_v.at[cc]], bufs_b[p], gsem_b[p])
            if cc >= 1:
                stage2(cc - 1)
            if cc >= 2:
                stage3(cc - 2)

        stage2(G - 1)
        stage3(G - 2)
        stage3(G - 1)
        for p in range(3):
            if pend_sa[p] is not None:
                pend_sa[p].wait()
            if pend_sb[p] is not None:
                pend_sb[p].wait()
        return carry

    lax.fori_loop(0, n_groups, group, 0)

    plsc.subcore_barrier()

    pltpu.sync_copy(agg_sh.at[pl.ds(sid * ZROWS, ZROWS)],
                    agg_hbm.at[cid, pl.ds(sid * ZROWS, ZROWS)])


_sc_partial = functools.partial(
    pl.kernel,
    out_type=jax.ShapeDtypeStruct((NUM_CORES, AGG_ROWS, H), jnp.float32),
    mesh=plsc.VectorSubcoreMesh(core_axis_name="c", subcore_axis_name="s"),
    scratch_types=[
        pltpu.VMEM_SHARED((AGG_ROWS, H), jnp.float32),
        pltpu.VMEM((G, K), jnp.int32),
        pltpu.VMEM((G, K), jnp.int32),
        pltpu.VMEM((G, K), jnp.int32),
        pltpu.VMEM((K, H), jnp.float32),
        pltpu.VMEM((K, H), jnp.float32),
        pltpu.VMEM((K, H), jnp.float32),
        pltpu.VMEM((K, H), jnp.float32),
        pltpu.VMEM((K, H), jnp.float32),
        pltpu.VMEM((K, H), jnp.float32),
    ] + [pltpu.SemaphoreType.DMA] * 12,
)(_sc_body)


def _tc_body(ns_ref, a0_ref, a1_ref, wl_ref, wr_ref, b_ref, o_ref):
    x = ns_ref[...]
    a = a0_ref[...] + a1_ref[...]
    y = (jnp.dot(x, wl_ref[...], preferred_element_type=jnp.float32)
         + jnp.dot(a, wr_ref[...], preferred_element_type=jnp.float32)
         + b_ref[...])
    o_ref[...] = x + y * jax.nn.sigmoid(y)


def _tc_call(ns, a0, a1, wl_t, wr_t, b2d):
    R = 2000
    return pl.pallas_call(
        _tc_body,
        grid=(N_NODES // R,),
        in_specs=[
            pl.BlockSpec((R, H), lambda i: (i, 0)),
            pl.BlockSpec((R, H), lambda i: (i, 0)),
            pl.BlockSpec((R, H), lambda i: (i, 0)),
            pl.BlockSpec((H, H), lambda i: (0, 0)),
            pl.BlockSpec((H, H), lambda i: (0, 0)),
            pl.BlockSpec((1, H), lambda i: (0, 0)),
        ],
        out_specs=pl.BlockSpec((R, H), lambda i: (i, 0)),
        out_shape=jax.ShapeDtypeStruct((N_NODES, H), jnp.float32),
    )(ns, a0, a1, wl_t, wr_t, b2d)


def kernel(node_states, rel_states, triples, W, b):
    tr = triples.astype(jnp.int32)
    pad = TOTAL_PAD - N_TRIPLES
    subj = jnp.concatenate([tr[:, 0], jnp.full((pad,), DUMMY, jnp.int32)])
    rel = jnp.concatenate([tr[:, 1], jnp.zeros((pad,), jnp.int32)])
    obj = jnp.concatenate([tr[:, 2], jnp.full((pad,), DUMMY, jnp.int32)])
    subj = subj.reshape(CT, K)
    rel = rel.reshape(CT, K)
    obj = obj.reshape(CT, K)

    ns_pad = jnp.concatenate(
        [node_states, jnp.zeros((NS_ROWS - N_NODES, H), jnp.float32)])
    zeros = jnp.zeros((ZROWS, H), jnp.float32)

    agg = _sc_partial(ns_pad, rel_states, zeros, subj, rel, obj)

    wl_t = W[:, :H].T
    wr_t = W[:, H:].T
    return _tc_call(node_states, agg[0, :N_NODES], agg[1, :N_NODES],
                    wl_t, wr_t, b.reshape(1, H))

# --- scband reference (transcript-rebuilt; emitter-appended) ---
"""Pipeline reference for scband-graph-triplet-gcnlayer-18631568130411 (READ-ONLY COPY).

The authoritative reference and input builder live on the scoring server;
editing this copy changes nothing except your own understanding.
"""

import jax, jax.numpy as jnp
import numpy as np

H = 128
N_NODES = 10000
N_RELS = 10000
N_TRIPLES = 320000

def setup_inputs(seed: int = 0) -> dict:
    key = jax.random.key(seed)
    k1, k2, k3, k4, k5 = jax.random.split(key, 5)
    node_states = jax.random.normal(k1, (N_NODES, H), dtype=jnp.float32)
    rel_states = jax.random.normal(k2, (N_RELS, H), dtype=jnp.float32)
    triples = jax.random.randint(k3, (N_TRIPLES, 3), 0, N_NODES, dtype=jnp.int64)
    # Linear(2H -> H): torch weight shape (H, 2H), bias (H,)
    bound = 1.0 / np.sqrt(2 * H)
    W = jax.random.uniform(k4, (H, 2 * H), minval=-bound, maxval=bound, dtype=jnp.float32)
    b = jax.random.uniform(k5, (H,), minval=-bound, maxval=bound, dtype=jnp.float32)
    return {"node_states": node_states, "rel_states": rel_states, "triples": triples, "W": W, "b": b}

def reference(node_states, rel_states, triples, W, b):
    subj_idx = triples[:, 0]
    rel_idx = triples[:, 1]
    obj_idx = triples[:, 2]
    msg_subj_to_obj = node_states[subj_idx] + rel_states[rel_idx]
    msg_obj_to_subj = node_states[obj_idx] + rel_states[rel_idx]
    agg = jnp.zeros_like(node_states)
    agg = agg.at[obj_idx].add(msg_subj_to_obj)
    agg = agg.at[subj_idx].add(msg_obj_to_subj)
    h = jnp.concatenate([node_states, agg], axis=-1)
    h = h @ W.T + b
    h = jax.nn.silu(h)
    # dropout=0.0 -> identity
    return node_states + h

if __name__ == "__main__":
    import jax
    _d = setup_inputs()
    print(jax.jit(kernel)(*tuple(_d.values())))

</pallas_src>

<mosaic_0001>
#map = affine_map<(d0, d1) -> (0, 0)>
#map1 = affine_map<(d0, d1) -> (0, 0, 0)>
module attributes {stable_mosaic.version = 14 : i64} {
  func.func @_sc_body(%arg0: i32, %arg1: i32, %arg2: memref<10008x128xf32, #tpu.memory_space<hbm>>, %arg3: memref<10000x128xf32, #tpu.memory_space<hbm>>, %arg4: memref<632x128xf32, #tpu.memory_space<hbm>>, %arg5: memref<5760x56xi32, #tpu.memory_space<hbm>>, %arg6: memref<5760x56xi32, #tpu.memory_space<hbm>>, %arg7: memref<5760x56xi32, #tpu.memory_space<hbm>>, %arg8: memref<2x10112x128xf32, #tpu.memory_space<hbm>>, %arg9: memref<10112x128xf32, #tpu.memory_space<vmem_shared>>, %arg10: memref<8x56xi32, #tpu.memory_space<vmem>>, %arg11: memref<8x56xi32, #tpu.memory_space<vmem>>, %arg12: memref<8x56xi32, #tpu.memory_space<vmem>>, %arg13: memref<56x128xf32, #tpu.memory_space<vmem>>, %arg14: memref<56x128xf32, #tpu.memory_space<vmem>>, %arg15: memref<56x128xf32, #tpu.memory_space<vmem>>, %arg16: memref<56x128xf32, #tpu.memory_space<vmem>>, %arg17: memref<56x128xf32, #tpu.memory_space<vmem>>, %arg18: memref<56x128xf32, #tpu.memory_space<vmem>>, %arg19: memref<!tpu.dma_semaphore, #tpu.memory_space<semaphore_mem>>, %arg20: memref<!tpu.dma_semaphore, #tpu.memory_space<semaphore_mem>>, %arg21: memref<!tpu.dma_semaphore, #tpu.memory_space<semaphore_mem>>, %arg22: memref<!tpu.dma_semaphore, #tpu.memory_space<semaphore_mem>>, %arg23: memref<!tpu.dma_semaphore, #tpu.memory_space<semaphore_mem>>, %arg24: memref<!tpu.dma_semaphore, #tpu.memory_space<semaphore_mem>>, %arg25: memref<!tpu.dma_semaphore, #tpu.memory_space<semaphore_mem>>, %arg26: memref<!tpu.dma_semaphore, #tpu.memory_space<semaphore_mem>>, %arg27: memref<!tpu.dma_semaphore, #tpu.memory_space<semaphore_mem>>, %arg28: memref<!tpu.dma_semaphore, #tpu.memory_space<semaphore_mem>>, %arg29: memref<!tpu.dma_semaphore, #tpu.memory_space<semaphore_mem>>, %arg30: memref<!tpu.dma_semaphore, #tpu.memory_space<semaphore_mem>>) attributes {dimension_semantics = [#tpu.dimension_semantics<core_parallel>, #tpu.dimension_semantics<subcore_parallel>], iteration_bounds = array<i64: 2, 16>, scalar_prefetch = 0 : i64, scratch_operands = 22 : i64, tpu.core_type = #tpu.core_type<sc_vector_subcore>, window_params = [{transform_indices = #map}, {transform_indices = #map}, {transform_indices = #map}, {transform_indices = #map}, {transform_indices = #map}, {transform_indices = #map}, {transform_indices = #map1}]} {
    %mul3A = arith.constant 632 : i32
    %mul3A_0 = arith.muli %arg1, %mul3A : i32
    "tpu.region"() ({
      %run_scoped3A = tpu.sem_alloc : memref<!tpu.dma_semaphore, #tpu.memory_space<semaphore_mem>>
      %dma_start3A = arith.constant 0 : i32
      %dma_start3A_25 = tpu.memref_slice %arg9[%mul3A_0, %dma_start3A] : memref<10112x128xf32, #tpu.memory_space<vmem_shared>> -> memref<632x128xf32, #tpu.memory_space<vmem_shared>>
      tpu.enqueue_dma source(%arg4 : memref<632x128xf32, #tpu.memory_space<hbm>>) target(%dma_start3A_25 : memref<632x128xf32, #tpu.memory_space<vmem_shared>>) target_semaphore(%run_scoped3A : memref<!tpu.dma_semaphore, #tpu.memory_space<semaphore_mem>>)
      %dma_wait3A = arith.constant 0 : i32
      %dma_wait3A_26 = tpu.memref_slice %arg9[%mul3A_0, %dma_wait3A] : memref<10112x128xf32, #tpu.memory_space<vmem_shared>> -> memref<632x128xf32, #tpu.memory_space<vmem_shared>>
      tpu.wait_dma2 semaphore(%run_scoped3A : memref<!tpu.dma_semaphore, #tpu.memory_space<semaphore_mem>>) src(%arg4 : memref<632x128xf32, #tpu.memory_space<hbm>>) dst(%dma_wait3A_26 : memref<632x128xf32, #tpu.memory_space<vmem_shared>>)
      tpu.yield
    }) : () -> ()
    %barrier3A = arith.constant 0 : index
    tpu.barrier barrier_id(%barrier3A)
    %eq3A = arith.constant 0 : i32
    %eq3A_1 = arith.cmpi eq, %arg0, %eq3A : i32
    %mul3A_2 = arith.constant 312 : i32
    %mul3A_3 = arith.muli %arg1, %mul3A_2 : i32
    %mul3A_4 = arith.constant 48 : i32
    %mul3A_5 = arith.muli %arg1, %mul3A_4 : i32
    %add3A = arith.constant 4992 : i32
    %add3A_6 = arith.addi %add3A, %mul3A_5 : i32
    %select_n3A = arith.select %eq3A_1, %mul3A_3, %add3A_6 : i32
    %eq3A_7 = arith.constant 0 : i32
    %eq3A_8 = arith.cmpi eq, %arg0, %eq3A_7 : i32
    %jit3A = arith.constant 39 : i32
    %jit3A_9 = arith.constant 6 : i32
    %select_n3A_10 = arith.select %eq3A_8, %jit3A, %jit3A_9 : i32
    %while3A = arith.constant 0 : i32
    %while3A_11 = arith.constant 0 : i32
    %while3A_12 = arith.subi %select_n3A_10, %while3A_11 : i32
    %while3A_13 = arith.addi %while3A_11, %while3A_12 : i32
    %while3A_14 = arith.constant 1 : i32
    %while3A_15 = arith.divsi %while3A_12, %while3A_14 : i32
    %while3A_16 = arith.muli %while3A_15, %while3A_14 : i32
    %while3A_17 = arith.addi %while3A_11, %while3A_16 : i32
    %while3A_18 = arith.constant 1 : i32
    scf.for %while3A_25 = %while3A_11 to %while3A_17 step %while3A_18  : i32 {
      %mul3A_26 = arith.constant 8 : i32
      %mul3A_27 = arith.muli %while3A_25, %mul3A_26 : i32
      %add3A_28 = arith.addi %select_n3A, %mul3A_27 : i32
      %multiple_of3A = tpu.assume_multiple %add3A_28, 8 : i32
      "tpu.region"() ({
        %run_scoped3A = tpu.sem_alloc : memref<!tpu.dma_semaphore, #tpu.memory_space<semaphore_mem>>
        %dma_start3A_699 = arith.constant 0 : i32
        %dma_start3A_700 = tpu.memref_slice %arg5[%multiple_of3A, %dma_start3A_699] : memref<5760x56xi32, #tpu.memory_space<hbm>> -> memref<8x56xi32, #tpu.memory_space<hbm>>
        %dma_start3A_701 = arith.constant 0 : i32
        %dma_start3A_702 = tpu.memref_slice %arg5[%multiple_of3A, %dma_start3A_701] : memref<5760x56xi32, #tpu.memory_space<hbm>> -> memref<8x56xi32, #tpu.memory_space<hbm>>
        tpu.enqueue_dma source(%dma_start3A_702 : memref<8x56xi32, #tpu.memory_space<hbm>>) target(%arg10 : memref<8x56xi32, #tpu.memory_space<vmem>>) target_semaphore(%run_scoped3A : memref<!tpu.dma_semaphore, #tpu.memory_space<semaphore_mem>>)
        %dma_wait3A_703 = arith.constant 0 : i32
        %dma_wait3A_704 = tpu.memref_slice %arg5[%multiple_of3A, %dma_wait3A_703] : memref<5760x56xi32, #tpu.memory_space<hbm>> -> memref<8x56xi32, #tpu.memory_space<hbm>>
        %dma_wait3A_705 = arith.constant 0 : i32
        %dma_wait3A_706 = tpu.memref_slice %arg5[%multiple_of3A, %dma_wait3A_705] : memref<5760x56xi32, #tpu.memory_space<hbm>> -> memref<8x56xi32, #tpu.memory_space<hbm>>
        tpu.wait_dma2 semaphore(%run_scoped3A : memref<!tpu.dma_semaphore, #tpu.memory_space<semaphore_mem>>) src(%dma_wait3A_706 : memref<8x56xi32, #tpu.memory_space<hbm>>) dst(%arg10 : memref<8x56xi32, #tpu.memory_space<vmem>>)
        tpu.yield
      }) : () -> ()
      "tpu.region"() ({
        %run_scoped3A = tpu.sem_alloc : memref<!tpu.dma_semaphore, #tpu.memory_space<semaphore_mem>>
        %dma_start3A_699 = arith.constant 0 : i32
        %dma_start3A_700 = tpu.memref_slice %arg6[%multiple_of3A, %dma_start3A_699] : memref<5760x56xi32, #tpu.memory_space<hbm>> -> memref<8x56xi32, #tpu.memory_space<hbm>>
        %dma_start3A_701 = arith.constant 0 : i32
        %dma_start3A_702 = tpu.memref_slice %arg6[%multiple_of3A, %dma_start3A_701] : memref<5760x56xi32, #tpu.memory_space<hbm>> -> memref<8x56xi32, #tpu.memory_space<hbm>>
        tpu.enqueue_dma source(%dma_start3A_702 : memref<8x56xi32, #tpu.memory_space<hbm>>) target(%arg11 : memref<8x56xi32, #tpu.memory_space<vmem>>) target_semaphore(%run_scoped3A : memref<!tpu.dma_semaphore, #tpu.memory_space<semaphore_mem>>)
        %dma_wait3A_703 = arith.constant 0 : i32
        %dma_wait3A_704 = tpu.memref_slice %arg6[%multiple_of3A, %dma_wait3A_703] : memref<5760x56xi32, #tpu.memory_space<hbm>> -> memref<8x56xi32, #tpu.memory_space<hbm>>
        %dma_wait3A_705 = arith.constant 0 : i32
        %dma_wait3A_706 = tpu.memref_slice %arg6[%multiple_of3A, %dma_wait3A_705] : memref<5760x56xi32, #tpu.memory_space<hbm>> -> memref<8x56xi32, #tpu.memory_space<hbm>>
        tpu.wait_dma2 semaphore(%run_scoped3A : memref<!tpu.dma_semaphore, #tpu.memory_space<semaphore_mem>>) src(%dma_wait3A_706 : memref<8x56xi32, #tpu.memory_space<hbm>>) dst(%arg11 : memref<8x56xi32, #tpu.memory_space<vmem>>)
        tpu.yield
      }) : () -> ()
      "tpu.region"() ({
        %run_scoped3A = tpu.sem_alloc : memref<!tpu.dma_semaphore, #tpu.memory_space<semaphore_mem>>
        %dma_start3A_699 = arith.constant 0 : i32
        %dma_start3A_700 = tpu.memref_slice %arg7[%multiple_of3A, %dma_start3A_699] : memref<5760x56xi32, #tpu.memory_space<hbm>> -> memref<8x56xi32, #tpu.memory_space<hbm>>
        %dma_start3A_701 = arith.constant 0 : i32
        %dma_start3A_702 = tpu.memref_slice %arg7[%multiple_of3A, %dma_start3A_701] : memref<5760x56xi32, #tpu.memory_space<hbm>> -> memref<8x56xi32, #tpu.memory_space<hbm>>
        tpu.enqueue_dma source(%dma_start3A_702 : memref<8x56xi32, #tpu.memory_space<hbm>>) target(%arg12 : memref<8x56xi32, #tpu.memory_space<vmem>>) target_semaphore(%run_scoped3A : memref<!tpu.dma_semaphore, #tpu.memory_space<semaphore_mem>>)
        %dma_wait3A_703 = arith.constant 0 : i32
        %dma_wait3A_704 = tpu.memref_slice %arg7[%multiple_of3A, %dma_wait3A_703] : memref<5760x56xi32, #tpu.memory_space<hbm>> -> memref<8x56xi32, #tpu.memory_space<hbm>>
        %dma_wait3A_705 = arith.constant 0 : i32
        %dma_wait3A_706 = tpu.memref_slice %arg7[%multiple_of3A, %dma_wait3A_705] : memref<5760x56xi32, #tpu.memory_space<hbm>> -> memref<8x56xi32, #tpu.memory_space<hbm>>
        tpu.wait_dma2 semaphore(%run_scoped3A : memref<!tpu.dma_semaphore, #tpu.memory_space<semaphore_mem>>) src(%dma_wait3A_706 : memref<8x56xi32, #tpu.memory_space<hbm>>) dst(%arg12 : memref<8x56xi32, #tpu.memory_space<vmem>>)
        tpu.yield
      }) : () -> ()
      %dma_start3A = arith.constant 0 : i32
      %dma_start3A_29 = arith.constant 0 : i32
      %dma_start3A_30 = tpu.memref_slice %arg11[%dma_start3A, %dma_start3A_29] : memref<8x56xi32, #tpu.memory_space<vmem>> -> memref<1x56xi32, #tpu.memory_space<vmem>>
      %dma_start3A_31 = tpu.memref_squeeze %dma_start3A_30 : memref<1x56xi32, #tpu.memory_space<vmem>> -> memref<56xi32, #tpu.memory_space<vmem>>
      %dma_start3A_32 = arith.constant 0 : i32
      %dma_start3A_33 = arith.constant 0 : i32
      %dma_start3A_34 = tpu.memref_slice %arg3[%dma_start3A_32, %dma_start3A_33] : memref<10000x128xf32, #tpu.memory_space<hbm>> -> memref<10000x128xf32, #tpu.memory_space<hbm>>
      tpu.enqueue_indirect_dma source(%dma_start3A_34 : memref<10000x128xf32, #tpu.memory_space<hbm>>) target(%arg13 : memref<56x128xf32, #tpu.memory_space<vmem>>) offsets(%dma_start3A_31 : memref<56xi32, #tpu.memory_space<vmem>>) semaphore(%arg19 : memref<!tpu.dma_semaphore, #tpu.memory_space<semaphore_mem>>)
      %dma_start3A_35 = arith.constant 0 : i32
      %dma_start3A_36 = arith.constant 0 : i32
      %dma_start3A_37 = tpu.memref_slice %arg11[%dma_start3A_35, %dma_start3A_36] : memref<8x56xi32, #tpu.memory_space<vmem>> -> memref<1x56xi32, #tpu.memory_space<vmem>>
      %dma_start3A_38 = tpu.memref_squeeze %dma_start3A_37 : memref<1x56xi32, #tpu.memory_space<vmem>> -> memref<56xi32, #tpu.memory_space<vmem>>
      %dma_start3A_39 = arith.constant 0 : i32
      %dma_start3A_40 = arith.constant 0 : i32
      %dma_start3A_41 = tpu.memref_slice %arg3[%dma_start3A_39, %dma_start3A_40] : memref<10000x128xf32, #tpu.memory_space<hbm>> -> memref<10000x128xf32, #tpu.memory_space<hbm>>
      tpu.enqueue_indirect_dma source(%dma_start3A_41 : memref<10000x128xf32, #tpu.memory_space<hbm>>) target(%arg16 : memref<56x128xf32, #tpu.memory_space<vmem>>) offsets(%dma_start3A_38 : memref<56xi32, #tpu.memory_space<vmem>>) semaphore(%arg22 : memref<!tpu.dma_semaphore, #tpu.memory_space<semaphore_mem>>)
      %dma_start3A_42 = arith.constant 1 : i32
      %dma_start3A_43 = arith.constant 0 : i32
      %dma_start3A_44 = tpu.memref_slice %arg11[%dma_start3A_42, %dma_start3A_43] : memref<8x56xi32, #tpu.memory_space<vmem>> -> memref<1x56xi32, #tpu.memory_space<vmem>>
      %dma_start3A_45 = tpu.memref_squeeze %dma_start3A_44 : memref<1x56xi32, #tpu.memory_space<vmem>> -> memref<56xi32, #tpu.memory_space<vmem>>
      %dma_start3A_46 = arith.constant 0 : i32
      %dma_start3A_47 = arith.constant 0 : i32
      %dma_start3A_48 = tpu.memref_slice %arg3[%dma_start3A_46, %dma_start3A_47] : memref<10000x128xf32, #tpu.memory_space<hbm>> -> memref<10000x128xf32, #tpu.memory_space<hbm>>
      tpu.enqueue_indirect_dma source(%dma_start3A_48 : memref<10000x128xf32, #tpu.memory_space<hbm>>) target(%arg14 : memref<56x128xf32, #tpu.memory_space<vmem>>) offsets(%dma_start3A_45 : memref<56xi32, #tpu.memory_space<vmem>>) semaphore(%arg20 : memref<!tpu.dma_semaphore, #tpu.memory_space<semaphore_mem>>)
      %dma_start3A_49 = arith.constant 1 : i32
      %dma_start3A_50 = arith.constant 0 : i32
      %dma_start3A_51 = tpu.memref_slice %arg11[%dma_start3A_49, %dma_start3A_50] : memref<8x56xi32, #tpu.memory_space<vmem>> -> memref<1x56xi32, #tpu.memory_space<vmem>>
      %dma_start3A_52 = tpu.memref_squeeze %dma_start3A_51 : memref<1x56xi32, #tpu.memory_space<vmem>> -> memref<56xi32, #tpu.memory_space<vmem>>
      %dma_start3A_53 = arith.constant 0 : i32
      %dma_start3A_54 = arith.constant 0 : i32
      %dma_start3A_55 = tpu.memref_slice %arg3[%dma_start3A_53, %dma_start3A_54] : memref<10000x128xf32, #tpu.memory_space<hbm>> -> memref<10000x128xf32, #tpu.memory_space<hbm>>
      tpu.enqueue_indirect_dma source(%dma_start3A_55 : memref<10000x128xf32, #tpu.memory_space<hbm>>) target(%arg17 : memref<56x128xf32, #tpu.memory_space<vmem>>) offsets(%dma_start3A_52 : memref<56xi32, #tpu.memory_space<vmem>>) semaphore(%arg23 : memref<!tpu.dma_semaphore, #tpu.memory_space<semaphore_mem>>)
      %dma_wait3A = arith.constant 0 : i32
      %dma_wait3A_56 = arith.constant 0 : i32
      %dma_wait3A_57 = tpu.memref_slice %arg11[%dma_wait3A, %dma_wait3A_56] : memref<8x56xi32, #tpu.memory_space<vmem>> -> memref<1x56xi32, #tpu.memory_space<vmem>>
      %dma_wait3A_58 = tpu.memref_squeeze %dma_wait3A_57 : memref<1x56xi32, #tpu.memory_space<vmem>> -> memref<56xi32, #tpu.memory_space<vmem>>
      %dma_wait3A_59 = arith.constant 0 : i32
      %dma_wait3A_60 = arith.constant 0 : i32
      %dma_wait3A_61 = tpu.memref_slice %arg3[%dma_wait3A_59, %dma_wait3A_60] : memref<10000x128xf32, #tpu.memory_space<hbm>> -> memref<10000x128xf32, #tpu.memory_space<hbm>>
      tpu.wait_indirect_dma semaphore(%arg19 : memref<!tpu.dma_semaphore, #tpu.memory_space<semaphore_mem>>) src(%dma_wait3A_61 : memref<10000x128xf32, #tpu.memory_space<hbm>>) dst(%arg13 : memref<56x128xf32, #tpu.memory_space<vmem>>)
      %dma_start3A_62 = arith.constant 0 : i32
      %dma_start3A_63 = arith.constant 0 : i32
      %dma_start3A_64 = tpu.memref_slice %arg10[%dma_start3A_62, %dma_start3A_63] : memref<8x56xi32, #tpu.memory_space<vmem>> -> memref<1x56xi32, #tpu.memory_space<vmem>>
      %dma_start3A_65 = tpu.memref_squeeze %dma_start3A_64 : memref<1x56xi32, #tpu.memory_space<vmem>> -> memref<56xi32, #tpu.memory_space<vmem>>
      %dma_start3A_66 = arith.constant 0 : i32
      %dma_start3A_67 = arith.constant 0 : i32
      %dma_start3A_68 = tpu.memref_slice %arg2[%dma_start3A_66, %dma_start3A_67] : memref<10008x128xf32, #tpu.memory_space<hbm>> -> memref<10008x128xf32, #tpu.memory_space<hbm>>
      tpu.enqueue_indirect_dma source(%dma_start3A_68 : memref<10008x128xf32, #tpu.memory_space<hbm>>) target(%arg13 : memref<56x128xf32, #tpu.memory_space<vmem>>) offsets(%dma_start3A_65 : memref<56xi32, #tpu.memory_space<vmem>>) semaphore(%arg19 : memref<!tpu.dma_semaphore, #tpu.memory_space<semaphore_mem>>) {add = true}
      %dma_wait3A_69 = arith.constant 0 : i32
      %dma_wait3A_70 = arith.constant 0 : i32
      %dma_wait3A_71 = tpu.memref_slice %arg11[%dma_wait3A_69, %dma_wait3A_70] : memref<8x56xi32, #tpu.memory_space<vmem>> -> memref<1x56xi32, #tpu.memory_space<vmem>>
      %dma_wait3A_72 = tpu.memref_squeeze %dma_wait3A_71 : memref<1x56xi32, #tpu.memory_space<vmem>> -> memref<56xi32, #tpu.memory_space<vmem>>
      %dma_wait3A_73 = arith.constant 0 : i32
      %dma_wait3A_74 = arith.constant 0 : i32
      %dma_wait3A_75 = tpu.memref_slice %arg3[%dma_wait3A_73, %dma_wait3A_74] : memref<10000x128xf32, #tpu.memory_space<hbm>> -> memref<10000x128xf32, #tpu.memory_space<hbm>>
      tpu.wait_indirect_dma semaphore(%arg22 : memref<!tpu.dma_semaphore, #tpu.memory_space<semaphore_mem>>) src(%dma_wait3A_75 : memref<10000x128xf32, #tpu.memory_space<hbm>>) dst(%arg16 : memref<56x128xf32, #tpu.memory_space<vmem>>)
      %dma_start3A_76 = arith.constant 0 : i32
      %dma_start3A_77 = arith.constant 0 : i32
      %dma_start3A_78 = tpu.memref_slice %arg12[%dma_start3A_76, %dma_start3A_77] : memref<8x56xi32, #tpu.memory_space<vmem>> -> memref<1x56xi32, #tpu.memory_space<vmem>>
      %dma_start3A_79 = tpu.memref_squeeze %dma_start3A_78 : memref<1x56xi32, #tpu.memory_space<vmem>> -> memref<56xi32, #tpu.memory_space<vmem>>
      %dma_start3A_80 = arith.constant 0 : i32
      %dma_start3A_81 = arith.constant 0 : i32
      %dma_start3A_82 = tpu.memref_slice %arg2[%dma_start3A_80, %dma_start3A_81] : memref<10008x128xf32, #tpu.memory_space<hbm>> -> memref<10008x128xf32, #tpu.memory_space<hbm>>
      tpu.enqueue_indirect_dma source(%dma_start3A_82 : memref<10008x128xf32, #tpu.memory_space<hbm>>) target(%arg16 : memref<56x128xf32, #tpu.memory_space<vmem>>) offsets(%dma_start3A_79 : memref<56xi32, #tpu.memory_space<vmem>>) semaphore(%arg22 : memref<!tpu.dma_semaphore, #tpu.memory_space<semaphore_mem>>) {add = true}
      %dma_start3A_83 = arith.constant 2 : i32
      %dma_start3A_84 = arith.constant 0 : i32
      %dma_start3A_85 = tpu.memref_slice %arg11[%dma_start3A_83, %dma_start3A_84] : memref<8x56xi32, #tpu.memory_space<vmem>> -> memref<1x56xi32, #tpu.memory_space<vmem>>
      %dma_start3A_86 = tpu.memref_squeeze %dma_start3A_85 : memref<1x56xi32, #tpu.memory_space<vmem>> -> memref<56xi32, #tpu.memory_space<vmem>>
      %dma_start3A_87 = arith.constant 0 : i32
      %dma_start3A_88 = arith.constant 0 : i32
      %dma_start3A_89 = tpu.memref_slice %arg3[%dma_start3A_87, %dma_start3A_88] : memref<10000x128xf32, #tpu.memory_space<hbm>> -> memref<10000x128xf32, #tpu.memory_space<hbm>>
      tpu.enqueue_indirect_dma source(%dma_start3A_89 : memref<10000x128xf32, #tpu.memory_space<hbm>>) target(%arg15 : memref<56x128xf32, #tpu.memory_space<vmem>>) offsets(%dma_start3A_86 : memref<56xi32, #tpu.memory_space<vmem>>) semaphore(%arg21 : memref<!tpu.dma_semaphore, #tpu.memory_space<semaphore_mem>>)
      %dma_start3A_90 = arith.constant 2 : i32
      %dma_start3A_91 = arith.constant 0 : i32
      %dma_start3A_92 = tpu.memref_slice %arg11[%dma_start3A_90, %dma_start3A_91] : memref<8x56xi32, #tpu.memory_space<vmem>> -> memref<1x56xi32, #tpu.memory_space<vmem>>
      %dma_start3A_93 = tpu.memref_squeeze %dma_start3A_92 : memref<1x56xi32, #tpu.memory_space<vmem>> -> memref<56xi32, #tpu.memory_space<vmem>>
      %dma_start3A_94 = arith.constant 0 : i32
      %dma_start3A_95 = arith.constant 0 : i32
      %dma_start3A_96 = tpu.memref_slice %arg3[%dma_start3A_94, %dma_start3A_95] : memref<10000x128xf32, #tpu.memory_space<hbm>> -> memref<10000x128xf32, #tpu.memory_space<hbm>>
      tpu.enqueue_indirect_dma source(%dma_start3A_96 : memref<10000x128xf32, #tpu.memory_space<hbm>>) target(%arg18 : memref<56x128xf32, #tpu.memory_space<vmem>>) offsets(%dma_start3A_93 : memref<56xi32, #tpu.memory_space<vmem>>) semaphore(%arg24 : memref<!tpu.dma_semaphore, #tpu.memory_space<semaphore_mem>>)
      %dma_wait3A_97 = arith.constant 1 : i32
      %dma_wait3A_98 = arith.constant 0 : i32
      %dma_wait3A_99 = tpu.memref_slice %arg11[%dma_wait3A_97, %dma_wait3A_98] : memref<8x56xi32, #tpu.memory_space<vmem>> -> memref<1x56xi32, #tpu.memory_space<vmem>>
      %dma_wait3A_100 = tpu.memref_squeeze %dma_wait3A_99 : memref<1x56xi32, #tpu.memory_space<vmem>> -> memref<56xi32, #tpu.memory_space<vmem>>
      %dma_wait3A_101 = arith.constant 0 : i32
      %dma_wait3A_102 = arith.constant 0 : i32
      %dma_wait3A_103 = tpu.memref_slice %arg3[%dma_wait3A_101, %dma_wait3A_102] : memref<10000x128xf32, #tpu.memory_space<hbm>> -> memref<10000x128xf32, #tpu.memory_space<hbm>>
      tpu.wait_indirect_dma semaphore(%arg20 : memref<!tpu.dma_semaphore, #tpu.memory_space<semaphore_mem>>) src(%dma_wait3A_103 : memref<10000x128xf32, #tpu.memory_space<hbm>>) dst(%arg14 : memref<56x128xf32, #tpu.memory_space<vmem>>)
      %dma_start3A_104 = arith.constant 1 : i32
      %dma_start3A_105 = arith.constant 0 : i32
      %dma_start3A_106 = tpu.memref_slice %arg10[%dma_start3A_104, %dma_start3A_105] : memref<8x56xi32, #tpu.memory_space<vmem>> -> memref<1x56xi32, #tpu.memory_space<vmem>>
      %dma_start3A_107 = tpu.memref_squeeze %dma_start3A_106 : memref<1x56xi32, #tpu.memory_space<vmem>> -> memref<56xi32, #tpu.memory_space<vmem>>
      %dma_start3A_108 = arith.constant 0 : i32
      %dma_start3A_109 = arith.constant 0 : i32
      %dma_start3A_110 = tpu.memref_slice %arg2[%dma_start3A_108, %dma_start3A_109] : memref<10008x128xf32, #tpu.memory_space<hbm>> -> memref<10008x128xf32, #tpu.memory_space<hbm>>
      tpu.enqueue_indirect_dma source(%dma_start3A_110 : memref<10008x128xf32, #tpu.memory_space<hbm>>) target(%arg14 : memref<56x128xf32, #tpu.memory_space<vmem>>) offsets(%dma_start3A_107 : memref<56xi32, #tpu.memory_space<vmem>>) semaphore(%arg20 : memref<!tpu.dma_semaphore, #tpu.memory_space<semaphore_mem>>) {add = true}
      %dma_wait3A_111 = arith.constant 1 : i32
      %dma_wait3A_112 = arith.constant 0 : i32
      %dma_wait3A_113 = tpu.memref_slice %arg11[%dma_wait3A_111, %dma_wait3A_112] : memref<8x56xi32, #tpu.memory_space<vmem>> -> memref<1x56xi32, #tpu.memory_space<vmem>>
      %dma_wait3A_114 = tpu.memref_squeeze %dma_wait3A_113 : memref<1x56xi32, #tpu.memory_space<vmem>> -> memref<56xi32, #tpu.memory_space<vmem>>
      %dma_wait3A_115 = arith.constant 0 : i32
      %dma_wait3A_116 = arith.constant 0 : i32
      %dma_wait3A_117 = tpu.memref_slice %arg3[%dma_wait3A_115, %dma_wait3A_116] : memref<10000x128xf32, #tpu.memory_space<hbm>> -> memref<10000x128xf32, #tpu.memory_space<hbm>>
      tpu.wait_indirect_dma semaphore(%arg23 : memref<!tpu.dma_semaphore, #tpu.memory_space<semaphore_mem>>) src(%dma_wait3A_117 : memref<10000x128xf32, #tpu.memory_space<hbm>>) dst(%arg17 : memref<56x128xf32, #tpu.memory_space<vmem>>)
      %dma_start3A_118 = arith.constant 1 : i32
      %dma_start3A_119 = arith.constant 0 : i32
      %dma_start3A_120 = tpu.memref_slice %arg12[%dma_start3A_118, %dma_start3A_119] : memref<8x56xi32, #tpu.memory_space<vmem>> -> memref<1x56xi32, #tpu.memory_space<vmem>>
      %dma_start3A_121 = tpu.memref_squeeze %dma_start3A_120 : memref<1x56xi32, #tpu.memory_space<vmem>> -> memref<56xi32, #tpu.memory_space<vmem>>
      %dma_start3A_122 = arith.constant 0 : i32
      %dma_start3A_123 = arith.constant 0 : i32
      %dma_start3A_124 = tpu.memref_slice %arg2[%dma_start3A_122, %dma_start3A_123] : memref<10008x128xf32, #tpu.memory_space<hbm>> -> memref<10008x128xf32, #tpu.memory_space<hbm>>
      tpu.enqueue_indirect_dma source(%dma_start3A_124 : memref<10008x128xf32, #tpu.memory_space<hbm>>) target(%arg17 : memref<56x128xf32, #tpu.memory_space<vmem>>) offsets(%dma_start3A_121 : memref<56xi32, #tpu.memory_space<vmem>>) semaphore(%arg23 : memref<!tpu.dma_semaphore, #tpu.memory_space<semaphore_mem>>) {add = true}
      %dma_wait3A_125 = arith.constant 0 : i32
      %dma_wait3A_126 = arith.constant 0 : i32
      %dma_wait3A_127 = tpu.memref_slice %arg10[%dma_wait3A_125, %dma_wait3A_126] : memref<8x56xi32, #tpu.memory_space<vmem>> -> memref<1x56xi32, #tpu.memory_space<vmem>>
      %dma_wait3A_128 = tpu.memref_squeeze %dma_wait3A_127 : memref<1x56xi32, #tpu.memory_space<vmem>> -> memref<56xi32, #tpu.memory_space<vmem>>
      %dma_wait3A_129 = arith.constant 0 : i32
      %dma_wait3A_130 = arith.constant 0 : i32
      %dma_wait3A_131 = tpu.memref_slice %arg2[%dma_wait3A_129, %dma_wait3A_130] : memref<10008x128xf32, #tpu.memory_space<hbm>> -> memref<10008x128xf32, #tpu.memory_space<hbm>>
      tpu.wait_indirect_dma semaphore(%arg19 : memref<!tpu.dma_semaphore, #tpu.memory_space<semaphore_mem>>) src(%dma_wait3A_131 : memref<10008x128xf32, #tpu.memory_space<hbm>>) dst(%arg13 : memref<56x128xf32, #tpu.memory_space<vmem>>)
      %dma_start3A_132 = arith.constant 0 : i32
      %dma_start3A_133 = arith.constant 0 : i32
      %dma_start3A_134 = tpu.memref_slice %arg12[%dma_start3A_132, %dma_start3A_133] : memref<8x56xi32, #tpu.memory_space<vmem>> -> memref<1x56xi32, #tpu.memory_space<vmem>>
      %dma_start3A_135 = tpu.memref_squeeze %dma_start3A_134 : memref<1x56xi32, #tpu.memory_space<vmem>> -> memref<56xi32, #tpu.memory_space<vmem>>
      %dma_start3A_136 = arith.constant 0 : i32
      %dma_start3A_137 = arith.constant 0 : i32
      %dma_start3A_138 = tpu.memref_slice %arg9[%dma_start3A_136, %dma_start3A_137] : memref<10112x128xf32, #tpu.memory_space<vmem_shared>> -> memref<10112x128xf32, #tpu.memory_space<vmem_shared>>
      tpu.enqueue_indirect_dma source(%arg13 : memref<56x128xf32, #tpu.memory_space<vmem>>) target(%dma_start3A_138 : memref<10112x128xf32, #tpu.memory_space<vmem_shared>>) offsets(%dma_start3A_135 : memref<56xi32, #tpu.memory_space<vmem>>) semaphore(%arg25 : memref<!tpu.dma_semaphore, #tpu.memory_space<semaphore_mem>>) {add = true}
      %dma_wait3A_139 = arith.constant 0 : i32
      %dma_wait3A_140 = arith.constant 0 : i32
      %dma_wait3A_141 = tpu.memref_slice %arg12[%dma_wait3A_139, %dma_wait3A_140] : memref<8x56xi32, #tpu.memory_space<vmem>> -> memref<1x56xi32, #tpu.memory_space<vmem>>
      %dma_wait3A_142 = tpu.memref_squeeze %dma_wait3A_141 : memref<1x56xi32, #tpu.memory_space<vmem>> -> memref<56xi32, #tpu.memory_space<vmem>>
      %dma_wait3A_143 = arith.constant 0 : i32
      %dma_wait3A_144 = arith.constant 0 : i32
      %dma_wait3A_145 = tpu.memref_slice %arg2[%dma_wait3A_143, %dma_wait3A_144] : memref<10008x128xf32, #tpu.memory_space<hbm>> -> memref<10008x128xf32, #tpu.memory_space<hbm>>
      tpu.wait_indirect_dma semaphore(%arg22 : memref<!tpu.dma_semaphore, #tpu.memory_space<semaphore_mem>>) src(%dma_wait3A_145 : memref<10008x128xf32, #tpu.memory_space<hbm>>) dst(%arg16 : memref<56x128xf32, #tpu.memory_space<vmem>>)
      %dma_start3A_146 = arith.constant 0 : i32
      %dma_start3A_147 = arith.constant 0 : i32
      %dma_start3A_148 = tpu.memref_slice %arg10[%dma_start3A_146, %dma_start3A_147] : memref<8x56xi32, #tpu.memory_space<vmem>> -> memref<1x56xi32, #tpu.memory_space<vmem>>
      %dma_start3A_149 = tpu.memref_squeeze %dma_start3A_148 : memref<1x56xi32, #tpu.memory_space<vmem>> -> memref<56xi32, #tpu.memory_space<vmem>>
      %dma_start3A_150 = arith.constant 0 : i32
      %dma_start3A_151 = arith.constant 0 : i32
      %dma_start3A_152 = tpu.memref_slice %arg9[%dma_start3A_150, %dma_start3A_151] : memref<10112x128xf32, #tpu.memory_space<vmem_shared>> -> memref<10112x128xf32, #tpu.memory_space<vmem_shared>>
      tpu.enqueue_indirect_dma source(%arg16 : memref<56x128xf32, #tpu.memory_space<vmem>>) target(%dma_start3A_152 : memref<10112x128xf32, #tpu.memory_space<vmem_shared>>) offsets(%dma_start3A_149 : memref<56xi32, #tpu.memory_space<vmem>>) semaphore(%arg28 : memref<!tpu.dma_semaphore, #tpu.memory_space<semaphore_mem>>) {add = true}
      %dma_wait3A_153 = arith.constant 0 : i32
      %dma_wait3A_154 = arith.constant 0 : i32
      %dma_wait3A_155 = tpu.memref_slice %arg12[%dma_wait3A_153, %dma_wait3A_154] : memref<8x56xi32, #tpu.memory_space<vmem>> -> memref<1x56xi32, #tpu.memory_space<vmem>>
      %dma_wait3A_156 = tpu.memref_squeeze %dma_wait3A_155 : memref<1x56xi32, #tpu.memory_space<vmem>> -> memref<56xi32, #tpu.memory_space<vmem>>
      %dma_wait3A_157 = arith.constant 0 : i32
      %dma_wait3A_158 = arith.constant 0 : i32
      %dma_wait3A_159 = tpu.memref_slice %arg9[%dma_wait3A_157, %dma_wait3A_158] : memref<10112x128xf32, #tpu.memory_space<vmem_shared>> -> memref<10112x128xf32, #tpu.memory_space<vmem_shared>>
      tpu.wait_indirect_dma semaphore(%arg25 : memref<!tpu.dma_semaphore, #tpu.memory_space<semaphore_mem>>) src(%arg13 : memref<56x128xf32, #tpu.memory_space<vmem>>) dst(%dma_wait3A_159 : memref<10112x128xf32, #tpu.memory_space<vmem_shared>>)
      %dma_start3A_160 = arith.constant 3 : i32
      %dma_start3A_161 = arith.constant 0 : i32
      %dma_start3A_162 = tpu.memref_slice %arg11[%dma_start3A_160, %dma_start3A_161] : memref<8x56xi32, #tpu.memory_space<vmem>> -> memref<1x56xi32, #tpu.memory_space<vmem>>
      %dma_start3A_163 = tpu.memref_squeeze %dma_start3A_162 : memref<1x56xi32, #tpu.memory_space<vmem>> -> memref<56xi32, #tpu.memory_space<vmem>>
      %dma_start3A_164 = arith.constant 0 : i32
      %dma_start3A_165 = arith.constant 0 : i32
      %dma_start3A_166 = tpu.memref_slice %arg3[%dma_start3A_164, %dma_start3A_165] : memref<10000x128xf32, #tpu.memory_space<hbm>> -> memref<10000x128xf32, #tpu.memory_space<hbm>>
      tpu.enqueue_indirect_dma source(%dma_start3A_166 : memref<10000x128xf32, #tpu.memory_space<hbm>>) target(%arg13 : memref<56x128xf32, #tpu.memory_space<vmem>>) offsets(%dma_start3A_163 : memref<56xi32, #tpu.memory_space<vmem>>) semaphore(%arg19 : memref<!tpu.dma_semaphore, #tpu.memory_space<semaphore_mem>>)
      %dma_wait3A_167 = arith.constant 0 : i32
      %dma_wait3A_168 = arith.constant 0 : i32
      %dma_wait3A_169 = tpu.memref_slice %arg10[%dma_wait3A_167, %dma_wait3A_168] : memref<8x56xi32, #tpu.memory_space<vmem>> -> memref<1x56xi32, #tpu.memory_space<vmem>>
      %dma_wait3A_170 = tpu.memref_squeeze %dma_wait3A_169 : memref<1x56xi32, #tpu.memory_space<vmem>> -> memref<56xi32, #tpu.memory_space<vmem>>
      %dma_wait3A_171 = arith.constant 0 : i32
      %dma_wait3A_172 = arith.constant 0 : i32
      %dma_wait3A_173 = tpu.memref_slice %arg9[%dma_wait3A_171, %dma_wait3A_172] : memref<10112x128xf32, #tpu.memory_space<vmem_shared>> -> memref<10112x128xf32, #tpu.memory_space<vmem_shared>>
      tpu.wait_indirect_dma semaphore(%arg28 : memref<!tpu.dma_semaphore, #tpu.memory_space<semaphore_mem>>) src(%arg16 : memref<56x128xf32, #tpu.memory_space<vmem>>) dst(%dma_wait3A_173 : memref<10112x128xf32, #tpu.memory_space<vmem_shared>>)
      %dma_start3A_174 = arith.constant 3 : i32
      %dma_start3A_175 = arith.constant 0 : i32
      %dma_start3A_176 = tpu.memref_slice %arg11[%dma_start3A_174, %dma_start3A_175] : memref<8x56xi32, #tpu.memory_space<vmem>> -> memref<1x56xi32, #tpu.memory_space<vmem>>
      %dma_start3A_177 = tpu.memref_squeeze %dma_start3A_176 : memref<1x56xi32, #tpu.memory_space<vmem>> -> memref<56xi32, #tpu.memory_space<vmem>>
      %dma_start3A_178 = arith.constant 0 : i32
      %dma_start3A_179 = arith.constant 0 : i32
      %dma_start3A_180 = tpu.memref_slice %arg3[%dma_start3A_178, %dma_start3A_179] : memref<10000x128xf32, #tpu.memory_space<hbm>> -> memref<10000x128xf32, #tpu.memory_space<hbm>>
      tpu.enqueue_indirect_dma source(%dma_start3A_180 : memref<10000x128xf32, #tpu.memory_space<hbm>>) target(%arg16 : memref<56x128xf32, #tpu.memory_space<vmem>>) offsets(%dma_start3A_177 : memref<56xi32, #tpu.memory_space<vmem>>) semaphore(%arg22 : memref<!tpu.dma_semaphore, #tpu.memory_space<semaphore_mem>>)
      %dma_wait3A_181 = arith.constant 2 : i32
      %dma_wait3A_182 = arith.constant 0 : i32
      %dma_wait3A_183 = tpu.memref_slice %arg11[%dma_wait3A_181, %dma_wait3A_182] : memref<8x56xi32, #tpu.memory_space<vmem>> -> memref<1x56xi32, #tpu.memory_space<vmem>>
      %dma_wait3A_184 = tpu.memref_squeeze %dma_wait3A_183 : memref<1x56xi32, #tpu.memory_space<vmem>> -> memref<56xi32, #tpu.memory_space<vmem>>
      %dma_wait3A_185 = arith.constant 0 : i32
      %dma_wait3A_186 = arith.constant 0 : i32
      %dma_wait3A_187 = tpu.memref_slice %arg3[%dma_wait3A_185, %dma_wait3A_186] : memref<10000x128xf32, #tpu.memory_space<hbm>> -> memref<10000x128xf32, #tpu.memory_space<hbm>>
      tpu.wait_indirect_dma semaphore(%arg21 : memref<!tpu.dma_semaphore, #tpu.memory_space<semaphore_mem>>) src(%dma_wait3A_187 : memref<10000x128xf32, #tpu.memory_space<hbm>>) dst(%arg15 : memref<56x128xf32, #tpu.memory_space<vmem>>)
      %dma_start3A_188 = arith.constant 2 : i32
      %dma_start3A_189 = arith.constant 0 : i32
      %dma_start3A_190 = tpu.memref_slice %arg10[%dma_start3A_188, %dma_start3A_189] : memref<8x56xi32, #tpu.memory_space<vmem>> -> memref<1x56xi32, #tpu.memory_space<vmem>>
      %dma_start3A_191 = tpu.memref_squeeze %dma_start3A_190 : memref<1x56xi32, #tpu.memory_space<vmem>> -> memref<56xi32, #tpu.memory_space<vmem>>
      %dma_start3A_192 = arith.constant 0 : i32
      %dma_start3A_193 = arith.constant 0 : i32
      %dma_start3A_194 = tpu.memref_slice %arg2[%dma_start3A_192, %dma_start3A_193] : memref<10008x128xf32, #tpu.memory_space<hbm>> -> memref<10008x128xf32, #tpu.memory_space<hbm>>
      tpu.enqueue_indirect_dma source(%dma_start3A_194 : memref<10008x128xf32, #tpu.memory_space<hbm>>) target(%arg15 : memref<56x128xf32, #tpu.memory_space<vmem>>) offsets(%dma_start3A_191 : memref<56xi32, #tpu.memory_space<vmem>>) semaphore(%arg21 : memref<!tpu.dma_semaphore, #tpu.memory_space<semaphore_mem>>) {add = true}
      %dma_wait3A_195 = arith.constant 2 : i32
      %dma_wait3A_196 = arith.constant 0 : i32
      %dma_wait3A_197 = tpu.memref_slice %arg11[%dma_wait3A_195, %dma_wait3A_196] : memref<8x56xi32, #tpu.memory_space<vmem>> -> memref<1x56xi32, #tpu.memory_space<vmem>>
      %dma_wait3A_198 = tpu.memref_squeeze %dma_wait3A_197 : memref<1x56xi32, #tpu.memory_space<vmem>> -> memref<56xi32, #tpu.memory_space<vmem>>
      %dma_wait3A_199 = arith.constant 0 : i32
      %dma_wait3A_200 = arith.constant 0 : i32
      %dma_wait3A_201 = tpu.memref_slice %arg3[%dma_wait3A_199, %dma_wait3A_200] : memref<10000x128xf32, #tpu.memory_space<hbm>> -> memref<10000x128xf32, #tpu.memory_space<hbm>>
      tpu.wait_indirect_dma semaphore(%arg24 : memref<!tpu.dma_semaphore, #tpu.memory_space<semaphore_mem>>) src(%dma_wait3A_201 : memref<10000x128xf32, #tpu.memory_space<hbm>>) dst(%arg18 : memref<56x128xf32, #tpu.memory_space<vmem>>)
      %dma_start3A_202 = arith.constant 2 : i32
      %dma_start3A_203 = arith.constant 0 : i32
      %dma_start3A_204 = tpu.memref_slice %arg12[%dma_start3A_202, %dma_start3A_203] : memref<8x56xi32, #tpu.memory_space<vmem>> -> memref<1x56xi32, #tpu.memory_space<vmem>>
      %dma_start3A_205 = tpu.memref_squeeze %dma_start3A_204 : memref<1x56xi32, #tpu.memory_space<vmem>> -> memref<56xi32, #tpu.memory_space<vmem>>
      %dma_start3A_206 = arith.constant 0 : i32
      %dma_start3A_207 = arith.constant 0 : i32
      %dma_start3A_208 = tpu.memref_slice %arg2[%dma_start3A_206, %dma_start3A_207] : memref<10008x128xf32, #tpu.memory_space<hbm>> -> memref<10008x128xf32, #tpu.memory_space<hbm>>
      tpu.enqueue_indirect_dma source(%dma_start3A_208 : memref<10008x128xf32, #tpu.memory_space<hbm>>) target(%arg18 : memref<56x128xf32, #tpu.memory_space<vmem>>) offsets(%dma_start3A_205 : memref<56xi32, #tpu.memory_space<vmem>>) semaphore(%arg24 : memref<!tpu.dma_semaphore, #tpu.memory_space<semaphore_mem>>) {add = true}
      %dma_wait3A_209 = arith.constant 1 : i32
      %dma_wait3A_210 = arith.constant 0 : i32
      %dma_wait3A_211 = tpu.memref_slice %arg10[%dma_wait3A_209, %dma_wait3A_210] : memref<8x56xi32, #tpu.memory_space<vmem>> -> memref<1x56xi32, #tpu.memory_space<vmem>>
      %dma_wait3A_212 = tpu.memref_squeeze %dma_wait3A_211 : memref<1x56xi32, #tpu.memory_space<vmem>> -> memref<56xi32, #tpu.memory_space<vmem>>
      %dma_wait3A_213 = arith.constant 0 : i32
      %dma_wait3A_214 = arith.constant 0 : i32
      %dma_wait3A_215 = tpu.memref_slice %arg2[%dma_wait3A_213, %dma_wait3A_214] : memref<10008x128xf32, #tpu.memory_space<hbm>> -> memref<10008x128xf32, #tpu.memory_space<hbm>>
      tpu.wait_indirect_dma semaphore(%arg20 : memref<!tpu.dma_semaphore, #tpu.memory_space<semaphore_mem>>) src(%dma_wait3A_215 : memref<10008x128xf32, #tpu.memory_space<hbm>>) dst(%arg14 : memref<56x128xf32, #tpu.memory_space<vmem>>)
      %dma_start3A_216 = arith.constant 1 : i32
      %dma_start3A_217 = arith.constant 0 : i32
      %dma_start3A_218 = tpu.memref_slice %arg12[%dma_start3A_216, %dma_start3A_217] : memref<8x56xi32, #tpu.memory_space<vmem>> -> memref<1x56xi32, #tpu.memory_space<vmem>>
      %dma_start3A_219 = tpu.memref_squeeze %dma_start3A_218 : memref<1x56xi32, #tpu.memory_space<vmem>> -> memref<56xi32, #tpu.memory_space<vmem>>
      %dma_start3A_220 = arith.constant 0 : i32
      %dma_start3A_221 = arith.constant 0 : i32
      %dma_start3A_222 = tpu.memref_slice %arg9[%dma_start3A_220, %dma_start3A_221] : memref<10112x128xf32, #tpu.memory_space<vmem_shared>> -> memref<10112x128xf32, #tpu.memory_space<vmem_shared>>
      tpu.enqueue_indirect_dma source(%arg14 : memref<56x128xf32, #tpu.memory_space<vmem>>) target(%dma_start3A_222 : memref<10112x128xf32, #tpu.memory_space<vmem_shared>>) offsets(%dma_start3A_219 : memref<56xi32, #tpu.memory_space<vmem>>) semaphore(%arg26 : memref<!tpu.dma_semaphore, #tpu.memory_space<semaphore_mem>>) {add = true}
      %dma_wait3A_223 = arith.constant 1 : i32
      %dma_wait3A_224 = arith.constant 0 : i32
      %dma_wait3A_225 = tpu.memref_slice %arg12[%dma_wait3A_223, %dma_wait3A_224] : memref<8x56xi32, #tpu.memory_space<vmem>> -> memref<1x56xi32, #tpu.memory_space<vmem>>
      %dma_wait3A_226 = tpu.memref_squeeze %dma_wait3A_225 : memref<1x56xi32, #tpu.memory_space<vmem>> -> memref<56xi32, #tpu.memory_space<vmem>>
      %dma_wait3A_227 = arith.constant 0 : i32
      %dma_wait3A_228 = arith.constant 0 : i32
      %dma_wait3A_229 = tpu.memref_slice %arg2[%dma_wait3A_227, %dma_wait3A_228] : memref<10008x128xf32, #tpu.memory_space<hbm>> -> memref<10008x128xf32, #tpu.memory_space<hbm>>
      tpu.wait_indirect_dma semaphore(%arg23 : memref<!tpu.dma_semaphore, #tpu.memory_space<semaphore_mem>>) src(%dma_wait3A_229 : memref<10008x128xf32, #tpu.memory_space<hbm>>) dst(%arg17 : memref<56x128xf32, #tpu.memory_space<vmem>>)
      %dma_start3A_230 = arith.constant 1 : i32
      %dma_start3A_231 = arith.constant 0 : i32
      %dma_start3A_232 = tpu.memref_slice %arg10[%dma_start3A_230, %dma_start3A_231] : memref<8x56xi32, #tpu.memory_space<vmem>> -> memref<1x56xi32, #tpu.memory_space<vmem>>
      %dma_start3A_233 = tpu.memref_squeeze %dma_start3A_232 : memref<1x56xi32, #tpu.memory_space<vmem>> -> memref<56xi32, #tpu.memory_space<vmem>>
      %dma_start3A_234 = arith.constant 0 : i32
      %dma_start3A_235 = arith.constant 0 : i32
      %dma_start3A_236 = tpu.memref_slice %arg9[%dma_start3A_234, %dma_start3A_235] : memref<10112x128xf32, #tpu.memory_space<vmem_shared>> -> memref<10112x128xf32, #tpu.memory_space<vmem_shared>>
      tpu.enqueue_indirect_dma source(%arg17 : memref<56x128xf32, #tpu.memory_space<vmem>>) target(%dma_start3A_236 : memref<10112x128xf32, #tpu.memory_space<vmem_shared>>) offsets(%dma_start3A_233 : memref<56xi32, #tpu.memory_space<vmem>>) semaphore(%arg29 : memref<!tpu.dma_semaphore, #tpu.memory_space<semaphore_mem>>) {add = true}
      %dma_wait3A_237 = arith.constant 1 : i32
      %dma_wait3A_238 = arith.constant 0 : i32
      %dma_wait3A_239 = tpu.memref_slice %arg12[%dma_wait3A_237, %dma_wait3A_238] : memref<8x56xi32, #tpu.memory_space<vmem>> -> memref<1x56xi32, #tpu.memory_space<vmem>>
      %dma_wait3A_240 = tpu.memref_squeeze %dma_wait3A_239 : memref<1x56xi32, #tpu.memory_space<vmem>> -> memref<56xi32, #tpu.memory_space<vmem>>
      %dma_wait3A_241 = arith.constant 0 : i32
      %dma_wait3A_242 = arith.constant 0 : i32
      %dma_wait3A_243 = tpu.memref_slice %arg9[%dma_wait3A_241, %dma_wait3A_242] : memref<10112x128xf32, #tpu.memory_space<vmem_shared>> -> memref<10112x128xf32, #tpu.memory_space<vmem_shared>>
      tpu.wait_indirect_dma semaphore(%arg26 : memref<!tpu.dma_semaphore, #tpu.memory_space<semaphore_mem>>) src(%arg14 : memref<56x128xf32, #tpu.memory_space<vmem>>) dst(%dma_wait3A_243 : memref<10112x128xf32, #tpu.memory_space<vmem_shared>>)
      %dma_start3A_244 = arith.constant 4 : i32
      %dma_start3A_245 = arith.constant 0 : i32
      %dma_start3A_246 = tpu.memref_slice %arg11[%dma_start3A_244, %dma_start3A_245] : memref<8x56xi32, #tpu.memory_space<vmem>> -> memref<1x56xi32, #tpu.memory_space<vmem>>
      %dma_start3A_247 = tpu.memref_squeeze %dma_start3A_246 : memref<1x56xi32, #tpu.memory_space<vmem>> -> memref<56xi32, #tpu.memory_space<vmem>>
      %dma_start3A_248 = arith.constant 0 : i32
      %dma_start3A_249 = arith.constant 0 : i32
      %dma_start3A_250 = tpu.memref_slice %arg3[%dma_start3A_248, %dma_start3A_249] : memref<10000x128xf32, #tpu.memory_space<hbm>> -> memref<10000x128xf32, #tpu.memory_space<hbm>>
      tpu.enqueue_indirect_dma source(%dma_start3A_250 : memref<10000x128xf32, #tpu.memory_space<hbm>>) target(%arg14 : memref<56x128xf32, #tpu.memory_space<vmem>>) offsets(%dma_start3A_247 : memref<56xi32, #tpu.memory_space<vmem>>) semaphore(%arg20 : memref<!tpu.dma_semaphore, #tpu.memory_space<semaphore_mem>>)
      %dma_wait3A_251 = arith.constant 1 : i32
      %dma_wait3A_252 = arith.constant 0 : i32
      %dma_wait3A_253 = tpu.memref_slice %arg10[%dma_wait3A_251, %dma_wait3A_252] : memref<8x56xi32, #tpu.memory_space<vmem>> -> memref<1x56xi32, #tpu.memory_space<vmem>>
      %dma_wait3A_254 = tpu.memref_squeeze %dma_wait3A_253 : memref<1x56xi32, #tpu.memory_space<vmem>> -> memref<56xi32, #tpu.memory_space<vmem>>
      %dma_wait3A_255 = arith.constant 0 : i32
      %dma_wait3A_256 = arith.constant 0 : i32
      %dma_wait3A_257 = tpu.memref_slice %arg9[%dma_wait3A_255, %dma_wait3A_256] : memref<10112x128xf32, #tpu.memory_space<vmem_shared>> -> memref<10112x128xf32, #tpu.memory_space<vmem_shared>>
      tpu.wait_indirect_dma semaphore(%arg29 : memref<!tpu.dma_semaphore, #tpu.memory_space<semaphore_mem>>) src(%arg17 : memref<56x128xf32, #tpu.memory_space<vmem>>) dst(%dma_wait3A_257 : memref<10112x128xf32, #tpu.memory_space<vmem_shared>>)
      %dma_start3A_258 = arith.constant 4 : i32
      %dma_start3A_259 = arith.constant 0 : i32
      %dma_start3A_260 = tpu.memref_slice %arg11[%dma_start3A_258, %dma_start3A_259] : memref<8x56xi32, #tpu.memory_space<vmem>> -> memref<1x56xi32, #tpu.memory_space<vmem>>
      %dma_start3A_261 = tpu.memref_squeeze %dma_start3A_260 : memref<1x56xi32, #tpu.memory_space<vmem>> -> memref<56xi32, #tpu.memory_space<vmem>>
      %dma_start3A_262 = arith.constant 0 : i32
      %dma_start3A_263 = arith.constant 0 : i32
      %dma_start3A_264 = tpu.memref_slice %arg3[%dma_start3A_262, %dma_start3A_263] : memref<10000x128xf32, #tpu.memory_space<hbm>> -> memref<10000x128xf32, #tpu.memory_space<hbm>>
      tpu.enqueue_indirect_dma source(%dma_start3A_264 : memref<10000x128xf32, #tpu.memory_space<hbm>>) target(%arg17 : memref<56x128xf32, #tpu.memory_space<vmem>>) offsets(%dma_start3A_261 : memref<56xi32, #tpu.memory_space<vmem>>) semaphore(%arg23 : memref<!tpu.dma_semaphore, #tpu.memory_space<semaphore_mem>>)
      %dma_wait3A_265 = arith.constant 3 : i32
      %dma_wait3A_266 = arith.constant 0 : i32
      %dma_wait3A_267 = tpu.memref_slice %arg11[%dma_wait3A_265, %dma_wait3A_266] : memref<8x56xi32, #tpu.memory_space<vmem>> -> memref<1x56xi32, #tpu.memory_space<vmem>>
      %dma_wait3A_268 = tpu.memref_squeeze %dma_wait3A_267 : memref<1x56xi32, #tpu.memory_space<vmem>> -> memref<56xi32, #tpu.memory_space<vmem>>
      %dma_wait3A_269 = arith.constant 0 : i32
      %dma_wait3A_270 = arith.constant 0 : i32
      %dma_wait3A_271 = tpu.memref_slice %arg3[%dma_wait3A_269, %dma_wait3A_270] : memref<10000x128xf32, #tpu.memory_space<hbm>> -> memref<10000x128xf32, #tpu.memory_space<hbm>>
      tpu.wait_indirect_dma semaphore(%arg19 : memref<!tpu.dma_semaphore, #tpu.memory_space<semaphore_mem>>) src(%dma_wait3A_271 : memref<10000x128xf32, #tpu.memory_space<hbm>>) dst(%arg13 : memref<56x128xf32, #tpu.memory_space<vmem>>)
      %dma_start3A_272 = arith.constant 3 : i32
      %dma_start3A_273 = arith.constant 0 : i32
      %dma_start3A_274 = tpu.memref_slice %arg10[%dma_start3A_272, %dma_start3A_273] : memref<8x56xi32, #tpu.memory_space<vmem>> -> memref<1x56xi32, #tpu.memory_space<vmem>>
      %dma_start3A_275 = tpu.memref_squeeze %dma_start3A_274 : memref<1x56xi32, #tpu.memory_space<vmem>> -> memref<56xi32, #tpu.memory_space<vmem>>
      %dma_start3A_276 = arith.constant 0 : i32
      %dma_start3A_277 = arith.constant 0 : i32
      %dma_start3A_278 = tpu.memref_slice %arg2[%dma_start3A_276, %dma_start3A_277] : memref<10008x128xf32, #tpu.memory_space<hbm>> -> memref<10008x128xf32, #tpu.memory_space<hbm>>
      tpu.enqueue_indirect_dma source(%dma_start3A_278 : memref<10008x128xf32, #tpu.memory_space<hbm>>) target(%arg13 : memref<56x128xf32, #tpu.memory_space<vmem>>) offsets(%dma_start3A_275 : memref<56xi32, #tpu.memory_space<vmem>>) semaphore(%arg19 : memref<!tpu.dma_semaphore, #tpu.memory_space<semaphore_mem>>) {add = true}
      %dma_wait3A_279 = arith.constant 3 : i32
      %dma_wait3A_280 = arith.constant 0 : i32
      %dma_wait3A_281 = tpu.memref_slice %arg11[%dma_wait3A_279, %dma_wait3A_280] : memref<8x56xi32, #tpu.memory_space<vmem>> -> memref<1x56xi32, #tpu.memory_space<vmem>>
      %dma_wait3A_282 = tpu.memref_squeeze %dma_wait3A_281 : memref<1x56xi32, #tpu.memory_space<vmem>> -> memref<56xi32, #tpu.memory_space<vmem>>
      %dma_wait3A_283 = arith.constant 0 : i32
      %dma_wait3A_284 = arith.constant 0 : i32
      %dma_wait3A_285 = tpu.memref_slice %arg3[%dma_wait3A_283, %dma_wait3A_284] : memref<10000x128xf32, #tpu.memory_space<hbm>> -> memref<10000x128xf32, #tpu.memory_space<hbm>>
      tpu.wait_indirect_dma semaphore(%arg22 : memref<!tpu.dma_semaphore, #tpu.memory_space<semaphore_mem>>) src(%dma_wait3A_285 : memref<10000x128xf32, #tpu.memory_space<hbm>>) dst(%arg16 : memref<56x128xf32, #tpu.memory_space<vmem>>)
      %dma_start3A_286 = arith.constant 3 : i32
      %dma_start3A_287 = arith.constant 0 : i32
      %dma_start3A_288 = tpu.memref_slice %arg12[%dma_start3A_286, %dma_start3A_287] : memref<8x56xi32, #tpu.memory_space<vmem>> -> memref<1x56xi32, #tpu.memory_space<vmem>>
      %dma_start3A_289 = tpu.memref_squeeze %dma_start3A_288 : memref<1x56xi32, #tpu.memory_space<vmem>> -> memref<56xi32, #tpu.memory_space<vmem>>
      %dma_start3A_290 = arith.constant 0 : i32
      %dma_start3A_291 = arith.constant 0 : i32
      %dma_start3A_292 = tpu.memref_slice %arg2[%dma_start3A_290, %dma_start3A_291] : memref<10008x128xf32, #tpu.memory_space<hbm>> -> memref<10008x128xf32, #tpu.memory_space<hbm>>
      tpu.enqueue_indirect_dma source(%dma_start3A_292 : memref<10008x128xf32, #tpu.memory_space<hbm>>) target(%arg16 : memref<56x128xf32, #tpu.memory_space<vmem>>) offsets(%dma_start3A_289 : memref<56xi32, #tpu.memory_space<vmem>>) semaphore(%arg22 : memref<!tpu.dma_semaphore, #tpu.memory_space<semaphore_mem>>) {add = true}
      %dma_wait3A_293 = arith.constant 2 : i32
      %dma_wait3A_294 = arith.constant 0 : i32
      %dma_wait3A_295 = tpu.memref_slice %arg10[%dma_wait3A_293, %dma_wait3A_294] : memref<8x56xi32, #tpu.memory_space<vmem>> -> memref<1x56xi32, #tpu.memory_space<vmem>>
      %dma_wait3A_296 = tpu.memref_squeeze %dma_wait3A_295 : memref<1x56xi32, #tpu.memory_space<vmem>> -> memref<56xi32, #tpu.memory_space<vmem>>
      %dma_wait3A_297 = arith.constant 0 : i32
      %dma_wait3A_298 = arith.constant 0 : i32
      %dma_wait3A_299 = tpu.memref_slice %arg2[%dma_wait3A_297, %dma_wait3A_298] : memref<10008x128xf32, #tpu.memory_space<hbm>> -> memref<10008x128xf32, #tpu.memory_space<hbm>>
      tpu.wait_indirect_dma semaphore(%arg21 : memref<!tpu.dma_semaphore, #tpu.memory_space<semaphore_mem>>) src(%dma_wait3A_299 : memref<10008x128xf32, #tpu.memory_space<hbm>>) dst(%arg15 : memref<56x128xf32, #tpu.memory_space<vmem>>)
      %dma_start3A_300 = arith.constant 2 : i32
      %dma_start3A_301 = arith.constant 0 : i32
      %dma_start3A_302 = tpu.memref_slice %arg12[%dma_start3A_300, %dma_start3A_301] : memref<8x56xi32, #tpu.memory_space<vmem>> -> memref<1x56xi32, #tpu.memory_space<vmem>>
      %dma_start3A_303 = tpu.memref_squeeze %dma_start3A_302 : memref<1x56xi32, #tpu.memory_space<vmem>> -> memref<56xi32, #tpu.memory_space<vmem>>
      %dma_start3A_304 = arith.constant 0 : i32
      %dma_start3A_305 = arith.constant 0 : i32
      %dma_start3A_306 = tpu.memref_slice %arg9[%dma_start3A_304, %dma_start3A_305] : memref<10112x128xf32, #tpu.memory_space<vmem_shared>> -> memref<10112x128xf32, #tpu.memory_space<vmem_shared>>
      tpu.enqueue_indirect_dma source(%arg15 : memref<56x128xf32, #tpu.memory_space<vmem>>) target(%dma_start3A_306 : memref<10112x128xf32, #tpu.memory_space<vmem_shared>>) offsets(%dma_start3A_303 : memref<56xi32, #tpu.memory_space<vmem>>) semaphore(%arg27 : memref<!tpu.dma_semaphore, #tpu.memory_space<semaphore_mem>>) {add = true}
      %dma_wait3A_307 = arith.constant 2 : i32
      %dma_wait3A_308 = arith.constant 0 : i32
      %dma_wait3A_309 = tpu.memref_slice %arg12[%dma_wait3A_307, %dma_wait3A_308] : memref<8x56xi32, #tpu.memory_space<vmem>> -> memref<1x56xi32, #tpu.memory_space<vmem>>
      %dma_wait3A_310 = tpu.memref_squeeze %dma_wait3A_309 : memref<1x56xi32, #tpu.memory_space<vmem>> -> memref<56xi32, #tpu.memory_space<vmem>>
      %dma_wait3A_311 = arith.constant 0 : i32
      %dma_wait3A_312 = arith.constant 0 : i32
      %dma_wait3A_313 = tpu.memref_slice %arg2[%dma_wait3A_311, %dma_wait3A_312] : memref<10008x128xf32, #tpu.memory_space<hbm>> -> memref<10008x128xf32, #tpu.memory_space<hbm>>
      tpu.wait_indirect_dma semaphore(%arg24 : memref<!tpu.dma_semaphore, #tpu.memory_space<semaphore_mem>>) src(%dma_wait3A_313 : memref<10008x128xf32, #tpu.memory_space<hbm>>) dst(%arg18 : memref<56x128xf32, #tpu.memory_space<vmem>>)
      %dma_start3A_314 = arith.constant 2 : i32
      %dma_start3A_315 = arith.constant 0 : i32
      %dma_start3A_316 = tpu.memref_slice %arg10[%dma_start3A_314, %dma_start3A_315] : memref<8x56xi32, #tpu.memory_space<vmem>> -> memref<1x56xi32, #tpu.memory_space<vmem>>
      %dma_start3A_317 = tpu.memref_squeeze %dma_start3A_316 : memref<1x56xi32, #tpu.memory_space<vmem>> -> memref<56xi32, #tpu.memory_space<vmem>>
      %dma_start3A_318 = arith.constant 0 : i32
      %dma_start3A_319 = arith.constant 0 : i32
      %dma_start3A_320 = tpu.memref_slice %arg9[%dma_start3A_318, %dma_start3A_319] : memref<10112x128xf32, #tpu.memory_space<vmem_shared>> -> memref<10112x128xf32, #tpu.memory_space<vmem_shared>>
      tpu.enqueue_indirect_dma source(%arg18 : memref<56x128xf32, #tpu.memory_space<vmem>>) target(%dma_start3A_320 : memref<10112x128xf32, #tpu.memory_space<vmem_shared>>) offsets(%dma_start3A_317 : memref<56xi32, #tpu.memory_space<vmem>>) semaphore(%arg30 : memref<!tpu.dma_semaphore, #tpu.memory_space<semaphore_mem>>) {add = true}
      %dma_wait3A_321 = arith.constant 2 : i32
      %dma_wait3A_322 = arith.constant 0 : i32
      %dma_wait3A_323 = tpu.memref_slice %arg12[%dma_wait3A_321, %dma_wait3A_322] : memref<8x56xi32, #tpu.memory_space<vmem>> -> memref<1x56xi32, #tpu.memory_space<vmem>>
      %dma_wait3A_324 = tpu.memref_squeeze %dma_wait3A_323 : memref<1x56xi32, #tpu.memory_space<vmem>> -> memref<56xi32, #tpu.memory_space<vmem>>
      %dma_wait3A_325 = arith.constant 0 : i32
      %dma_wait3A_326 = arith.constant 0 : i32
      %dma_wait3A_327 = tpu.memref_slice %arg9[%dma_wait3A_325, %dma_wait3A_326] : memref<10112x128xf32, #tpu.memory_space<vmem_shared>> -> memref<10112x128xf32, #tpu.memory_space<vmem_shared>>
      tpu.wait_indirect_dma semaphore(%arg27 : memref<!tpu.dma_semaphore, #tpu.memory_space<semaphore_mem>>) src(%arg15 : memref<56x128xf32, #tpu.memory_space<vmem>>) dst(%dma_wait3A_327 : memref<10112x128xf32, #tpu.memory_space<vmem_shared>>)
      %dma_start3A_328 = arith.constant 5 : i32
      %dma_start3A_329 = arith.constant 0 : i32
      %dma_start3A_330 = tpu.memref_slice %arg11[%dma_start3A_328, %dma_start3A_329] : memref<8x56xi32, #tpu.memory_space<vmem>> -> memref<1x56xi32, #tpu.memory_space<vmem>>
      %dma_start3A_331 = tpu.memref_squeeze %dma_start3A_330 : memref<1x56xi32, #tpu.memory_space<vmem>> -> memref<56xi32, #tpu.memory_space<vmem>>
      %dma_start3A_332 = arith.constant 0 : i32
      %dma_start3A_333 = arith.constant 0 : i32
      %dma_start3A_334 = tpu.memref_slice %arg3[%dma_start3A_332, %dma_start3A_333] : memref<10000x128xf32, #tpu.memory_space<hbm>> -> memref<10000x128xf32, #tpu.memory_space<hbm>>
      tpu.enqueue_indirect_dma source(%dma_start3A_334 : memref<10000x128xf32, #tpu.memory_space<hbm>>) target(%arg15 : memref<56x128xf32, #tpu.memory_space<vmem>>) offsets(%dma_start3A_331 : memref<56xi32, #tpu.memory_space<vmem>>) semaphore(%arg21 : memref<!tpu.dma_semaphore, #tpu.memory_space<semaphore_mem>>)
      %dma_wait3A_335 = arith.constant 2 : i32
      %dma_wait3A_336 = arith.constant 0 : i32
      %dma_wait3A_337 = tpu.memref_slice %arg10[%dma_wait3A_335, %dma_wait3A_336] : memref<8x56xi32, #tpu.memory_space<vmem>> -> memref<1x56xi32, #tpu.memory_space<vmem>>
      %dma_wait3A_338 = tpu.memref_squeeze %dma_wait3A_337 : memref<1x56xi32, #tpu.memory_space<vmem>> -> memref<56xi32, #tpu.memory_space<vmem>>
      %dma_wait3A_339 = arith.constant 0 : i32
      %dma_wait3A_340 = arith.constant 0 : i32
      %dma_wait3A_341 = tpu.memref_slice %arg9[%dma_wait3A_339, %dma_wait3A_340] : memref<10112x128xf32, #tpu.memory_space<vmem_shared>> -> memref<10112x128xf32, #tpu.memory_space<vmem_shared>>
      tpu.wait_indirect_dma semaphore(%arg30 : memref<!tpu.dma_semaphore, #tpu.memory_space<semaphore_mem>>) src(%arg18 : memref<56x128xf32, #tpu.memory_space<vmem>>) dst(%dma_wait3A_341 : memref<10112x128xf32, #tpu.memory_space<vmem_shared>>)
      %dma_start3A_342 = arith.constant 5 : i32
      %dma_start3A_343 = arith.constant 0 : i32
      %dma_start3A_344 = tpu.memref_slice %arg11[%dma_start3A_342, %dma_start3A_343] : memref<8x56xi32, #tpu.memory_space<vmem>> -> memref<1x56xi32, #tpu.memory_space<vmem>>
      %dma_start3A_345 = tpu.memref_squeeze %dma_start3A_344 : memref<1x56xi32, #tpu.memory_space<vmem>> -> memref<56xi32, #tpu.memory_space<vmem>>
      %dma_start3A_346 = arith.constant 0 : i32
      %dma_start3A_347 = arith.constant 0 : i32
      %dma_start3A_348 = tpu.memref_slice %arg3[%dma_start3A_346, %dma_start3A_347] : memref<10000x128xf32, #tpu.memory_space<hbm>> -> memref<10000x128xf32, #tpu.memory_space<hbm>>
      tpu.enqueue_indirect_dma source(%dma_start3A_348 : memref<10000x128xf32, #tpu.memory_space<hbm>>) target(%arg18 : memref<56x128xf32, #tpu.memory_space<vmem>>) offsets(%dma_start3A_345 : memref<56xi32, #tpu.memory_space<vmem>>) semaphore(%arg24 : memref<!tpu.dma_semaphore, #tpu.memory_space<semaphore_mem>>)
      %dma_wait3A_349 = arith.constant 4 : i32
      %dma_wait3A_350 = arith.constant 0 : i32
      %dma_wait3A_351 = tpu.memref_slice %arg11[%dma_wait3A_349, %dma_wait3A_350] : memref<8x56xi32, #tpu.memory_space<vmem>> -> memref<1x56xi32, #tpu.memory_space<vmem>>
      %dma_wait3A_352 = tpu.memref_squeeze %dma_wait3A_351 : memref<1x56xi32, #tpu.memory_space<vmem>> -> memref<56xi32, #tpu.memory_space<vmem>>
      %dma_wait3A_353 = arith.constant 0 : i32
      %dma_wait3A_354 = arith.constant 0 : i32
      %dma_wait3A_355 = tpu.memref_slice %arg3[%dma_wait3A_353, %dma_wait3A_354] : memref<10000x128xf32, #tpu.memory_space<hbm>> -> memref<10000x128xf32, #tpu.memory_space<hbm>>
      tpu.wait_indirect_dma semaphore(%arg20 : memref<!tpu.dma_semaphore, #tpu.memory_space<semaphore_mem>>) src(%dma_wait3A_355 : memref<10000x128xf32, #tpu.memory_space<hbm>>) dst(%arg14 : memref<56x128xf32, #tpu.memory_space<vmem>>)
      %dma_start3A_356 = arith.constant 4 : i32
      %dma_start3A_357 = arith.constant 0 : i32
      %dma_start3A_358 = tpu.memref_slice %arg10[%dma_start3A_356, %dma_start3A_357] : memref<8x56xi32, #tpu.memory_space<vmem>> -> memref<1x56xi32, #tpu.memory_space<vmem>>
      %dma_start3A_359 = tpu.memref_squeeze %dma_start3A_358 : memref<1x56xi32, #tpu.memory_space<vmem>> -> memref<56xi32, #tpu.memory_space<vmem>>
      %dma_start3A_360 = arith.constant 0 : i32
      %dma_start3A_361 = arith.constant 0 : i32
      %dma_start3A_362 = tpu.memref_slice %arg2[%dma_start3A_360, %dma_start3A_361] : memref<10008x128xf32, #tpu.memory_space<hbm>> -> memref<10008x128xf32, #tpu.memory_space<hbm>>
      tpu.enqueue_indirect_dma source(%dma_start3A_362 : memref<10008x128xf32, #tpu.memory_space<hbm>>) target(%arg14 : memref<56x128xf32, #tpu.memory_space<vmem>>) offsets(%dma_start3A_359 : memref<56xi32, #tpu.memory_space<vmem>>) semaphore(%arg20 : memref<!tpu.dma_semaphore, #tpu.memory_space<semaphore_mem>>) {add = true}
      %dma_wait3A_363 = arith.constant 4 : i32
      %dma_wait3A_364 = arith.constant 0 : i32
      %dma_wait3A_365 = tpu.memref_slice %arg11[%dma_wait3A_363, %dma_wait3A_364] : memref<8x56xi32, #tpu.memory_space<vmem>> -> memref<1x56xi32, #tpu.memory_space<vmem>>
      %dma_wait3A_366 = tpu.memref_squeeze %dma_wait3A_365 : memref<1x56xi32, #tpu.memory_space<vmem>> -> memref<56xi32, #tpu.memory_space<vmem>>
      %dma_wait3A_367 = arith.constant 0 : i32
      %dma_wait3A_368 = arith.constant 0 : i32
      %dma_wait3A_369 = tpu.memref_slice %arg3[%dma_wait3A_367, %dma_wait3A_368] : memref<10000x128xf32, #tpu.memory_space<hbm>> -> memref<10000x128xf32, #tpu.memory_space<hbm>>
      tpu.wait_indirect_dma semaphore(%arg23 : memref<!tpu.dma_semaphore, #tpu.memory_space<semaphore_mem>>) src(%dma_wait3A_369 : memref<10000x128xf32, #tpu.memory_space<hbm>>) dst(%arg17 : memref<56x128xf32, #tpu.memory_space<vmem>>)
      %dma_start3A_370 = arith.constant 4 : i32
      %dma_start3A_371 = arith.constant 0 : i32
      %dma_start3A_372 = tpu.memref_slice %arg12[%dma_start3A_370, %dma_start3A_371] : memref<8x56xi32, #tpu.memory_space<vmem>> -> memref<1x56xi32, #tpu.memory_space<vmem>>
      %dma_start3A_373 = tpu.memref_squeeze %dma_start3A_372 : memref<1x56xi32, #tpu.memory_space<vmem>> -> memref<56xi32, #tpu.memory_space<vmem>>
      %dma_start3A_374 = arith.constant 0 : i32
      %dma_start3A_375 = arith.constant 0 : i32
      %dma_start3A_376 = tpu.memref_slice %arg2[%dma_start3A_374, %dma_start3A_375] : memref<10008x128xf32, #tpu.memory_space<hbm>> -> memref<10008x128xf32, #tpu.memory_space<hbm>>
      tpu.enqueue_indirect_dma source(%dma_start3A_376 : memref<10008x128xf32, #tpu.memory_space<hbm>>) target(%arg17 : memref<56x128xf32, #tpu.memory_space<vmem>>) offsets(%dma_start3A_373 : memref<56xi32, #tpu.memory_space<vmem>>) semaphore(%arg23 : memref<!tpu.dma_semaphore, #tpu.memory_space<semaphore_mem>>) {add = true}
      %dma_wait3A_377 = arith.constant 3 : i32
      %dma_wait3A_378 = arith.constant 0 : i32
      %dma_wait3A_379 = tpu.memref_slice %arg10[%dma_wait3A_377, %dma_wait3A_378] : memref<8x56xi32, #tpu.memory_space<vmem>> -> memref<1x56xi32, #tpu.memory_space<vmem>>
      %dma_wait3A_380 = tpu.memref_squeeze %dma_wait3A_379 : memref<1x56xi32, #tpu.memory_space<vmem>> -> memref<56xi32, #tpu.memory_space<vmem>>
      %dma_wait3A_381 = arith.constant 0 : i32
      %dma_wait3A_382 = arith.constant 0 : i32
      %dma_wait3A_383 = tpu.memref_slice %arg2[%dma_wait3A_381, %dma_wait3A_382] : memref<10008x128xf32, #tpu.memory_space<hbm>> -> memref<10008x128xf32, #tpu.memory_space<hbm>>
      tpu.wait_indirect_dma semaphore(%arg19 : memref<!tpu.dma_semaphore, #tpu.memory_space<semaphore_mem>>) src(%dma_wait3A_383 : memref<10008x128xf32, #tpu.memory_space<hbm>>) dst(%arg13 : memref<56x128xf32, #tpu.memory_space<vmem>>)
      %dma_start3A_384 = arith.constant 3 : i32
      %dma_start3A_385 = arith.constant 0 : i32
      %dma_start3A_386 = tpu.memref_slice %arg12[%dma_start3A_384, %dma_start3A_385] : memref<8x56xi32, #tpu.memory_space<vmem>> -> memref<1x56xi32, #tpu.memory_space<vmem>>
      %dma_start3A_387 = tpu.memref_squeeze %dma_start3A_386 : memref<1x56xi32, #tpu.memory_space<vmem>> -> memref<56xi32, #tpu.memory_space<vmem>>
      %dma_start3A_388 = arith.constant 0 : i32
      %dma_start3A_389 = arith.constant 0 : i32
      %dma_start3A_390 = tpu.memref_slice %arg9[%dma_start3A_388, %dma_start3A_389] : memref<10112x128xf32, #tpu.memory_space<vmem_shared>> -> memref<10112x128xf32, #tpu.memory_space<vmem_shared>>
      tpu.enqueue_indirect_dma source(%arg13 : memref<56x128xf32, #tpu.memory_space<vmem>>) target(%dma_start3A_390 : memref<10112x128xf32, #tpu.memory_space<vmem_shared>>) offsets(%dma_start3A_387 : memref<56xi32, #tpu.memory_space<vmem>>) semaphore(%arg25 : memref<!tpu.dma_semaphore, #tpu.memory_space<semaphore_mem>>) {add = true}
      %dma_wait3A_391 = arith.constant 3 : i32
      %dma_wait3A_392 = arith.constant 0 : i32
      %dma_wait3A_393 = tpu.memref_slice %arg12[%dma_wait3A_391, %dma_wait3A_392] : memref<8x56xi32, #tpu.memory_space<vmem>> -> memref<1x56xi32, #tpu.memory_space<vmem>>
      %dma_wait3A_394 = tpu.memref_squeeze %dma_wait3A_393 : memref<1x56xi32, #tpu.memory_space<vmem>> -> memref<56xi32, #tpu.memory_space<vmem>>
      %dma_wait3A_395 = arith.constant 0 : i32
      %dma_wait3A_396 = arith.constant 0 : i32
      %dma_wait3A_397 = tpu.memref_slice %arg2[%dma_wait3A_395, %dma_wait3A_396] : memref<10008x128xf32, #tpu.memory_space<hbm>> -> memref<10008x128xf32, #tpu.memory_space<hbm>>
      tpu.wait_indirect_dma semaphore(%arg22 : memref<!tpu.dma_semaphore, #tpu.memory_space<semaphore_mem>>) src(%dma_wait3A_397 : memref<10008x128xf32, #tpu.memory_space<hbm>>) dst(%arg16 : memref<56x128xf32, #tpu.memory_space<vmem>>)
      %dma_start3A_398 = arith.constant 3 : i32
      %dma_start3A_399 = arith.constant 0 : i32
      %dma_start3A_400 = tpu.memref_slice %arg10[%dma_start3A_398, %dma_start3A_399] : memref<8x56xi32, #tpu.memory_space<vmem>> -> memref<1x56xi32, #tpu.memory_space<vmem>>
      %dma_start3A_401 = tpu.memref_squeeze %dma_start3A_400 : memref<1x56xi32, #tpu.memory_space<vmem>> -> memref<56xi32, #tpu.memory_space<vmem>>
      %dma_start3A_402 = arith.constant 0 : i32
      %dma_start3A_403 = arith.constant 0 : i32
      %dma_start3A_404 = tpu.memref_slice %arg9[%dma_start3A_402, %dma_start3A_403] : memref<10112x128xf32, #tpu.memory_space<vmem_shared>> -> memref<10112x128xf32, #tpu.memory_space<vmem_shared>>
      tpu.enqueue_indirect_dma source(%arg16 : memref<56x128xf32, #tpu.memory_space<vmem>>) target(%dma_start3A_404 : memref<10112x128xf32, #tpu.memory_space<vmem_shared>>) offsets(%dma_start3A_401 : memref<56xi32, #tpu.memory_space<vmem>>) semaphore(%arg28 : memref<!tpu.dma_semaphore, #tpu.memory_space<semaphore_mem>>) {add = true}
      %dma_wait3A_405 = arith.constant 3 : i32
      %dma_wait3A_406 = arith.constant 0 : i32
      %dma_wait3A_407 = tpu.memref_slice %arg12[%dma_wait3A_405, %dma_wait3A_406] : memref<8x56xi32, #tpu.memory_space<vmem>> -> memref<1x56xi32, #tpu.memory_space<vmem>>
      %dma_wait3A_408 = tpu.memref_squeeze %dma_wait3A_407 : memref<1x56xi32, #tpu.memory_space<vmem>> -> memref<56xi32, #tpu.memory_space<vmem>>
      %dma_wait3A_409 = arith.constant 0 : i32
      %dma_wait3A_410 = arith.constant 0 : i32
      %dma_wait3A_411 = tpu.memref_slice %arg9[%dma_wait3A_409, %dma_wait3A_410] : memref<10112x128xf32, #tpu.memory_space<vmem_shared>> -> memref<10112x128xf32, #tpu.memory_space<vmem_shared>>
      tpu.wait_indirect_dma semaphore(%arg25 : memref<!tpu.dma_semaphore, #tpu.memory_space<semaphore_mem>>) src(%arg13 : memref<56x128xf32, #tpu.memory_space<vmem>>) dst(%dma_wait3A_411 : memref<10112x128xf32, #tpu.memory_space<vmem_shared>>)
      %dma_start3A_412 = arith.constant 6 : i32
      %dma_start3A_413 = arith.constant 0 : i32
      %dma_start3A_414 = tpu.memref_slice %arg11[%dma_start3A_412, %dma_start3A_413] : memref<8x56xi32, #tpu.memory_space<vmem>> -> memref<1x56xi32, #tpu.memory_space<vmem>>
      %dma_start3A_415 = tpu.memref_squeeze %dma_start3A_414 : memref<1x56xi32, #tpu.memory_space<vmem>> -> memref<56xi32, #tpu.memory_space<vmem>>
      %dma_start3A_416 = arith.constant 0 : i32
      %dma_start3A_417 = arith.constant 0 : i32
      %dma_start3A_418 = tpu.memref_slice %arg3[%dma_start3A_416, %dma_start3A_417] : memref<10000x128xf32, #tpu.memory_space<hbm>> -> memref<10000x128xf32, #tpu.memory_space<hbm>>
      tpu.enqueue_indirect_dma source(%dma_start3A_418 : memref<10000x128xf32, #tpu.memory_space<hbm>>) target(%arg13 : memref<56x128xf32, #tpu.memory_space<vmem>>) offsets(%dma_start3A_415 : memref<56xi32, #tpu.memory_space<vmem>>) semaphore(%arg19 : memref<!tpu.dma_semaphore, #tpu.memory_space<semaphore_mem>>)
      %dma_wait3A_419 = arith.constant 3 : i32
      %dma_wait3A_420 = arith.constant 0 : i32
      %dma_wait3A_421 = tpu.memref_slice %arg10[%dma_wait3A_419, %dma_wait3A_420] : memref<8x56xi32, #tpu.memory_space<vmem>> -> memref<1x56xi32, #tpu.memory_space<vmem>>
      %dma_wait3A_422 = tpu.memref_squeeze %dma_wait3A_421 : memref<1x56xi32, #tpu.memory_space<vmem>> -> memref<56xi32, #tpu.memory_space<vmem>>
      %dma_wait3A_423 = arith.constant 0 : i32
      %dma_wait3A_424 = arith.constant 0 : i32
      %dma_wait3A_425 = tpu.memref_slice %arg9[%dma_wait3A_423, %dma_wait3A_424] : memref<10112x128xf32, #tpu.memory_space<vmem_shared>> -> memref<10112x128xf32, #tpu.memory_space<vmem_shared>>
      tpu.wait_indirect_dma semaphore(%arg28 : memref<!tpu.dma_semaphore, #tpu.memory_space<semaphore_mem>>) src(%arg16 : memref<56x128xf32, #tpu.memory_space<vmem>>) dst(%dma_wait3A_425 : memref<10112x128xf32, #tpu.memory_space<vmem_shared>>)
      %dma_start3A_426 = arith.constant 6 : i32
      %dma_start3A_427 = arith.constant 0 : i32
      %dma_start3A_428 = tpu.memref_slice %arg11[%dma_start3A_426, %dma_start3A_427] : memref<8x56xi32, #tpu.memory_space<vmem>> -> memref<1x56xi32, #tpu.memory_space<vmem>>
      %dma_start3A_429 = tpu.memref_squeeze %dma_start3A_428 : memref<1x56xi32, #tpu.memory_space<vmem>> -> memref<56xi32, #tpu.memory_space<vmem>>
      %dma_start3A_430 = arith.constant 0 : i32
      %dma_start3A_431 = arith.constant 0 : i32
      %dma_start3A_432 = tpu.memref_slice %arg3[%dma_start3A_430, %dma_start3A_431] : memref<10000x128xf32, #tpu.memory_space<hbm>> -> memref<10000x128xf32, #tpu.memory_space<hbm>>
      tpu.enqueue_indirect_dma source(%dma_start3A_432 : memref<10000x128xf32, #tpu.memory_space<hbm>>) target(%arg16 : memref<56x128xf32, #tpu.memory_space<vmem>>) offsets(%dma_start3A_429 : memref<56xi32, #tpu.memory_space<vmem>>) semaphore(%arg22 : memref<!tpu.dma_semaphore, #tpu.memory_space<semaphore_mem>>)
      %dma_wait3A_433 = arith.constant 5 : i32
      %dma_wait3A_434 = arith.constant 0 : i32
      %dma_wait3A_435 = tpu.memref_slice %arg11[%dma_wait3A_433, %dma_wait3A_434] : memref<8x56xi32, #tpu.memory_space<vmem>> -> memref<1x56xi32, #tpu.memory_space<vmem>>
      %dma_wait3A_436 = tpu.memref_squeeze %dma_wait3A_435 : memref<1x56xi32, #tpu.memory_space<vmem>> -> memref<56xi32, #tpu.memory_space<vmem>>
      %dma_wait3A_437 = arith.constant 0 : i32
      %dma_wait3A_438 = arith.constant 0 : i32
      %dma_wait3A_439 = tpu.memref_slice %arg3[%dma_wait3A_437, %dma_wait3A_438] : memref<10000x128xf32, #tpu.memory_space<hbm>> -> memref<10000x128xf32, #tpu.memory_space<hbm>>
      tpu.wait_indirect_dma semaphore(%arg21 : memref<!tpu.dma_semaphore, #tpu.memory_space<semaphore_mem>>) src(%dma_wait3A_439 : memref<10000x128xf32, #tpu.memory_space<hbm>>) dst(%arg15 : memref<56x128xf32, #tpu.memory_space<vmem>>)
      %dma_start3A_440 = arith.constant 5 : i32
      %dma_start3A_441 = arith.constant 0 : i32
      %dma_start3A_442 = tpu.memref_slice %arg10[%dma_start3A_440, %dma_start3A_441] : memref<8x56xi32, #tpu.memory_space<vmem>> -> memref<1x56xi32, #tpu.memory_space<vmem>>
      %dma_start3A_443 = tpu.memref_squeeze %dma_start3A_442 : memref<1x56xi32, #tpu.memory_space<vmem>> -> memref<56xi32, #tpu.memory_space<vmem>>
      %dma_start3A_444 = arith.constant 0 : i32
      %dma_start3A_445 = arith.constant 0 : i32
      %dma_start3A_446 = tpu.memref_slice %arg2[%dma_start3A_444, %dma_start3A_445] : memref<10008x128xf32, #tpu.memory_space<hbm>> -> memref<10008x128xf32, #tpu.memory_space<hbm>>
      tpu.enqueue_indirect_dma source(%dma_start3A_446 : memref<10008x128xf32, #tpu.memory_space<hbm>>) target(%arg15 : memref<56x128xf32, #tpu.memory_space<vmem>>) offsets(%dma_start3A_443 : memref<56xi32, #tpu.memory_space<vmem>>) semaphore(%arg21 : memref<!tpu.dma_semaphore, #tpu.memory_space<semaphore_mem>>) {add = true}
      %dma_wait3A_447 = arith.constant 5 : i32
      %dma_wait3A_448 = arith.constant 0 : i32
      %dma_wait3A_449 = tpu.memref_slice %arg11[%dma_wait3A_447, %dma_wait3A_448] : memref<8x56xi32, #tpu.memory_space<vmem>> -> memref<1x56xi32, #tpu.memory_space<vmem>>
      %dma_wait3A_450 = tpu.memref_squeeze %dma_wait3A_449 : memref<1x56xi32, #tpu.memory_space<vmem>> -> memref<56xi32, #tpu.memory_space<vmem>>
      %dma_wait3A_451 = arith.constant 0 : i32
      %dma_wait3A_452 = arith.constant 0 : i32
      %dma_wait3A_453 = tpu.memref_slice %arg3[%dma_wait3A_451, %dma_wait3A_452] : memref<10000x128xf32, #tpu.memory_space<hbm>> -> memref<10000x128xf32, #tpu.memory_space<hbm>>
      tpu.wait_indirect_dma semaphore(%arg24 : memref<!tpu.dma_semaphore, #tpu.memory_space<semaphore_mem>>) src(%dma_wait3A_453 : memref<10000x128xf32, #tpu.memory_space<hbm>>) dst(%arg18 : memref<56x128xf32, #tpu.memory_space<vmem>>)
      %dma_start3A_454 = arith.constant 5 : i32
      %dma_start3A_455 = arith.constant 0 : i32
      %dma_start3A_456 = tpu.memref_slice %arg12[%dma_start3A_454, %dma_start3A_455] : memref<8x56xi32, #tpu.memory_space<vmem>> -> memref<1x56xi32, #tpu.memory_space<vmem>>
      %dma_start3A_457 = tpu.memref_squeeze %dma_start3A_456 : memref<1x56xi32, #tpu.memory_space<vmem>> -> memref<56xi32, #tpu.memory_space<vmem>>
      %dma_start3A_458 = arith.constant 0 : i32
      %dma_start3A_459 = arith.constant 0 : i32
      %dma_start3A_460 = tpu.memref_slice %arg2[%dma_start3A_458, %dma_start3A_459] : memref<10008x128xf32, #tpu.memory_space<hbm>> -> memref<10008x128xf32, #tpu.memory_space<hbm>>
      tpu.enqueue_indirect_dma source(%dma_start3A_460 : memref<10008x128xf32, #tpu.memory_space<hbm>>) target(%arg18 : memref<56x128xf32, #tpu.memory_space<vmem>>) offsets(%dma_start3A_457 : memref<56xi32, #tpu.memory_space<vmem>>) semaphore(%arg24 : memref<!tpu.dma_semaphore, #tpu.memory_space<semaphore_mem>>) {add = true}
      %dma_wait3A_461 = arith.constant 4 : i32
      %dma_wait3A_462 = arith.constant 0 : i32
      %dma_wait3A_463 = tpu.memref_slice %arg10[%dma_wait3A_461, %dma_wait3A_462] : memref<8x56xi32, #tpu.memory_space<vmem>> -> memref<1x56xi32, #tpu.memory_space<vmem>>
      %dma_wait3A_464 = tpu.memref_squeeze %dma_wait3A_463 : memref<1x56xi32, #tpu.memory_space<vmem>> -> memref<56xi32, #tpu.memory_space<vmem>>
      %dma_wait3A_465 = arith.constant 0 : i32
      %dma_wait3A_466 = arith.constant 0 : i32
      %dma_wait3A_467 = tpu.memref_slice %arg2[%dma_wait3A_465, %dma_wait3A_466] : memref<10008x128xf32, #tpu.memory_space<hbm>> -> memref<10008x128xf32, #tpu.memory_space<hbm>>
      tpu.wait_indirect_dma semaphore(%arg20 : memref<!tpu.dma_semaphore, #tpu.memory_space<semaphore_mem>>) src(%dma_wait3A_467 : memref<10008x128xf32, #tpu.memory_space<hbm>>) dst(%arg14 : memref<56x128xf32, #tpu.memory_space<vmem>>)
      %dma_start3A_468 = arith.constant 4 : i32
      %dma_start3A_469 = arith.constant 0 : i32
      %dma_start3A_470 = tpu.memref_slice %arg12[%dma_start3A_468, %dma_start3A_469] : memref<8x56xi32, #tpu.memory_space<vmem>> -> memref<1x56xi32, #tpu.memory_space<vmem>>
      %dma_start3A_471 = tpu.memref_squeeze %dma_start3A_470 : memref<1x56xi32, #tpu.memory_space<vmem>> -> memref<56xi32, #tpu.memory_space<vmem>>
      %dma_start3A_472 = arith.constant 0 : i32
      %dma_start3A_473 = arith.constant 0 : i32
      %dma_start3A_474 = tpu.memref_slice %arg9[%dma_start3A_472, %dma_start3A_473] : memref<10112x128xf32, #tpu.memory_space<vmem_shared>> -> memref<10112x128xf32, #tpu.memory_space<vmem_shared>>
      tpu.enqueue_indirect_dma source(%arg14 : memref<56x128xf32, #tpu.memory_space<vmem>>) target(%dma_start3A_474 : memref<10112x128xf32, #tpu.memory_space<vmem_shared>>) offsets(%dma_start3A_471 : memref<56xi32, #tpu.memory_space<vmem>>) semaphore(%arg26 : memref<!tpu.dma_semaphore, #tpu.memory_space<semaphore_mem>>) {add = true}
      %dma_wait3A_475 = arith.constant 4 : i32
      %dma_wait3A_476 = arith.constant 0 : i32
      %dma_wait3A_477 = tpu.memref_slice %arg12[%dma_wait3A_475, %dma_wait3A_476] : memref<8x56xi32, #tpu.memory_space<vmem>> -> memref<1x56xi32, #tpu.memory_space<vmem>>
      %dma_wait3A_478 = tpu.memref_squeeze %dma_wait3A_477 : memref<1x56xi32, #tpu.memory_space<vmem>> -> memref<56xi32, #tpu.memory_space<vmem>>
      %dma_wait3A_479 = arith.constant 0 : i32
      %dma_wait3A_480 = arith.constant 0 : i32
      %dma_wait3A_481 = tpu.memref_slice %arg2[%dma_wait3A_479, %dma_wait3A_480] : memref<10008x128xf32, #tpu.memory_space<hbm>> -> memref<10008x128xf32, #tpu.memory_space<hbm>>
      tpu.wait_indirect_dma semaphore(%arg23 : memref<!tpu.dma_semaphore, #tpu.memory_space<semaphore_mem>>) src(%dma_wait3A_481 : memref<10008x128xf32, #tpu.memory_space<hbm>>) dst(%arg17 : memref<56x128xf32, #tpu.memory_space<vmem>>)
      %dma_start3A_482 = arith.constant 4 : i32
      %dma_start3A_483 = arith.constant 0 : i32
      %dma_start3A_484 = tpu.memref_slice %arg10[%dma_start3A_482, %dma_start3A_483] : memref<8x56xi32, #tpu.memory_space<vmem>> -> memref<1x56xi32, #tpu.memory_space<vmem>>
      %dma_start3A_485 = tpu.memref_squeeze %dma_start3A_484 : memref<1x56xi32, #tpu.memory_space<vmem>> -> memref<56xi32, #tpu.memory_space<vmem>>
      %dma_start3A_486 = arith.constant 0 : i32
      %dma_start3A_487 = arith.constant 0 : i32
      %dma_start3A_488 = tpu.memref_slice %arg9[%dma_start3A_486, %dma_start3A_487] : memref<10112x128xf32, #tpu.memory_space<vmem_shared>> -> memref<10112x128xf32, #tpu.memory_space<vmem_shared>>
      tpu.enqueue_indirect_dma source(%arg17 : memref<56x128xf32, #tpu.memory_space<vmem>>) target(%dma_start3A_488 : memref<10112x128xf32, #tpu.memory_space<vmem_shared>>) offsets(%dma_start3A_485 : memref<56xi32, #tpu.memory_space<vmem>>) semaphore(%arg29 : memref<!tpu.dma_semaphore, #tpu.memory_space<semaphore_mem>>) {add = true}
      %dma_wait3A_489 = arith.constant 4 : i32
      %dma_wait3A_490 = arith.constant 0 : i32
      %dma_wait3A_491 = tpu.memref_slice %arg12[%dma_wait3A_489, %dma_wait3A_490] : memref<8x56xi32, #tpu.memory_space<vmem>> -> memref<1x56xi32, #tpu.memory_space<vmem>>
      %dma_wait3A_492 = tpu.memref_squeeze %dma_wait3A_491 : memref<1x56xi32, #tpu.memory_space<vmem>> -> memref<56xi32, #tpu.memory_space<vmem>>
      %dma_wait3A_493 = arith.constant 0 : i32
      %dma_wait3A_494 = arith.constant 0 : i32
      %dma_wait3A_495 = tpu.memref_slice %arg9[%dma_wait3A_493, %dma_wait3A_494] : memref<10112x128xf32, #tpu.memory_space<vmem_shared>> -> memref<10112x128xf32, #tpu.memory_space<vmem_shared>>
      tpu.wait_indirect_dma semaphore(%arg26 : memref<!tpu.dma_semaphore, #tpu.memory_space<semaphore_mem>>) src(%arg14 : memref<56x128xf32, #tpu.memory_space<vmem>>) dst(%dma_wait3A_495 : memref<10112x128xf32, #tpu.memory_space<vmem_shared>>)
      %dma_start3A_496 = arith.constant 7 : i32
      %dma_start3A_497 = arith.constant 0 : i32
      %dma_start3A_498 = tpu.memref_slice %arg11[%dma_start3A_496, %dma_start3A_497] : memref<8x56xi32, #tpu.memory_space<vmem>> -> memref<1x56xi32, #tpu.memory_space<vmem>>
      %dma_start3A_499 = tpu.memref_squeeze %dma_start3A_498 : memref<1x56xi32, #tpu.memory_space<vmem>> -> memref<56xi32, #tpu.memory_space<vmem>>
      %dma_start3A_500 = arith.constant 0 : i32
      %dma_start3A_501 = arith.constant 0 : i32
      %dma_start3A_502 = tpu.memref_slice %arg3[%dma_start3A_500, %dma_start3A_501] : memref<10000x128xf32, #tpu.memory_space<hbm>> -> memref<10000x128xf32, #tpu.memory_space<hbm>>
      tpu.enqueue_indirect_dma source(%dma_start3A_502 : memref<10000x128xf32, #tpu.memory_space<hbm>>) target(%arg14 : memref<56x128xf32, #tpu.memory_space<vmem>>) offsets(%dma_start3A_499 : memref<56xi32, #tpu.memory_space<vmem>>) semaphore(%arg20 : memref<!tpu.dma_semaphore, #tpu.memory_space<semaphore_mem>>)
      %dma_wait3A_503 = arith.constant 4 : i32
      %dma_wait3A_504 = arith.constant 0 : i32
      %dma_wait3A_505 = tpu.memref_slice %arg10[%dma_wait3A_503, %dma_wait3A_504] : memref<8x56xi32, #tpu.memory_space<vmem>> -> memref<1x56xi32, #tpu.memory_space<vmem>>
      %dma_wait3A_506 = tpu.memref_squeeze %dma_wait3A_505 : memref<1x56xi32, #tpu.memory_space<vmem>> -> memref<56xi32, #tpu.memory_space<vmem>>
      %dma_wait3A_507 = arith.constant 0 : i32
      %dma_wait3A_508 = arith.constant 0 : i32
      %dma_wait3A_509 = tpu.memref_slice %arg9[%dma_wait3A_507, %dma_wait3A_508] : memref<10112x128xf32, #tpu.memory_space<vmem_shared>> -> memref<10112x128xf32, #tpu.memory_space<vmem_shared>>
      tpu.wait_indirect_dma semaphore(%arg29 : memref<!tpu.dma_semaphore, #tpu.memory_space<semaphore_mem>>) src(%arg17 : memref<56x128xf32, #tpu.memory_space<vmem>>) dst(%dma_wait3A_509 : memref<10112x128xf32, #tpu.memory_space<vmem_shared>>)
      %dma_start3A_510 = arith.constant 7 : i32
      %dma_start3A_511 = arith.constant 0 : i32
      %dma_start3A_512 = tpu.memref_slice %arg11[%dma_start3A_510, %dma_start3A_511] : memref<8x56xi32, #tpu.memory_space<vmem>> -> memref<1x56xi32, #tpu.memory_space<vmem>>
      %dma_start3A_513 = tpu.memref_squeeze %dma_start3A_512 : memref<1x56xi32, #tpu.memory_space<vmem>> -> memref<56xi32, #tpu.memory_space<vmem>>
      %dma_start3A_514 = arith.constant 0 : i32
      %dma_start3A_515 = arith.constant 0 : i32
      %dma_start3A_516 = tpu.memref_slice %arg3[%dma_start3A_514, %dma_start3A_515] : memref<10000x128xf32, #tpu.memory_space<hbm>> -> memref<10000x128xf32, #tpu.memory_space<hbm>>
      tpu.enqueue_indirect_dma source(%dma_start3A_516 : memref<10000x128xf32, #tpu.memory_space<hbm>>) target(%arg17 : memref<56x128xf32, #tpu.memory_space<vmem>>) offsets(%dma_start3A_513 : memref<56xi32, #tpu.memory_space<vmem>>) semaphore(%arg23 : memref<!tpu.dma_semaphore, #tpu.memory_space<semaphore_mem>>)
      %dma_wait3A_517 = arith.constant 6 : i32
      %dma_wait3A_518 = arith.constant 0 : i32
      %dma_wait3A_519 = tpu.memref_slice %arg11[%dma_wait3A_517, %dma_wait3A_518] : memref<8x56xi32, #tpu.memory_space<vmem>> -> memref<1x56xi32, #tpu.memory_space<vmem>>
      %dma_wait3A_520 = tpu.memref_squeeze %dma_wait3A_519 : memref<1x56xi32, #tpu.memory_space<vmem>> -> memref<56xi32, #tpu.memory_space<vmem>>
      %dma_wait3A_521 = arith.constant 0 : i32
      %dma_wait3A_522 = arith.constant 0 : i32
      %dma_wait3A_523 = tpu.memref_slice %arg3[%dma_wait3A_521, %dma_wait3A_522] : memref<10000x128xf32, #tpu.memory_space<hbm>> -> memref<10000x128xf32, #tpu.memory_space<hbm>>
      tpu.wait_indirect_dma semaphore(%arg19 : memref<!tpu.dma_semaphore, #tpu.memory_space<semaphore_mem>>) src(%dma_wait3A_523 : memref<10000x128xf32, #tpu.memory_space<hbm>>) dst(%arg13 : memref<56x128xf32, #tpu.memory_space<vmem>>)
      %dma_start3A_524 = arith.constant 6 : i32
      %dma_start3A_525 = arith.constant 0 : i32
      %dma_start3A_526 = tpu.memref_slice %arg10[%dma_start3A_524, %dma_start3A_525] : memref<8x56xi32, #tpu.memory_space<vmem>> -> memref<1x56xi32, #tpu.memory_space<vmem>>
      %dma_start3A_527 = tpu.memref_squeeze %dma_start3A_526 : memref<1x56xi32, #tpu.memory_space<vmem>> -> memref<56xi32, #tpu.memory_space<vmem>>
      %dma_start3A_528 = arith.constant 0 : i32
      %dma_start3A_529 = arith.constant 0 : i32
      %dma_start3A_530 = tpu.memref_slice %arg2[%dma_start3A_528, %dma_start3A_529] : memref<10008x128xf32, #tpu.memory_space<hbm>> -> memref<10008x128xf32, #tpu.memory_space<hbm>>
      tpu.enqueue_indirect_dma source(%dma_start3A_530 : memref<10008x128xf32, #tpu.memory_space<hbm>>) target(%arg13 : memref<56x128xf32, #tpu.memory_space<vmem>>) offsets(%dma_start3A_527 : memref<56xi32, #tpu.memory_space<vmem>>) semaphore(%arg19 : memref<!tpu.dma_semaphore, #tpu.memory_space<semaphore_mem>>) {add = true}
      %dma_wait3A_531 = arith.constant 6 : i32
      %dma_wait3A_532 = arith.constant 0 : i32
      %dma_wait3A_533 = tpu.memref_slice %arg11[%dma_wait3A_531, %dma_wait3A_532] : memref<8x56xi32, #tpu.memory_space<vmem>> -> memref<1x56xi32, #tpu.memory_space<vmem>>
      %dma_wait3A_534 = tpu.memref_squeeze %dma_wait3A_533 : memref<1x56xi32, #tpu.memory_space<vmem>> -> memref<56xi32, #tpu.memory_space<vmem>>
      %dma_wait3A_535 = arith.constant 0 : i32
      %dma_wait3A_536 = arith.constant 0 : i32
      %dma_wait3A_537 = tpu.memref_slice %arg3[%dma_wait3A_535, %dma_wait3A_536] : memref<10000x128xf32, #tpu.memory_space<hbm>> -> memref<10000x128xf32, #tpu.memory_space<hbm>>
      tpu.wait_indirect_dma semaphore(%arg22 : memref<!tpu.dma_semaphore, #tpu.memory_space<semaphore_mem>>) src(%dma_wait3A_537 : memref<10000x128xf32, #tpu.memory_space<hbm>>) dst(%arg16 : memref<56x128xf32, #tpu.memory_space<vmem>>)
      %dma_start3A_538 = arith.constant 6 : i32
      %dma_start3A_539 = arith.constant 0 : i32
      %dma_start3A_540 = tpu.memref_slice %arg12[%dma_start3A_538, %dma_start3A_539] : memref<8x56xi32, #tpu.memory_space<vmem>> -> memref<1x56xi32, #tpu.memory_space<vmem>>
      %dma_start3A_541 = tpu.memref_squeeze %dma_start3A_540 : memref<1x56xi32, #tpu.memory_space<vmem>> -> memref<56xi32, #tpu.memory_space<vmem>>
      %dma_start3A_542 = arith.constant 0 : i32
      %dma_start3A_543 = arith.constant 0 : i32
      %dma_start3A_544 = tpu.memref_slice %arg2[%dma_start3A_542, %dma_start3A_543] : memref<10008x128xf32, #tpu.memory_space<hbm>> -> memref<10008x128xf32, #tpu.memory_space<hbm>>
      tpu.enqueue_indirect_dma source(%dma_start3A_544 : memref<10008x128xf32, #tpu.memory_space<hbm>>) target(%arg16 : memref<56x128xf32, #tpu.memory_space<vmem>>) offsets(%dma_start3A_541 : memref<56xi32, #tpu.memory_space<vmem>>) semaphore(%arg22 : memref<!tpu.dma_semaphore, #tpu.memory_space<semaphore_mem>>) {add = true}
      %dma_wait3A_545 = arith.constant 5 : i32
      %dma_wait3A_546 = arith.constant 0 : i32
      %dma_wait3A_547 = tpu.memref_slice %arg10[%dma_wait3A_545, %dma_wait3A_546] : memref<8x56xi32, #tpu.memory_space<vmem>> -> memref<1x56xi32, #tpu.memory_space<vmem>>
      %dma_wait3A_548 = tpu.memref_squeeze %dma_wait3A_547 : memref<1x56xi32, #tpu.memory_space<vmem>> -> memref<56xi32, #tpu.memory_space<vmem>>
      %dma_wait3A_549 = arith.constant 0 : i32
      %dma_wait3A_550 = arith.constant 0 : i32
      %dma_wait3A_551 = tpu.memref_slice %arg2[%dma_wait3A_549, %dma_wait3A_550] : memref<10008x128xf32, #tpu.memory_space<hbm>> -> memref<10008x128xf32, #tpu.memory_space<hbm>>
      tpu.wait_indirect_dma semaphore(%arg21 : memref<!tpu.dma_semaphore, #tpu.memory_space<semaphore_mem>>) src(%dma_wait3A_551 : memref<10008x128xf32, #tpu.memory_space<hbm>>) dst(%arg15 : memref<56x128xf32, #tpu.memory_space<vmem>>)
      %dma_start3A_552 = arith.constant 5 : i32
      %dma_start3A_553 = arith.constant 0 : i32
      %dma_start3A_554 = tpu.memref_slice %arg12[%dma_start3A_552, %dma_start3A_553] : memref<8x56xi32, #tpu.memory_space<vmem>> -> memref<1x56xi32, #tpu.memory_space<vmem>>
      %dma_start3A_555 = tpu.memref_squeeze %dma_start3A_554 : memref<1x56xi32, #tpu.memory_space<vmem>> -> memref<56xi32, #tpu.memory_space<vmem>>
      %dma_start3A_556 = arith.constant 0 : i32
      %dma_start3A_557 = arith.constant 0 : i32
      %dma_start3A_558 = tpu.memref_slice %arg9[%dma_start3A_556, %dma_start3A_557] : memref<10112x128xf32, #tpu.memory_space<vmem_shared>> -> memref<10112x128xf32, #tpu.memory_space<vmem_shared>>
      tpu.enqueue_indirect_dma source(%arg15 : memref<56x128xf32, #tpu.memory_space<vmem>>) target(%dma_start3A_558 : memref<10112x128xf32, #tpu.memory_space<vmem_shared>>) offsets(%dma_start3A_555 : memref<56xi32, #tpu.memory_space<vmem>>) semaphore(%arg27 : memref<!tpu.dma_semaphore, #tpu.memory_space<semaphore_mem>>) {add = true}
      %dma_wait3A_559 = arith.constant 5 : i32
      %dma_wait3A_560 = arith.constant 0 : i32
      %dma_wait3A_561 = tpu.memref_slice %arg12[%dma_wait3A_559, %dma_wait3A_560] : memref<8x56xi32, #tpu.memory_space<vmem>> -> memref<1x56xi32, #tpu.memory_space<vmem>>
      %dma_wait3A_562 = tpu.memref_squeeze %dma_wait3A_561 : memref<1x56xi32, #tpu.memory_space<vmem>> -> memref<56xi32, #tpu.memory_space<vmem>>
      %dma_wait3A_563 = arith.constant 0 : i32
      %dma_wait3A_564 = arith.constant 0 : i32
      %dma_wait3A_565 = tpu.memref_slice %arg2[%dma_wait3A_563, %dma_wait3A_564] : memref<10008x128xf32, #tpu.memory_space<hbm>> -> memref<10008x128xf32, #tpu.memory_space<hbm>>
      tpu.wait_indirect_dma semaphore(%arg24 : memref<!tpu.dma_semaphore, #tpu.memory_space<semaphore_mem>>) src(%dma_wait3A_565 : memref<10008x128xf32, #tpu.memory_space<hbm>>) dst(%arg18 : memref<56x128xf32, #tpu.memory_space<vmem>>)
      %dma_start3A_566 = arith.constant 5 : i32
      %dma_start3A_567 = arith.constant 0 : i32
      %dma_start3A_568 = tpu.memref_slice %arg10[%dma_start3A_566, %dma_start3A_567] : memref<8x56xi32, #tpu.memory_space<vmem>> -> memref<1x56xi32, #tpu.memory_space<vmem>>
      %dma_start3A_569 = tpu.memref_squeeze %dma_start3A_568 : memref<1x56xi32, #tpu.memory_space<vmem>> -> memref<56xi32, #tpu.memory_space<vmem>>
      %dma_start3A_570 = arith.constant 0 : i32
      %dma_start3A_571 = arith.constant 0 : i32
      %dma_start3A_572 = tpu.memref_slice %arg9[%dma_start3A_570, %dma_start3A_571] : memref<10112x128xf32, #tpu.memory_space<vmem_shared>> -> memref<10112x128xf32, #tpu.memory_space<vmem_shared>>
      tpu.enqueue_indirect_dma source(%arg18 : memref<56x128xf32, #tpu.memory_space<vmem>>) target(%dma_start3A_572 : memref<10112x128xf32, #tpu.memory_space<vmem_shared>>) offsets(%dma_start3A_569 : memref<56xi32, #tpu.memory_space<vmem>>) semaphore(%arg30 : memref<!tpu.dma_semaphore, #tpu.memory_space<semaphore_mem>>) {add = true}
      %dma_wait3A_573 = arith.constant 7 : i32
      %dma_wait3A_574 = arith.constant 0 : i32
      %dma_wait3A_575 = tpu.memref_slice %arg11[%dma_wait3A_573, %dma_wait3A_574] : memref<8x56xi32, #tpu.memory_space<vmem>> -> memref<1x56xi32, #tpu.memory_space<vmem>>
      %dma_wait3A_576 = tpu.memref_squeeze %dma_wait3A_575 : memref<1x56xi32, #tpu.memory_space<vmem>> -> memref<56xi32, #tpu.memory_space<vmem>>
      %dma_wait3A_577 = arith.constant 0 : i32
      %dma_wait3A_578 = arith.constant 0 : i32
      %dma_wait3A_579 = tpu.memref_slice %arg3[%dma_wait3A_577, %dma_wait3A_578] : memref<10000x128xf32, #tpu.memory_space<hbm>> -> memref<10000x128xf32, #tpu.memory_space<hbm>>
      tpu.wait_indirect_dma semaphore(%arg20 : memref<!tpu.dma_semaphore, #tpu.memory_space<semaphore_mem>>) src(%dma_wait3A_579 : memref<10000x128xf32, #tpu.memory_space<hbm>>) dst(%arg14 : memref<56x128xf32, #tpu.memory_space<vmem>>)
      %dma_start3A_580 = arith.constant 7 : i32
      %dma_start3A_581 = arith.constant 0 : i32
      %dma_start3A_582 = tpu.memref_slice %arg10[%dma_start3A_580, %dma_start3A_581] : memref<8x56xi32, #tpu.memory_space<vmem>> -> memref<1x56xi32, #tpu.memory_space<vmem>>
      %dma_start3A_583 = tpu.memref_squeeze %dma_start3A_582 : memref<1x56xi32, #tpu.memory_space<vmem>> -> memref<56xi32, #tpu.memory_space<vmem>>
      %dma_start3A_584 = arith.constant 0 : i32
      %dma_start3A_585 = arith.constant 0 : i32
      %dma_start3A_586 = tpu.memref_slice %arg2[%dma_start3A_584, %dma_start3A_585] : memref<10008x128xf32, #tpu.memory_space<hbm>> -> memref<10008x128xf32, #tpu.memory_space<hbm>>
      tpu.enqueue_indirect_dma source(%dma_start3A_586 : memref<10008x128xf32, #tpu.memory_space<hbm>>) target(%arg14 : memref<56x128xf32, #tpu.memory_space<vmem>>) offsets(%dma_start3A_583 : memref<56xi32, #tpu.memory_space<vmem>>) semaphore(%arg20 : memref<!tpu.dma_semaphore, #tpu.memory_space<semaphore_mem>>) {add = true}
      %dma_wait3A_587 = arith.constant 7 : i32
      %dma_wait3A_588 = arith.constant 0 : i32
      %dma_wait3A_589 = tpu.memref_slice %arg11[%dma_wait3A_587, %dma_wait3A_588] : memref<8x56xi32, #tpu.memory_space<vmem>> -> memref<1x56xi32, #tpu.memory_space<vmem>>
      %dma_wait3A_590 = tpu.memref_squeeze %dma_wait3A_589 : memref<1x56xi32, #tpu.memory_space<vmem>> -> memref<56xi32, #tpu.memory_space<vmem>>
      %dma_wait3A_591 = arith.constant 0 : i32
      %dma_wait3A_592 = arith.constant 0 : i32
      %dma_wait3A_593 = tpu.memref_slice %arg3[%dma_wait3A_591, %dma_wait3A_592] : memref<10000x128xf32, #tpu.memory_space<hbm>> -> memref<10000x128xf32, #tpu.memory_space<hbm>>
      tpu.wait_indirect_dma semaphore(%arg23 : memref<!tpu.dma_semaphore, #tpu.memory_space<semaphore_mem>>) src(%dma_wait3A_593 : memref<10000x128xf32, #tpu.memory_space<hbm>>) dst(%arg17 : memref<56x128xf32, #tpu.memory_space<vmem>>)
      %dma_start3A_594 = arith.constant 7 : i32
      %dma_start3A_595 = arith.constant 0 : i32
      %dma_start3A_596 = tpu.memref_slice %arg12[%dma_start3A_594, %dma_start3A_595] : memref<8x56xi32, #tpu.memory_space<vmem>> -> memref<1x56xi32, #tpu.memory_space<vmem>>
      %dma_start3A_597 = tpu.memref_squeeze %dma_start3A_596 : memref<1x56xi32, #tpu.memory_space<vmem>> -> memref<56xi32, #tpu.memory_space<vmem>>
      %dma_start3A_598 = arith.constant 0 : i32
      %dma_start3A_599 = arith.constant 0 : i32
      %dma_start3A_600 = tpu.memref_slice %arg2[%dma_start3A_598, %dma_start3A_599] : memref<10008x128xf32, #tpu.memory_space<hbm>> -> memref<10008x128xf32, #tpu.memory_space<hbm>>
      tpu.enqueue_indirect_dma source(%dma_start3A_600 : memref<10008x128xf32, #tpu.memory_space<hbm>>) target(%arg17 : memref<56x128xf32, #tpu.memory_space<vmem>>) offsets(%dma_start3A_597 : memref<56xi32, #tpu.memory_space<vmem>>) semaphore(%arg23 : memref<!tpu.dma_semaphore, #tpu.memory_space<semaphore_mem>>) {add = true}
      %dma_wait3A_601 = arith.constant 6 : i32
      %dma_wait3A_602 = arith.constant 0 : i32
      %dma_wait3A_603 = tpu.memref_slice %arg10[%dma_wait3A_601, %dma_wait3A_602] : memref<8x56xi32, #tpu.memory_space<vmem>> -> memref<1x56xi32, #tpu.memory_space<vmem>>
      %dma_wait3A_604 = tpu.memref_squeeze %dma_wait3A_603 : memref<1x56xi32, #tpu.memory_space<vmem>> -> memref<56xi32, #tpu.memory_space<vmem>>
      %dma_wait3A_605 = arith.constant 0 : i32
      %dma_wait3A_606 = arith.constant 0 : i32
      %dma_wait3A_607 = tpu.memref_slice %arg2[%dma_wait3A_605, %dma_wait3A_606] : memref<10008x128xf32, #tpu.memory_space<hbm>> -> memref<10008x128xf32, #tpu.memory_space<hbm>>
      tpu.wait_indirect_dma semaphore(%arg19 : memref<!tpu.dma_semaphore, #tpu.memory_space<semaphore_mem>>) src(%dma_wait3A_607 : memref<10008x128xf32, #tpu.memory_space<hbm>>) dst(%arg13 : memref<56x128xf32, #tpu.memory_space<vmem>>)
      %dma_start3A_608 = arith.constant 6 : i32
      %dma_start3A_609 = arith.constant 0 : i32
      %dma_start3A_610 = tpu.memref_slice %arg12[%dma_start3A_608, %dma_start3A_609] : memref<8x56xi32, #tpu.memory_space<vmem>> -> memref<1x56xi32, #tpu.memory_space<vmem>>
      %dma_start3A_611 = tpu.memref_squeeze %dma_start3A_610 : memref<1x56xi32, #tpu.memory_space<vmem>> -> memref<56xi32, #tpu.memory_space<vmem>>
      %dma_start3A_612 = arith.constant 0 : i32
      %dma_start3A_613 = arith.constant 0 : i32
      %dma_start3A_614 = tpu.memref_slice %arg9[%dma_start3A_612, %dma_start3A_613] : memref<10112x128xf32, #tpu.memory_space<vmem_shared>> -> memref<10112x128xf32, #tpu.memory_space<vmem_shared>>
      tpu.enqueue_indirect_dma source(%arg13 : memref<56x128xf32, #tpu.memory_space<vmem>>) target(%dma_start3A_614 : memref<10112x128xf32, #tpu.memory_space<vmem_shared>>) offsets(%dma_start3A_611 : memref<56xi32, #tpu.memory_space<vmem>>) semaphore(%arg25 : memref<!tpu.dma_semaphore, #tpu.memory_space<semaphore_mem>>) {add = true}
      %dma_wait3A_615 = arith.constant 6 : i32
      %dma_wait3A_616 = arith.constant 0 : i32
      %dma_wait3A_617 = tpu.memref_slice %arg12[%dma_wait3A_615, %dma_wait3A_616] : memref<8x56xi32, #tpu.memory_space<vmem>> -> memref<1x56xi32, #tpu.memory_space<vmem>>
      %dma_wait3A_618 = tpu.memref_squeeze %dma_wait3A_617 : memref<1x56xi32, #tpu.memory_space<vmem>> -> memref<56xi32, #tpu.memory_space<vmem>>
      %dma_wait3A_619 = arith.constant 0 : i32
      %dma_wait3A_620 = arith.constant 0 : i32
      %dma_wait3A_621 = tpu.memref_slice %arg2[%dma_wait3A_619, %dma_wait3A_620] : memref<10008x128xf32, #tpu.memory_space<hbm>> -> memref<10008x128xf32, #tpu.memory_space<hbm>>
      tpu.wait_indirect_dma semaphore(%arg22 : memref<!tpu.dma_semaphore, #tpu.memory_space<semaphore_mem>>) src(%dma_wait3A_621 : memref<10008x128xf32, #tpu.memory_space<hbm>>) dst(%arg16 : memref<56x128xf32, #tpu.memory_space<vmem>>)
      %dma_start3A_622 = arith.constant 6 : i32
      %dma_start3A_623 = arith.constant 0 : i32
      %dma_start3A_624 = tpu.memref_slice %arg10[%dma_start3A_622, %dma_start3A_623] : memref<8x56xi32, #tpu.memory_space<vmem>> -> memref<1x56xi32, #tpu.memory_space<vmem>>
      %dma_start3A_625 = tpu.memref_squeeze %dma_start3A_624 : memref<1x56xi32, #tpu.memory_space<vmem>> -> memref<56xi32, #tpu.memory_space<vmem>>
      %dma_start3A_626 = arith.constant 0 : i32
      %dma_start3A_627 = arith.constant 0 : i32
      %dma_start3A_628 = tpu.memref_slice %arg9[%dma_start3A_626, %dma_start3A_627] : memref<10112x128xf32, #tpu.memory_space<vmem_shared>> -> memref<10112x128xf32, #tpu.memory_space<vmem_shared>>
      tpu.enqueue_indirect_dma source(%arg16 : memref<56x128xf32, #tpu.memory_space<vmem>>) target(%dma_start3A_628 : memref<10112x128xf32, #tpu.memory_space<vmem_shared>>) offsets(%dma_start3A_625 : memref<56xi32, #tpu.memory_space<vmem>>) semaphore(%arg28 : memref<!tpu.dma_semaphore, #tpu.memory_space<semaphore_mem>>) {add = true}
      %dma_wait3A_629 = arith.constant 7 : i32
      %dma_wait3A_630 = arith.constant 0 : i32
      %dma_wait3A_631 = tpu.memref_slice %arg10[%dma_wait3A_629, %dma_wait3A_630] : memref<8x56xi32, #tpu.memory_space<vmem>> -> memref<1x56xi32, #tpu.memory_space<vmem>>
      %dma_wait3A_632 = tpu.memref_squeeze %dma_wait3A_631 : memref<1x56xi32, #tpu.memory_space<vmem>> -> memref<56xi32, #tpu.memory_space<vmem>>
      %dma_wait3A_633 = arith.constant 0 : i32
      %dma_wait3A_634 = arith.constant 0 : i32
      %dma_wait3A_635 = tpu.memref_slice %arg2[%dma_wait3A_633, %dma_wait3A_634] : memref<10008x128xf32, #tpu.memory_space<hbm>> -> memref<10008x128xf32, #tpu.memory_space<hbm>>
      tpu.wait_indirect_dma semaphore(%arg20 : memref<!tpu.dma_semaphore, #tpu.memory_space<semaphore_mem>>) src(%dma_wait3A_635 : memref<10008x128xf32, #tpu.memory_space<hbm>>) dst(%arg14 : memref<56x128xf32, #tpu.memory_space<vmem>>)
      %dma_start3A_636 = arith.constant 7 : i32
      %dma_start3A_637 = arith.constant 0 : i32
      %dma_start3A_638 = tpu.memref_slice %arg12[%dma_start3A_636, %dma_start3A_637] : memref<8x56xi32, #tpu.memory_space<vmem>> -> memref<1x56xi32, #tpu.memory_space<vmem>>
      %dma_start3A_639 = tpu.memref_squeeze %dma_start3A_638 : memref<1x56xi32, #tpu.memory_space<vmem>> -> memref<56xi32, #tpu.memory_space<vmem>>
      %dma_start3A_640 = arith.constant 0 : i32
      %dma_start3A_641 = arith.constant 0 : i32
      %dma_start3A_642 = tpu.memref_slice %arg9[%dma_start3A_640, %dma_start3A_641] : memref<10112x128xf32, #tpu.memory_space<vmem_shared>> -> memref<10112x128xf32, #tpu.memory_space<vmem_shared>>
      tpu.enqueue_indirect_dma source(%arg14 : memref<56x128xf32, #tpu.memory_space<vmem>>) target(%dma_start3A_642 : memref<10112x128xf32, #tpu.memory_space<vmem_shared>>) offsets(%dma_start3A_639 : memref<56xi32, #tpu.memory_space<vmem>>) semaphore(%arg26 : memref<!tpu.dma_semaphore, #tpu.memory_space<semaphore_mem>>) {add = true}
      %dma_wait3A_643 = arith.constant 7 : i32
      %dma_wait3A_644 = arith.constant 0 : i32
      %dma_wait3A_645 = tpu.memref_slice %arg12[%dma_wait3A_643, %dma_wait3A_644] : memref<8x56xi32, #tpu.memory_space<vmem>> -> memref<1x56xi32, #tpu.memory_space<vmem>>
      %dma_wait3A_646 = tpu.memref_squeeze %dma_wait3A_645 : memref<1x56xi32, #tpu.memory_space<vmem>> -> memref<56xi32, #tpu.memory_space<vmem>>
      %dma_wait3A_647 = arith.constant 0 : i32
      %dma_wait3A_648 = arith.constant 0 : i32
      %dma_wait3A_649 = tpu.memref_slice %arg2[%dma_wait3A_647, %dma_wait3A_648] : memref<10008x128xf32, #tpu.memory_space<hbm>> -> memref<10008x128xf32, #tpu.memory_space<hbm>>
      tpu.wait_indirect_dma semaphore(%arg23 : memref<!tpu.dma_semaphore, #tpu.memory_space<semaphore_mem>>) src(%dma_wait3A_649 : memref<10008x128xf32, #tpu.memory_space<hbm>>) dst(%arg17 : memref<56x128xf32, #tpu.memory_space<vmem>>)
      %dma_start3A_650 = arith.constant 7 : i32
      %dma_start3A_651 = arith.constant 0 : i32
      %dma_start3A_652 = tpu.memref_slice %arg10[%dma_start3A_650, %dma_start3A_651] : memref<8x56xi32, #tpu.memory_space<vmem>> -> memref<1x56xi32, #tpu.memory_space<vmem>>
      %dma_start3A_653 = tpu.memref_squeeze %dma_start3A_652 : memref<1x56xi32, #tpu.memory_space<vmem>> -> memref<56xi32, #tpu.memory_space<vmem>>
      %dma_start3A_654 = arith.constant 0 : i32
      %dma_start3A_655 = arith.constant 0 : i32
      %dma_start3A_656 = tpu.memref_slice %arg9[%dma_start3A_654, %dma_start3A_655] : memref<10112x128xf32, #tpu.memory_space<vmem_shared>> -> memref<10112x128xf32, #tpu.memory_space<vmem_shared>>
      tpu.enqueue_indirect_dma source(%arg17 : memref<56x128xf32, #tpu.memory_space<vmem>>) target(%dma_start3A_656 : memref<10112x128xf32, #tpu.memory_space<vmem_shared>>) offsets(%dma_start3A_653 : memref<56xi32, #tpu.memory_space<vmem>>) semaphore(%arg29 : memref<!tpu.dma_semaphore, #tpu.memory_space<semaphore_mem>>) {add = true}
      %dma_wait3A_657 = arith.constant 6 : i32
      %dma_wait3A_658 = arith.constant 0 : i32
      %dma_wait3A_659 = tpu.memref_slice %arg12[%dma_wait3A_657, %dma_wait3A_658] : memref<8x56xi32, #tpu.memory_space<vmem>> -> memref<1x56xi32, #tpu.memory_space<vmem>>
      %dma_wait3A_660 = tpu.memref_squeeze %dma_wait3A_659 : memref<1x56xi32, #tpu.memory_space<vmem>> -> memref<56xi32, #tpu.memory_space<vmem>>
      %dma_wait3A_661 = arith.constant 0 : i32
      %dma_wait3A_662 = arith.constant 0 : i32
      %dma_wait3A_663 = tpu.memref_slice %arg9[%dma_wait3A_661, %dma_wait3A_662] : memref<10112x128xf32, #tpu.memory_space<vmem_shared>> -> memref<10112x128xf32, #tpu.memory_space<vmem_shared>>
      tpu.wait_indirect_dma semaphore(%arg25 : memref<!tpu.dma_semaphore, #tpu.memory_space<semaphore_mem>>) src(%arg13 : memref<56x128xf32, #tpu.memory_space<vmem>>) dst(%dma_wait3A_663 : memref<10112x128xf32, #tpu.memory_space<vmem_shared>>)
      %dma_wait3A_664 = arith.constant 6 : i32
      %dma_wait3A_665 = arith.constant 0 : i32
      %dma_wait3A_666 = tpu.memref_slice %arg10[%dma_wait3A_664, %dma_wait3A_665] : memref<8x56xi32, #tpu.memory_space<vmem>> -> memref<1x56xi32, #tpu.memory_space<vmem>>
      %dma_wait3A_667 = tpu.memref_squeeze %dma_wait3A_666 : memref<1x56xi32, #tpu.memory_space<vmem>> -> memref<56xi32, #tpu.memory_space<vmem>>
      %dma_wait3A_668 = arith.constant 0 : i32
      %dma_wait3A_669 = arith.constant 0 : i32
      %dma_wait3A_670 = tpu.memref_slice %arg9[%dma_wait3A_668, %dma_wait3A_669] : memref<10112x128xf32, #tpu.memory_space<vmem_shared>> -> memref<10112x128xf32, #tpu.memory_space<vmem_shared>>
      tpu.wait_indirect_dma semaphore(%arg28 : memref<!tpu.dma_semaphore, #tpu.memory_space<semaphore_mem>>) src(%arg16 : memref<56x128xf32, #tpu.memory_space<vmem>>) dst(%dma_wait3A_670 : memref<10112x128xf32, #tpu.memory_space<vmem_shared>>)
      %dma_wait3A_671 = arith.constant 7 : i32
      %dma_wait3A_672 = arith.constant 0 : i32
      %dma_wait3A_673 = tpu.memref_slice %arg12[%dma_wait3A_671, %dma_wait3A_672] : memref<8x56xi32, #tpu.memory_space<vmem>> -> memref<1x56xi32, #tpu.memory_space<vmem>>
      %dma_wait3A_674 = tpu.memref_squeeze %dma_wait3A_673 : memref<1x56xi32, #tpu.memory_space<vmem>> -> memref<56xi32, #tpu.memory_space<vmem>>
      %dma_wait3A_675 = arith.constant 0 : i32
      %dma_wait3A_676 = arith.constant 0 : i32
      %dma_wait3A_677 = tpu.memref_slice %arg9[%dma_wait3A_675, %dma_wait3A_676] : memref<10112x128xf32, #tpu.memory_space<vmem_shared>> -> memref<10112x128xf32, #tpu.memory_space<vmem_shared>>
      tpu.wait_indirect_dma semaphore(%arg26 : memref<!tpu.dma_semaphore, #tpu.memory_space<semaphore_mem>>) src(%arg14 : memref<56x128xf32, #tpu.memory_space<vmem>>) dst(%dma_wait3A_677 : memref<10112x128xf32, #tpu.memory_space<vmem_shared>>)
      %dma_wait3A_678 = arith.constant 7 : i32
      %dma_wait3A_679 = arith.constant 0 : i32
      %dma_wait3A_680 = tpu.memref_slice %arg10[%dma_wait3A_678, %dma_wait3A_679] : memref<8x56xi32, #tpu.memory_space<vmem>> -> memref<1x56xi32, #tpu.memory_space<vmem>>
      %dma_wait3A_681 = tpu.memref_squeeze %dma_wait3A_680 : memref<1x56xi32, #tpu.memory_space<vmem>> -> memref<56xi32, #tpu.memory_space<vmem>>
      %dma_wait3A_682 = arith.constant 0 : i32
      %dma_wait3A_683 = arith.constant 0 : i32
      %dma_wait3A_684 = tpu.memref_slice %arg9[%dma_wait3A_682, %dma_wait3A_683] : memref<10112x128xf32, #tpu.memory_space<vmem_shared>> -> memref<10112x128xf32, #tpu.memory_space<vmem_shared>>
      tpu.wait_indirect_dma semaphore(%arg29 : memref<!tpu.dma_semaphore, #tpu.memory_space<semaphore_mem>>) src(%arg17 : memref<56x128xf32, #tpu.memory_space<vmem>>) dst(%dma_wait3A_684 : memref<10112x128xf32, #tpu.memory_space<vmem_shared>>)
      %dma_wait3A_685 = arith.constant 5 : i32
      %dma_wait3A_686 = arith.constant 0 : i32
      %dma_wait3A_687 = tpu.memref_slice %arg12[%dma_wait3A_685, %dma_wait3A_686] : memref<8x56xi32, #tpu.memory_space<vmem>> -> memref<1x56xi32, #tpu.memory_space<vmem>>
      %dma_wait3A_688 = tpu.memref_squeeze %dma_wait3A_687 : memref<1x56xi32, #tpu.memory_space<vmem>> -> memref<56xi32, #tpu.memory_space<vmem>>
      %dma_wait3A_689 = arith.constant 0 : i32
      %dma_wait3A_690 = arith.constant 0 : i32
      %dma_wait3A_691 = tpu.memref_slice %arg9[%dma_wait3A_689, %dma_wait3A_690] : memref<10112x128xf32, #tpu.memory_space<vmem_shared>> -> memref<10112x128xf32, #tpu.memory_space<vmem_shared>>
      tpu.wait_indirect_dma semaphore(%arg27 : memref<!tpu.dma_semaphore, #tpu.memory_space<semaphore_mem>>) src(%arg15 : memref<56x128xf32, #tpu.memory_space<vmem>>) dst(%dma_wait3A_691 : memref<10112x128xf32, #tpu.memory_space<vmem_shared>>)
      %dma_wait3A_692 = arith.constant 5 : i32
      %dma_wait3A_693 = arith.constant 0 : i32
      %dma_wait3A_694 = tpu.memref_slice %arg10[%dma_wait3A_692, %dma_wait3A_693] : memref<8x56xi32, #tpu.memory_space<vmem>> -> memref<1x56xi32, #tpu.memory_space<vmem>>
      %dma_wait3A_695 = tpu.memref_squeeze %dma_wait3A_694 : memref<1x56xi32, #tpu.memory_space<vmem>> -> memref<56xi32, #tpu.memory_space<vmem>>
      %dma_wait3A_696 = arith.constant 0 : i32
      %dma_wait3A_697 = arith.constant 0 : i32
      %dma_wait3A_698 = tpu.memref_slice %arg9[%dma_wait3A_696, %dma_wait3A_697] : memref<10112x128xf32, #tpu.memory_space<vmem_shared>> -> memref<10112x128xf32, #tpu.memory_space<vmem_shared>>
      tpu.wait_indirect_dma semaphore(%arg30 : memref<!tpu.dma_semaphore, #tpu.memory_space<semaphore_mem>>) src(%arg18 : memref<56x128xf32, #tpu.memory_space<vmem>>) dst(%dma_wait3A_698 : memref<10112x128xf32, #tpu.memory_space<vmem_shared>>)
    }
    %while3A_19 = arith.constant 1 : i32
    scf.for %while3A_25 = %while3A_17 to %while3A_13 step %while3A_19  : i32 {
      %mul3A_26 = arith.constant 8 : i32
      %mul3A_27 = arith.muli %while3A_25, %mul3A_26 : i32
      %add3A_28 = arith.addi %select_n3A, %mul3A_27 : i32
      %multiple_of3A = tpu.assume_multiple %add3A_28, 8 : i32
      "tpu.region"() ({
        %run_scoped3A = tpu.sem_alloc : memref<!tpu.dma_semaphore, #tpu.memory_space<semaphore_mem>>
        %dma_start3A_699 = arith.constant 0 : i32
        %dma_start3A_700 = tpu.memref_slice %arg5[%multiple_of3A, %dma_start3A_699] : memref<5760x56xi32, #tpu.memory_space<hbm>> -> memref<8x56xi32, #tpu.memory_space<hbm>>
        %dma_start3A_701 = arith.constant 0 : i32
        %dma_start3A_702 = tpu.memref_slice %arg5[%multiple_of3A, %dma_start3A_701] : memref<5760x56xi32, #tpu.memory_space<hbm>> -> memref<8x56xi32, #tpu.memory_space<hbm>>
        tpu.enqueue_dma source(%dma_start3A_702 : memref<8x56xi32, #tpu.memory_space<hbm>>) target(%arg10 : memref<8x56xi32, #tpu.memory_space<vmem>>) target_semaphore(%run_scoped3A : memref<!tpu.dma_semaphore, #tpu.memory_space<semaphore_mem>>)
        %dma_wait3A_703 = arith.constant 0 : i32
        %dma_wait3A_704 = tpu.memref_slice %arg5[%multiple_of3A, %dma_wait3A_703] : memref<5760x56xi32, #tpu.memory_space<hbm>> -> memref<8x56xi32, #tpu.memory_space<hbm>>
        %dma_wait3A_705 = arith.constant 0 : i32
        %dma_wait3A_706 = tpu.memref_slice %arg5[%multiple_of3A, %dma_wait3A_705] : memref<5760x56xi32, #tpu.memory_space<hbm>> -> memref<8x56xi32, #tpu.memory_space<hbm>>
        tpu.wait_dma2 semaphore(%run_scoped3A : memref<!tpu.dma_semaphore, #tpu.memory_space<semaphore_mem>>) src(%dma_wait3A_706 : memref<8x56xi32, #tpu.memory_space<hbm>>) dst(%arg10 : memref<8x56xi32, #tpu.memory_space<vmem>>)
        tpu.yield
      }) : () -> ()
      "tpu.region"() ({
        %run_scoped3A = tpu.sem_alloc : memref<!tpu.dma_semaphore, #tpu.memory_space<semaphore_mem>>
        %dma_start3A_699 = arith.constant 0 : i32
        %dma_start3A_700 = tpu.memref_slice %arg6[%multiple_of3A, %dma_start3A_699] : memref<5760x56xi32, #tpu.memory_space<hbm>> -> memref<8x56xi32, #tpu.memory_space<hbm>>
        %dma_start3A_701 = arith.constant 0 : i32
        %dma_start3A_702 = tpu.memref_slice %arg6[%multiple_of3A, %dma_start3A_701] : memref<5760x56xi32, #tpu.memory_space<hbm>> -> memref<8x56xi32, #tpu.memory_space<hbm>>
        tpu.enqueue_dma source(%dma_start3A_702 : memref<8x56xi32, #tpu.memory_space<hbm>>) target(%arg11 : memref<8x56xi32, #tpu.memory_space<vmem>>) target_semaphore(%run_scoped3A : memref<!tpu.dma_semaphore, #tpu.memory_space<semaphore_mem>>)
        %dma_wait3A_703 = arith.constant 0 : i32
        %dma_wait3A_704 = tpu.memref_slice %arg6[%multiple_of3A, %dma_wait3A_703] : memref<5760x56xi32, #tpu.memory_space<hbm>> -> memref<8x56xi32, #tpu.memory_space<hbm>>
        %dma_wait3A_705 = arith.constant 0 : i32
        %dma_wait3A_706 = tpu.memref_slice %arg6[%multiple_of3A, %dma_wait3A_705] : memref<5760x56xi32, #tpu.memory_space<hbm>> -> memref<8x56xi32, #tpu.memory_space<hbm>>
        tpu.wait_dma2 semaphore(%run_scoped3A : memref<!tpu.dma_semaphore, #tpu.memory_space<semaphore_mem>>) src(%dma_wait3A_706 : memref<8x56xi32, #tpu.memory_space<hbm>>) dst(%arg11 : memref<8x56xi32, #tpu.memory_space<vmem>>)
        tpu.yield
      }) : () -> ()
      "tpu.region"() ({
        %run_scoped3A = tpu.sem_alloc : memref<!tpu.dma_semaphore, #tpu.memory_space<semaphore_mem>>
        %dma_start3A_699 = arith.constant 0 : i32
        %dma_start3A_700 = tpu.memref_slice %arg7[%multiple_of3A, %dma_start3A_699] : memref<5760x56xi32, #tpu.memory_space<hbm>> -> memref<8x56xi32, #tpu.memory_space<hbm>>
        %dma_start3A_701 = arith.constant 0 : i32
        %dma_start3A_702 = tpu.memref_slice %arg7[%multiple_of3A, %dma_start3A_701] : memref<5760x56xi32, #tpu.memory_space<hbm>> -> memref<8x56xi32, #tpu.memory_space<hbm>>
        tpu.enqueue_dma source(%dma_start3A_702 : memref<8x56xi32, #tpu.memory_space<hbm>>) target(%arg12 : memref<8x56xi32, #tpu.memory_space<vmem>>) target_semaphore(%run_scoped3A : memref<!tpu.dma_semaphore, #tpu.memory_space<semaphore_mem>>)
        %dma_wait3A_703 = arith.constant 0 : i32
        %dma_wait3A_704 = tpu.memref_slice %arg7[%multiple_of3A, %dma_wait3A_703] : memref<5760x56xi32, #tpu.memory_space<hbm>> -> memref<8x56xi32, #tpu.memory_space<hbm>>
        %dma_wait3A_705 = arith.constant 0 : i32
        %dma_wait3A_706 = tpu.memref_slice %arg7[%multiple_of3A, %dma_wait3A_705] : memref<5760x56xi32, #tpu.memory_space<hbm>> -> memref<8x56xi32, #tpu.memory_space<hbm>>
        tpu.wait_dma2 semaphore(%run_scoped3A : memref<!tpu.dma_semaphore, #tpu.memory_space<semaphore_mem>>) src(%dma_wait3A_706 : memref<8x56xi32, #tpu.memory_space<hbm>>) dst(%arg12 : memref<8x56xi32, #tpu.memory_space<vmem>>)
        tpu.yield
      }) : () -> ()
      %dma_start3A = arith.constant 0 : i32
      %dma_start3A_29 = arith.constant 0 : i32
      %dma_start3A_30 = tpu.memref_slice %arg11[%dma_start3A, %dma_start3A_29] : memref<8x56xi32, #tpu.memory_space<vmem>> -> memref<1x56xi32, #tpu.memory_space<vmem>>
      %dma_start3A_31 = tpu.memref_squeeze %dma_start3A_30 : memref<1x56xi32, #tpu.memory_space<vmem>> -> memref<56xi32, #tpu.memory_space<vmem>>
      %dma_start3A_32 = arith.constant 0 : i32
      %dma_start3A_33 = arith.constant 0 : i32
      %dma_start3A_34 = tpu.memref_slice %arg3[%dma_start3A_32, %dma_start3A_33] : memref<10000x128xf32, #tpu.memory_space<hbm>> -> memref<10000x128xf32, #tpu.memory_space<hbm>>
      tpu.enqueue_indirect_dma source(%dma_start3A_34 : memref<10000x128xf32, #tpu.memory_space<hbm>>) target(%arg13 : memref<56x128xf32, #tpu.memory_space<vmem>>) offsets(%dma_start3A_31 : memref<56xi32, #tpu.memory_space<vmem>>) semaphore(%arg19 : memref<!tpu.dma_semaphore, #tpu.memory_space<semaphore_mem>>)
      %dma_start3A_35 = arith.constant 0 : i32
      %dma_start3A_36 = arith.constant 0 : i32
      %dma_start3A_37 = tpu.memref_slice %arg11[%dma_start3A_35, %dma_start3A_36] : memref<8x56xi32, #tpu.memory_space<vmem>> -> memref<1x56xi32, #tpu.memory_space<vmem>>
      %dma_start3A_38 = tpu.memref_squeeze %dma_start3A_37 : memref<1x56xi32, #tpu.memory_space<vmem>> -> memref<56xi32, #tpu.memory_space<vmem>>
      %dma_start3A_39 = arith.constant 0 : i32
      %dma_start3A_40 = arith.constant 0 : i32
      %dma_start3A_41 = tpu.memref_slice %arg3[%dma_start3A_39, %dma_start3A_40] : memref<10000x128xf32, #tpu.memory_space<hbm>> -> memref<10000x128xf32, #tpu.memory_space<hbm>>
      tpu.enqueue_indirect_dma source(%dma_start3A_41 : memref<10000x128xf32, #tpu.memory_space<hbm>>) target(%arg16 : memref<56x128xf32, #tpu.memory_space<vmem>>) offsets(%dma_start3A_38 : memref<56xi32, #tpu.memory_space<vmem>>) semaphore(%arg22 : memref<!tpu.dma_semaphore, #tpu.memory_space<semaphore_mem>>)
      %dma_start3A_42 = arith.constant 1 : i32
      %dma_start3A_43 = arith.constant 0 : i32
      %dma_start3A_44 = tpu.memref_slice %arg11[%dma_start3A_42, %dma_start3A_43] : memref<8x56xi32, #tpu.memory_space<vmem>> -> memref<1x56xi32, #tpu.memory_space<vmem>>
      %dma_start3A_45 = tpu.memref_squeeze %dma_start3A_44 : memref<1x56xi32, #tpu.memory_space<vmem>> -> memref<56xi32, #tpu.memory_space<vmem>>
      %dma_start3A_46 = arith.constant 0 : i32
      %dma_start3A_47 = arith.constant 0 : i32
      %dma_start3A_48 = tpu.memref_slice %arg3[%dma_start3A_46, %dma_start3A_47] : memref<10000x128xf32, #tpu.memory_space<hbm>> -> memref<10000x128xf32, #tpu.memory_space<hbm>>
      tpu.enqueue_indirect_dma source(%dma_start3A_48 : memref<10000x128xf32, #tpu.memory_space<hbm>>) target(%arg14 : memref<56x128xf32, #tpu.memory_space<vmem>>) offsets(%dma_start3A_45 : memref<56xi32, #tpu.memory_space<vmem>>) semaphore(%arg20 : memref<!tpu.dma_semaphore, #tpu.memory_space<semaphore_mem>>)
      %dma_start3A_49 = arith.constant 1 : i32
      %dma_start3A_50 = arith.constant 0 : i32
      %dma_start3A_51 = tpu.memref_slice %arg11[%dma_start3A_49, %dma_start3A_50] : memref<8x56xi32, #tpu.memory_space<vmem>> -> memref<1x56xi32, #tpu.memory_space<vmem>>
      %dma_start3A_52 = tpu.memref_squeeze %dma_start3A_51 : memref<1x56xi32, #tpu.memory_space<vmem>> -> memref<56xi32, #tpu.memory_space<vmem>>
      %dma_start3A_53 = arith.constant 0 : i32
      %dma_start3A_54 = arith.constant 0 : i32
      %dma_start3A_55 = tpu.memref_slice %arg3[%dma_start3A_53, %dma_start3A_54] : memref<10000x128xf32, #tpu.memory_space<hbm>> -> memref<10000x128xf32, #tpu.memory_space<hbm>>
      tpu.enqueue_indirect_dma source(%dma_start3A_55 : memref<10000x128xf32, #tpu.memory_space<hbm>>) target(%arg17 : memref<56x128xf32, #tpu.memory_space<vmem>>) offsets(%dma_start3A_52 : memref<56xi32, #tpu.memory_space<vmem>>) semaphore(%arg23 : memref<!tpu.dma_semaphore, #tpu.memory_space<semaphore_mem>>)
      %dma_wait3A = arith.constant 0 : i32
      %dma_wait3A_56 = arith.constant 0 : i32
      %dma_wait3A_57 = tpu.memref_slice %arg11[%dma_wait3A, %dma_wait3A_56] : memref<8x56xi32, #tpu.memory_space<vmem>> -> memref<1x56xi32, #tpu.memory_space<vmem>>
      %dma_wait3A_58 = tpu.memref_squeeze %dma_wait3A_57 : memref<1x56xi32, #tpu.memory_space<vmem>> -> memref<56xi32, #tpu.memory_space<vmem>>
      %dma_wait3A_59 = arith.constant 0 : i32
      %dma_wait3A_60 = arith.constant 0 : i32
      %dma_wait3A_61 = tpu.memref_slice %arg3[%dma_wait3A_59, %dma_wait3A_60] : memref<10000x128xf32, #tpu.memory_space<hbm>> -> memref<10000x128xf32, #tpu.memory_space<hbm>>
      tpu.wait_indirect_dma semaphore(%arg19 : memref<!tpu.dma_semaphore, #tpu.memory_space<semaphore_mem>>) src(%dma_wait3A_61 : memref<10000x128xf32, #tpu.memory_space<hbm>>) dst(%arg13 : memref<56x128xf32, #tpu.memory_space<vmem>>)
      %dma_start3A_62 = arith.constant 0 : i32
      %dma_start3A_63 = arith.constant 0 : i32
      %dma_start3A_64 = tpu.memref_slice %arg10[%dma_start3A_62, %dma_start3A_63] : memref<8x56xi32, #tpu.memory_space<vmem>> -> memref<1x56xi32, #tpu.memory_space<vmem>>
      %dma_start3A_65 = tpu.memref_squeeze %dma_start3A_64 : memref<1x56xi32, #tpu.memory_space<vmem>> -> memref<56xi32, #tpu.memory_space<vmem>>
      %dma_start3A_66 = arith.constant 0 : i32
      %dma_start3A_67 = arith.constant 0 : i32
      %dma_start3A_68 = tpu.memref_slice %arg2[%dma_start3A_66, %dma_start3A_67] : memref<10008x128xf32, #tpu.memory_space<hbm>> -> memref<10008x128xf32, #tpu.memory_space<hbm>>
      tpu.enqueue_indirect_dma source(%dma_start3A_68 : memref<10008x128xf32, #tpu.memory_space<hbm>>) target(%arg13 : memref<56x128xf32, #tpu.memory_space<vmem>>) offsets(%dma_start3A_65 : memref<56xi32, #tpu.memory_space<vmem>>) semaphore(%arg19 : memref<!tpu.dma_semaphore, #tpu.memory_space<semaphore_mem>>) {add = true}
      %dma_wait3A_69 = arith.constant 0 : i32
      %dma_wait3A_70 = arith.constant 0 : i32
      %dma_wait3A_71 = tpu.memref_slice %arg11[%dma_wait3A_69, %dma_wait3A_70] : memref<8x56xi32, #tpu.memory_space<vmem>> -> memref<1x56xi32, #tpu.memory_space<vmem>>
      %dma_wait3A_72 = tpu.memref_squeeze %dma_wait3A_71 : memref<1x56xi32, #tpu.memory_space<vmem>> -> memref<56xi32, #tpu.memory_space<vmem>>
      %dma_wait3A_73 = arith.constant 0 : i32
      %dma_wait3A_74 = arith.constant 0 : i32
      %dma_wait3A_75 = tpu.memref_slice %arg3[%dma_wait3A_73, %dma_wait3A_74] : memref<10000x128xf32, #tpu.memory_space<hbm>> -> memref<10000x128xf32, #tpu.memory_space<hbm>>
      tpu.wait_indirect_dma semaphore(%arg22 : memref<!tpu.dma_semaphore, #tpu.memory_space<semaphore_mem>>) src(%dma_wait3A_75 : memref<10000x128xf32, #tpu.memory_space<hbm>>) dst(%arg16 : memref<56x128xf32, #tpu.memory_space<vmem>>)
      %dma_start3A_76 = arith.constant 0 : i32
      %dma_start3A_77 = arith.constant 0 : i32
      %dma_start3A_78 = tpu.memref_slice %arg12[%dma_start3A_76, %dma_start3A_77] : memref<8x56xi32, #tpu.memory_space<vmem>> -> memref<1x56xi32, #tpu.memory_space<vmem>>
      %dma_start3A_79 = tpu.memref_squeeze %dma_start3A_78 : memref<1x56xi32, #tpu.memory_space<vmem>> -> memref<56xi32, #tpu.memory_space<vmem>>
      %dma_start3A_80 = arith.constant 0 : i32
      %dma_start3A_81 = arith.constant 0 : i32
      %dma_start3A_82 = tpu.memref_slice %arg2[%dma_start3A_80, %dma_start3A_81] : memref<10008x128xf32, #tpu.memory_space<hbm>> -> memref<10008x128xf32, #tpu.memory_space<hbm>>
      tpu.enqueue_indirect_dma source(%dma_start3A_82 : memref<10008x128xf32, #tpu.memory_space<hbm>>) target(%arg16 : memref<56x128xf32, #tpu.memory_space<vmem>>) offsets(%dma_start3A_79 : memref<56xi32, #tpu.memory_space<vmem>>) semaphore(%arg22 : memref<!tpu.dma_semaphore, #tpu.memory_space<semaphore_mem>>) {add = true}
      %dma_start3A_83 = arith.constant 2 : i32
      %dma_start3A_84 = arith.constant 0 : i32
      %dma_start3A_85 = tpu.memref_slice %arg11[%dma_start3A_83, %dma_start3A_84] : memref<8x56xi32, #tpu.memory_space<vmem>> -> memref<1x56xi32, #tpu.memory_space<vmem>>
      %dma_start3A_86 = tpu.memref_squeeze %dma_start3A_85 : memref<1x56xi32, #tpu.memory_space<vmem>> -> memref<56xi32, #tpu.memory_space<vmem>>
      %dma_start3A_87 = arith.constant 0 : i32
      %dma_start3A_88 = arith.constant 0 : i32
      %dma_start3A_89 = tpu.memref_slice %arg3[%dma_start3A_87, %dma_start3A_88] : memref<10000x128xf32, #tpu.memory_space<hbm>> -> memref<10000x128xf32, #tpu.memory_space<hbm>>
      tpu.enqueue_indirect_dma source(%dma_start3A_89 : memref<10000x128xf32, #tpu.memory_space<hbm>>) target(%arg15 : memref<56x128xf32, #tpu.memory_space<vmem>>) offsets(%dma_start3A_86 : memref<56xi32, #tpu.memory_space<vmem>>) semaphore(%arg21 : memref<!tpu.dma_semaphore, #tpu.memory_space<semaphore_mem>>)
      %dma_start3A_90 = arith.constant 2 : i32
      %dma_start3A_91 = arith.constant 0 : i32
      %dma_start3A_92 = tpu.memref_slice %arg11[%dma_start3A_90, %dma_start3A_91] : memref<8x56xi32, #tpu.memory_space<vmem>> -> memref<1x56xi32, #tpu.memory_space<vmem>>
      %dma_start3A_93 = tpu.memref_squeeze %dma_start3A_92 : memref<1x56xi32, #tpu.memory_space<vmem>> -> memref<56xi32, #tpu.memory_space<vmem>>
      %dma_start3A_94 = arith.constant 0 : i32
      %dma_start3A_95 = arith.constant 0 : i32
      %dma_start3A_96 = tpu.memref_slice %arg3[%dma_start3A_94, %dma_start3A_95] : memref<10000x128xf32, #tpu.memory_space<hbm>> -> memref<10000x128xf32, #tpu.memory_space<hbm>>
      tpu.enqueue_indirect_dma source(%dma_start3A_96 : memref<10000x128xf32, #tpu.memory_space<hbm>>) target(%arg18 : memref<56x128xf32, #tpu.memory_space<vmem>>) offsets(%dma_start3A_93 : memref<56xi32, #tpu.memory_space<vmem>>) semaphore(%arg24 : memref<!tpu.dma_semaphore, #tpu.memory_space<semaphore_mem>>)
      %dma_wait3A_97 = arith.constant 1 : i32
      %dma_wait3A_98 = arith.constant 0 : i32
      %dma_wait3A_99 = tpu.memref_slice %arg11[%dma_wait3A_97, %dma_wait3A_98] : memref<8x56xi32, #tpu.memory_space<vmem>> -> memref<1x56xi32, #tpu.memory_space<vmem>>
      %dma_wait3A_100 = tpu.memref_squeeze %dma_wait3A_99 : memref<1x56xi32, #tpu.memory_space<vmem>> -> memref<56xi32, #tpu.memory_space<vmem>>
      %dma_wait3A_101 = arith.constant 0 : i32
      %dma_wait3A_102 = arith.constant 0 : i32
      %dma_wait3A_103 = tpu.memref_slice %arg3[%dma_wait3A_101, %dma_wait3A_102] : memref<10000x128xf32, #tpu.memory_space<hbm>> -> memref<10000x128xf32, #tpu.memory_space<hbm>>
      tpu.wait_indirect_dma semaphore(%arg20 : memref<!tpu.dma_semaphore, #tpu.memory_space<semaphore_mem>>) src(%dma_wait3A_103 : memref<10000x128xf32, #tpu.memory_space<hbm>>) dst(%arg14 : memref<56x128xf32, #tpu.memory_space<vmem>>)
      %dma_start3A_104 = arith.constant 1 : i32
      %dma_start3A_105 = arith.constant 0 : i32
      %dma_start3A_106 = tpu.memref_slice %arg10[%dma_start3A_104, %dma_start3A_105] : memref<8x56xi32, #tpu.memory_space<vmem>> -> memref<1x56xi32, #tpu.memory_space<vmem>>
      %dma_start3A_107 = tpu.memref_squeeze %dma_start3A_106 : memref<1x56xi32, #tpu.memory_space<vmem>> -> memref<56xi32, #tpu.memory_space<vmem>>
      %dma_start3A_108 = arith.constant 0 : i32
      %dma_start3A_109 = arith.constant 0 : i32
      %dma_start3A_110 = tpu.memref_slice %arg2[%dma_start3A_108, %dma_start3A_109] : memref<10008x128xf32, #tpu.memory_space<hbm>> -> memref<10008x128xf32, #tpu.memory_space<hbm>>
      tpu.enqueue_indirect_dma source(%dma_start3A_110 : memref<10008x128xf32, #tpu.memory_space<hbm>>) target(%arg14 : memref<56x128xf32, #tpu.memory_space<vmem>>) offsets(%dma_start3A_107 : memref<56xi32, #tpu.memory_space<vmem>>) semaphore(%arg20 : memref<!tpu.dma_semaphore, #tpu.memory_space<semaphore_mem>>) {add = true}
      %dma_wait3A_111 = arith.constant 1 : i32
      %dma_wait3A_112 = arith.constant 0 : i32
      %dma_wait3A_113 = tpu.memref_slice %arg11[%dma_wait3A_111, %dma_wait3A_112] : memref<8x56xi32, #tpu.memory_space<vmem>> -> memref<1x56xi32, #tpu.memory_space<vmem>>
      %dma_wait3A_114 = tpu.memref_squeeze %dma_wait3A_113 : memref<1x56xi32, #tpu.memory_space<vmem>> -> memref<56xi32, #tpu.memory_space<vmem>>
      %dma_wait3A_115 = arith.constant 0 : i32
      %dma_wait3A_116 = arith.constant 0 : i32
      %dma_wait3A_117 = tpu.memref_slice %arg3[%dma_wait3A_115, %dma_wait3A_116] : memref<10000x128xf32, #tpu.memory_space<hbm>> -> memref<10000x128xf32, #tpu.memory_space<hbm>>
      tpu.wait_indirect_dma semaphore(%arg23 : memref<!tpu.dma_semaphore, #tpu.memory_space<semaphore_mem>>) src(%dma_wait3A_117 : memref<10000x128xf32, #tpu.memory_space<hbm>>) dst(%arg17 : memref<56x128xf32, #tpu.memory_space<vmem>>)
      %dma_start3A_118 = arith.constant 1 : i32
      %dma_start3A_119 = arith.constant 0 : i32
      %dma_start3A_120 = tpu.memref_slice %arg12[%dma_start3A_118, %dma_start3A_119] : memref<8x56xi32, #tpu.memory_space<vmem>> -> memref<1x56xi32, #tpu.memory_space<vmem>>
      %dma_start3A_121 = tpu.memref_squeeze %dma_start3A_120 : memref<1x56xi32, #tpu.memory_space<vmem>> -> memref<56xi32, #tpu.memory_space<vmem>>
      %dma_start3A_122 = arith.constant 0 : i32
      %dma_start3A_123 = arith.constant 0 : i32
      %dma_start3A_124 = tpu.memref_slice %arg2[%dma_start3A_122, %dma_start3A_123] : memref<10008x128xf32, #tpu.memory_space<hbm>> -> memref<10008x128xf32, #tpu.memory_space<hbm>>
      tpu.enqueue_indirect_dma source(%dma_start3A_124 : memref<10008x128xf32, #tpu.memory_space<hbm>>) target(%arg17 : memref<56x128xf32, #tpu.memory_space<vmem>>) offsets(%dma_start3A_121 : memref<56xi32, #tpu.memory_space<vmem>>) semaphore(%arg23 : memref<!tpu.dma_semaphore, #tpu.memory_space<semaphore_mem>>) {add = true}
      %dma_wait3A_125 = arith.constant 0 : i32
      %dma_wait3A_126 = arith.constant 0 : i32
      %dma_wait3A_127 = tpu.memref_slice %arg10[%dma_wait3A_125, %dma_wait3A_126] : memref<8x56xi32, #tpu.memory_space<vmem>> -> memref<1x56xi32, #tpu.memory_space<vmem>>
      %dma_wait3A_128 = tpu.memref_squeeze %dma_wait3A_127 : memref<1x56xi32, #tpu.memory_space<vmem>> -> memref<56xi32, #tpu.memory_space<vmem>>
      %dma_wait3A_129 = arith.constant 0 : i32
      %dma_wait3A_130 = arith.constant 0 : i32
      %dma_wait3A_131 = tpu.memref_slice %arg2[%dma_wait3A_129, %dma_wait3A_130] : memref<10008x128xf32, #tpu.memory_space<hbm>> -> memref<10008x128xf32, #tpu.memory_space<hbm>>
      tpu.wait_indirect_dma semaphore(%arg19 : memref<!tpu.dma_semaphore, #tpu.memory_space<semaphore_mem>>) src(%dma_wait3A_131 : memref<10008x128xf32, #tpu.memory_space<hbm>>) dst(%arg13 : memref<56x128xf32, #tpu.memory_space<vmem>>)
      %dma_start3A_132 = arith.constant 0 : i32
      %dma_start3A_133 = arith.constant 0 : i32
      %dma_start3A_134 = tpu.memref_slice %arg12[%dma_start3A_132, %dma_start3A_133] : memref<8x56xi32, #tpu.memory_space<vmem>> -> memref<1x56xi32, #tpu.memory_space<vmem>>
      %dma_start3A_135 = tpu.memref_squeeze %dma_start3A_134 : memref<1x56xi32, #tpu.memory_space<vmem>> -> memref<56xi32, #tpu.memory_space<vmem>>
      %dma_start3A_136 = arith.constant 0 : i32
      %dma_start3A_137 = arith.constant 0 : i32
      %dma_start3A_138 = tpu.memref_slice %arg9[%dma_start3A_136, %dma_start3A_137] : memref<10112x128xf32, #tpu.memory_space<vmem_shared>> -> memref<10112x128xf32, #tpu.memory_space<vmem_shared>>
      tpu.enqueue_indirect_dma source(%arg13 : memref<56x128xf32, #tpu.memory_space<vmem>>) target(%dma_start3A_138 : memref<10112x128xf32, #tpu.memory_space<vmem_shared>>) offsets(%dma_start3A_135 : memref<56xi32, #tpu.memory_space<vmem>>) semaphore(%arg25 : memref<!tpu.dma_semaphore, #tpu.memory_space<semaphore_mem>>) {add = true}
      %dma_wait3A_139 = arith.constant 0 : i32
      %dma_wait3A_140 = arith.constant 0 : i32
      %dma_wait3A_141 = tpu.memref_slice %arg12[%dma_wait3A_139, %dma_wait3A_140] : memref<8x56xi32, #tpu.memory_space<vmem>> -> memref<1x56xi32, #tpu.memory_space<vmem>>
      %dma_wait3A_142 = tpu.memref_squeeze %dma_wait3A_141 : memref<1x56xi32, #tpu.memory_space<vmem>> -> memref<56xi32, #tpu.memory_space<vmem>>
      %dma_wait3A_143 = arith.constant 0 : i32
      %dma_wait3A_144 = arith.constant 0 : i32
      %dma_wait3A_145 = tpu.memref_slice %arg2[%dma_wait3A_143, %dma_wait3A_144] : memref<10008x128xf32, #tpu.memory_space<hbm>> -> memref<10008x128xf32, #tpu.memory_space<hbm>>
      tpu.wait_indirect_dma semaphore(%arg22 : memref<!tpu.dma_semaphore, #tpu.memory_space<semaphore_mem>>) src(%dma_wait3A_145 : memref<10008x128xf32, #tpu.memory_space<hbm>>) dst(%arg16 : memref<56x128xf32, #tpu.memory_space<vmem>>)
      %dma_start3A_146 = arith.constant 0 : i32
      %dma_start3A_147 = arith.constant 0 : i32
      %dma_start3A_148 = tpu.memref_slice %arg10[%dma_start3A_146, %dma_start3A_147] : memref<8x56xi32, #tpu.memory_space<vmem>> -> memref<1x56xi32, #tpu.memory_space<vmem>>
      %dma_start3A_149 = tpu.memref_squeeze %dma_start3A_148 : memref<1x56xi32, #tpu.memory_space<vmem>> -> memref<56xi32, #tpu.memory_space<vmem>>
      %dma_start3A_150 = arith.constant 0 : i32
      %dma_start3A_151 = arith.constant 0 : i32
      %dma_start3A_152 = tpu.memref_slice %arg9[%dma_start3A_150, %dma_start3A_151] : memref<10112x128xf32, #tpu.memory_space<vmem_shared>> -> memref<10112x128xf32, #tpu.memory_space<vmem_shared>>
      tpu.enqueue_indirect_dma source(%arg16 : memref<56x128xf32, #tpu.memory_space<vmem>>) target(%dma_start3A_152 : memref<10112x128xf32, #tpu.memory_space<vmem_shared>>) offsets(%dma_start3A_149 : memref<56xi32, #tpu.memory_space<vmem>>) semaphore(%arg28 : memref<!tpu.dma_semaphore, #tpu.memory_space<semaphore_mem>>) {add = true}
      %dma_wait3A_153 = arith.constant 0 : i32
      %dma_wait3A_154 = arith.constant 0 : i32
      %dma_wait3A_155 = tpu.memref_slice %arg12[%dma_wait3A_153, %dma_wait3A_154] : memref<8x56xi32, #tpu.memory_space<vmem>> -> memref<1x56xi32, #tpu.memory_space<vmem>>
      %dma_wait3A_156 = tpu.memref_squeeze %dma_wait3A_155 : memref<1x56xi32, #tpu.memory_space<vmem>> -> memref<56xi32, #tpu.memory_space<vmem>>
      %dma_wait3A_157 = arith.constant 0 : i32
      %dma_wait3A_158 = arith.constant 0 : i32
      %dma_wait3A_159 = tpu.memref_slice %arg9[%dma_wait3A_157, %dma_wait3A_158] : memref<10112x128xf32, #tpu.memory_space<vmem_shared>> -> memref<10112x128xf32, #tpu.memory_space<vmem_shared>>
      tpu.wait_indirect_dma semaphore(%arg25 : memref<!tpu.dma_semaphore, #tpu.memory_space<semaphore_mem>>) src(%arg13 : memref<56x128xf32, #tpu.memory_space<vmem>>) dst(%dma_wait3A_159 : memref<10112x128xf32, #tpu.memory_space<vmem_shared>>)
      %dma_start3A_160 = arith.constant 3 : i32
      %dma_start3A_161 = arith.constant 0 : i32
      %dma_start3A_162 = tpu.memref_slice %arg11[%dma_start3A_160, %dma_start3A_161] : memref<8x56xi32, #tpu.memory_space<vmem>> -> memref<1x56xi32, #tpu.memory_space<vmem>>
      %dma_start3A_163 = tpu.memref_squeeze %dma_start3A_162 : memref<1x56xi32, #tpu.memory_space<vmem>> -> memref<56xi32, #tpu.memory_space<vmem>>
      %dma_start3A_164 = arith.constant 0 : i32
      %dma_start3A_165 = arith.constant 0 : i32
      %dma_start3A_166 = tpu.memref_slice %arg3[%dma_start3A_164, %dma_start3A_165] : memref<10000x128xf32, #tpu.memory_space<hbm>> -> memref<10000x128xf32, #tpu.memory_space<hbm>>
      tpu.enqueue_indirect_dma source(%dma_start3A_166 : memref<10000x128xf32, #tpu.memory_space<hbm>>) target(%arg13 : memref<56x128xf32, #tpu.memory_space<vmem>>) offsets(%dma_start3A_163 : memref<56xi32, #tpu.memory_space<vmem>>) semaphore(%arg19 : memref<!tpu.dma_semaphore, #tpu.memory_space<semaphore_mem>>)
      %dma_wait3A_167 = arith.constant 0 : i32
      %dma_wait3A_168 = arith.constant 0 : i32
      %dma_wait3A_169 = tpu.memref_slice %arg10[%dma_wait3A_167, %dma_wait3A_168] : memref<8x56xi32, #tpu.memory_space<vmem>> -> memref<1x56xi32, #tpu.memory_space<vmem>>
      %dma_wait3A_170 = tpu.memref_squeeze %dma_wait3A_169 : memref<1x56xi32, #tpu.memory_space<vmem>> -> memref<56xi32, #tpu.memory_space<vmem>>
      %dma_wait3A_171 = arith.constant 0 : i32
      %dma_wait3A_172 = arith.constant 0 : i32
      %dma_wait3A_173 = tpu.memref_slice %arg9[%dma_wait3A_171, %dma_wait3A_172] : memref<10112x128xf32, #tpu.memory_space<vmem_shared>> -> memref<10112x128xf32, #tpu.memory_space<vmem_shared>>
      tpu.wait_indirect_dma semaphore(%arg28 : memref<!tpu.dma_semaphore, #tpu.memory_space<semaphore_mem>>) src(%arg16 : memref<56x128xf32, #tpu.memory_space<vmem>>) dst(%dma_wait3A_173 : memref<10112x128xf32, #tpu.memory_space<vmem_shared>>)
      %dma_start3A_174 = arith.constant 3 : i32
      %dma_start3A_175 = arith.constant 0 : i32
      %dma_start3A_176 = tpu.memref_slice %arg11[%dma_start3A_174, %dma_start3A_175] : memref<8x56xi32, #tpu.memory_space<vmem>> -> memref<1x56xi32, #tpu.memory_space<vmem>>
      %dma_start3A_177 = tpu.memref_squeeze %dma_start3A_176 : memref<1x56xi32, #tpu.memory_space<vmem>> -> memref<56xi32, #tpu.memory_space<vmem>>
      %dma_start3A_178 = arith.constant 0 : i32
      %dma_start3A_179 = arith.constant 0 : i32
      %dma_start3A_180 = tpu.memref_slice %arg3[%dma_start3A_178, %dma_start3A_179] : memref<10000x128xf32, #tpu.memory_space<hbm>> -> memref<10000x128xf32, #tpu.memory_space<hbm>>
      tpu.enqueue_indirect_dma source(%dma_start3A_180 : memref<10000x128xf32, #tpu.memory_space<hbm>>) target(%arg16 : memref<56x128xf32, #tpu.memory_space<vmem>>) offsets(%dma_start3A_177 : memref<56xi32, #tpu.memory_space<vmem>>) semaphore(%arg22 : memref<!tpu.dma_semaphore, #tpu.memory_space<semaphore_mem>>)
      %dma_wait3A_181 = arith.constant 2 : i32
      %dma_wait3A_182 = arith.constant 0 : i32
      %dma_wait3A_183 = tpu.memref_slice %arg11[%dma_wait3A_181, %dma_wait3A_182] : memref<8x56xi32, #tpu.memory_space<vmem>> -> memref<1x56xi32, #tpu.memory_space<vmem>>
      %dma_wait3A_184 = tpu.memref_squeeze %dma_wait3A_183 : memref<1x56xi32, #tpu.memory_space<vmem>> -> memref<56xi32, #tpu.memory_space<vmem>>
      %dma_wait3A_185 = arith.constant 0 : i32
      %dma_wait3A_186 = arith.constant 0 : i32
      %dma_wait3A_187 = tpu.memref_slice %arg3[%dma_wait3A_185, %dma_wait3A_186] : memref<10000x128xf32, #tpu.memory_space<hbm>> -> memref<10000x128xf32, #tpu.memory_space<hbm>>
      tpu.wait_indirect_dma semaphore(%arg21 : memref<!tpu.dma_semaphore, #tpu.memory_space<semaphore_mem>>) src(%dma_wait3A_187 : memref<10000x128xf32, #tpu.memory_space<hbm>>) dst(%arg15 : memref<56x128xf32, #tpu.memory_space<vmem>>)
      %dma_start3A_188 = arith.constant 2 : i32
      %dma_start3A_189 = arith.constant 0 : i32
      %dma_start3A_190 = tpu.memref_slice %arg10[%dma_start3A_188, %dma_start3A_189] : memref<8x56xi32, #tpu.memory_space<vmem>> -> memref<1x56xi32, #tpu.memory_space<vmem>>
      %dma_start3A_191 = tpu.memref_squeeze %dma_start3A_190 : memref<1x56xi32, #tpu.memory_space<vmem>> -> memref<56xi32, #tpu.memory_space<vmem>>
      %dma_start3A_192 = arith.constant 0 : i32
      %dma_start3A_193 = arith.constant 0 : i32
      %dma_start3A_194 = tpu.memref_slice %arg2[%dma_start3A_192, %dma_start3A_193] : memref<10008x128xf32, #tpu.memory_space<hbm>> -> memref<10008x128xf32, #tpu.memory_space<hbm>>
      tpu.enqueue_indirect_dma source(%dma_start3A_194 : memref<10008x128xf32, #tpu.memory_space<hbm>>) target(%arg15 : memref<56x128xf32, #tpu.memory_space<vmem>>) offsets(%dma_start3A_191 : memref<56xi32, #tpu.memory_space<vmem>>) semaphore(%arg21 : memref<!tpu.dma_semaphore, #tpu.memory_space<semaphore_mem>>) {add = true}
      %dma_wait3A_195 = arith.constant 2 : i32
      %dma_wait3A_196 = arith.constant 0 : i32
      %dma_wait3A_197 = tpu.memref_slice %arg11[%dma_wait3A_195, %dma_wait3A_196] : memref<8x56xi32, #tpu.memory_space<vmem>> -> memref<1x56xi32, #tpu.memory_space<vmem>>
      %dma_wait3A_198 = tpu.memref_squeeze %dma_wait3A_197 : memref<1x56xi32, #tpu.memory_space<vmem>> -> memref<56xi32, #tpu.memory_space<vmem>>
      %dma_wait3A_199 = arith.constant 0 : i32
      %dma_wait3A_200 = arith.constant 0 : i32
      %dma_wait3A_201 = tpu.memref_slice %arg3[%dma_wait3A_199, %dma_wait3A_200] : memref<10000x128xf32, #tpu.memory_space<hbm>> -> memref<10000x128xf32, #tpu.memory_space<hbm>>
      tpu.wait_indirect_dma semaphore(%arg24 : memref<!tpu.dma_semaphore, #tpu.memory_space<semaphore_mem>>) src(%dma_wait3A_201 : memref<10000x128xf32, #tpu.memory_space<hbm>>) dst(%arg18 : memref<56x128xf32, #tpu.memory_space<vmem>>)
      %dma_start3A_202 = arith.constant 2 : i32
      %dma_start3A_203 = arith.constant 0 : i32
      %dma_start3A_204 = tpu.memref_slice %arg12[%dma_start3A_202, %dma_start3A_203] : memref<8x56xi32, #tpu.memory_space<vmem>> -> memref<1x56xi32, #tpu.memory_space<vmem>>
      %dma_start3A_205 = tpu.memref_squeeze %dma_start3A_204 : memref<1x56xi32, #tpu.memory_space<vmem>> -> memref<56xi32, #tpu.memory_space<vmem>>
      %dma_start3A_206 = arith.constant 0 : i32
      %dma_start3A_207 = arith.constant 0 : i32
      %dma_start3A_208 = tpu.memref_slice %arg2[%dma_start3A_206, %dma_start3A_207] : memref<10008x128xf32, #tpu.memory_space<hbm>> -> memref<10008x128xf32, #tpu.memory_space<hbm>>
      tpu.enqueue_indirect_dma source(%dma_start3A_208 : memref<10008x128xf32, #tpu.memory_space<hbm>>) target(%arg18 : memref<56x128xf32, #tpu.memory_space<vmem>>) offsets(%dma_start3A_205 : memref<56xi32, #tpu.memory_space<vmem>>) semaphore(%arg24 : memref<!tpu.dma_semaphore, #tpu.memory_space<semaphore_mem>>) {add = true}
      %dma_wait3A_209 = arith.constant 1 : i32
      %dma_wait3A_210 = arith.constant 0 : i32
      %dma_wait3A_211 = tpu.memref_slice %arg10[%dma_wait3A_209, %dma_wait3A_210] : memref<8x56xi32, #tpu.memory_space<vmem>> -> memref<1x56xi32, #tpu.memory_space<vmem>>
      %dma_wait3A_212 = tpu.memref_squeeze %dma_wait3A_211 : memref<1x56xi32, #tpu.memory_space<vmem>> -> memref<56xi32, #tpu.memory_space<vmem>>
      %dma_wait3A_213 = arith.constant 0 : i32
      %dma_wait3A_214 = arith.constant 0 : i32
      %dma_wait3A_215 = tpu.memref_slice %arg2[%dma_wait3A_213, %dma_wait3A_214] : memref<10008x128xf32, #tpu.memory_space<hbm>> -> memref<10008x128xf32, #tpu.memory_space<hbm>>
      tpu.wait_indirect_dma semaphore(%arg20 : memref<!tpu.dma_semaphore, #tpu.memory_space<semaphore_mem>>) src(%dma_wait3A_215 : memref<10008x128xf32, #tpu.memory_space<hbm>>) dst(%arg14 : memref<56x128xf32, #tpu.memory_space<vmem>>)
      %dma_start3A_216 = arith.constant 1 : i32
      %dma_start3A_217 = arith.constant 0 : i32
      %dma_start3A_218 = tpu.memref_slice %arg12[%dma_start3A_216, %dma_start3A_217] : memref<8x56xi32, #tpu.memory_space<vmem>> -> memref<1x56xi32, #tpu.memory_space<vmem>>
      %dma_start3A_219 = tpu.memref_squeeze %dma_start3A_218 : memref<1x56xi32, #tpu.memory_space<vmem>> -> memref<56xi32, #tpu.memory_space<vmem>>
      %dma_start3A_220 = arith.constant 0 : i32
      %dma_start3A_221 = arith.constant 0 : i32
      %dma_start3A_222 = tpu.memref_slice %arg9[%dma_start3A_220, %dma_start3A_221] : memref<10112x128xf32, #tpu.memory_space<vmem_shared>> -> memref<10112x128xf32, #tpu.memory_space<vmem_shared>>
      tpu.enqueue_indirect_dma source(%arg14 : memref<56x128xf32, #tpu.memory_space<vmem>>) target(%dma_start3A_222 : memref<10112x128xf32, #tpu.memory_space<vmem_shared>>) offsets(%dma_start3A_219 : memref<56xi32, #tpu.memory_space<vmem>>) semaphore(%arg26 : memref<!tpu.dma_semaphore, #tpu.memory_space<semaphore_mem>>) {add = true}
      %dma_wait3A_223 = arith.constant 1 : i32
      %dma_wait3A_224 = arith.constant 0 : i32
      %dma_wait3A_225 = tpu.memref_slice %arg12[%dma_wait3A_223, %dma_wait3A_224] : memref<8x56xi32, #tpu.memory_space<vmem>> -> memref<1x56xi32, #tpu.memory_space<vmem>>
      %dma_wait3A_226 = tpu.memref_squeeze %dma_wait3A_225 : memref<1x56xi32, #tpu.memory_space<vmem>> -> memref<56xi32, #tpu.memory_space<vmem>>
      %dma_wait3A_227 = arith.constant 0 : i32
      %dma_wait3A_228 = arith.constant 0 : i32
      %dma_wait3A_229 = tpu.memref_slice %arg2[%dma_wait3A_227, %dma_wait3A_228] : memref<10008x128xf32, #tpu.memory_space<hbm>> -> memref<10008x128xf32, #tpu.memory_space<hbm>>
      tpu.wait_indirect_dma semaphore(%arg23 : memref<!tpu.dma_semaphore, #tpu.memory_space<semaphore_mem>>) src(%dma_wait3A_229 : memref<10008x128xf32, #tpu.memory_space<hbm>>) dst(%arg17 : memref<56x128xf32, #tpu.memory_space<vmem>>)
      %dma_start3A_230 = arith.constant 1 : i32
      %dma_start3A_231 = arith.constant 0 : i32
      %dma_start3A_232 = tpu.memref_slice %arg10[%dma_start3A_230, %dma_start3A_231] : memref<8x56xi32, #tpu.memory_space<vmem>> -> memref<1x56xi32, #tpu.memory_space<vmem>>
      %dma_start3A_233 = tpu.memref_squeeze %dma_start3A_232 : memref<1x56xi32, #tpu.memory_space<vmem>> -> memref<56xi32, #tpu.memory_space<vmem>>
      %dma_start3A_234 = arith.constant 0 : i32
      %dma_start3A_235 = arith.constant 0 : i32
      %dma_start3A_236 = tpu.memref_slice %arg9[%dma_start3A_234, %dma_start3A_235] : memref<10112x128xf32, #tpu.memory_space<vmem_shared>> -> memref<10112x128xf32, #tpu.memory_space<vmem_shared>>
      tpu.enqueue_indirect_dma source(%arg17 : memref<56x128xf32, #tpu.memory_space<vmem>>) target(%dma_start3A_236 : memref<10112x128xf32, #tpu.memory_space<vmem_shared>>) offsets(%dma_start3A_233 : memref<56xi32, #tpu.memory_space<vmem>>) semaphore(%arg29 : memref<!tpu.dma_semaphore, #tpu.memory_space<semaphore_mem>>) {add = true}
      %dma_wait3A_237 = arith.constant 1 : i32
      %dma_wait3A_238 = arith.constant 0 : i32
      %dma_wait3A_239 = tpu.memref_slice %arg12[%dma_wait3A_237, %dma_wait3A_238] : memref<8x56xi32, #tpu.memory_space<vmem>> -> memref<1x56xi32, #tpu.memory_space<vmem>>
      %dma_wait3A_240 = tpu.memref_squeeze %dma_wait3A_239 : memref<1x56xi32, #tpu.memory_space<vmem>> -> memref<56xi32, #tpu.memory_space<vmem>>
      %dma_wait3A_241 = arith.constant 0 : i32
      %dma_wait3A_242 = arith.constant 0 : i32
      %dma_wait3A_243 = tpu.memref_slice %arg9[%dma_wait3A_241, %dma_wait3A_242] : memref<10112x128xf32, #tpu.memory_space<vmem_shared>> -> memref<10112x128xf32, #tpu.memory_space<vmem_shared>>
      tpu.wait_indirect_dma semaphore(%arg26 : memref<!tpu.dma_semaphore, #tpu.memory_space<semaphore_mem>>) src(%arg14 : memref<56x128xf32, #tpu.memory_space<vmem>>) dst(%dma_wait3A_243 : memref<10112x128xf32, #tpu.memory_space<vmem_shared>>)
      %dma_start3A_244 = arith.constant 4 : i32
      %dma_start3A_245 = arith.constant 0 : i32
      %dma_start3A_246 = tpu.memref_slice %arg11[%dma_start3A_244, %dma_start3A_245] : memref<8x56xi32, #tpu.memory_space<vmem>> -> memref<1x56xi32, #tpu.memory_space<vmem>>
      %dma_start3A_247 = tpu.memref_squeeze %dma_start3A_246 : memref<1x56xi32, #tpu.memory_space<vmem>> -> memref<56xi32, #tpu.memory_space<vmem>>
      %dma_start3A_248 = arith.constant 0 : i32
      %dma_start3A_249 = arith.constant 0 : i32
      %dma_start3A_250 = tpu.memref_slice %arg3[%dma_start3A_248, %dma_start3A_249] : memref<10000x128xf32, #tpu.memory_space<hbm>> -> memref<10000x128xf32, #tpu.memory_space<hbm>>
      tpu.enqueue_indirect_dma source(%dma_start3A_250 : memref<10000x128xf32, #tpu.memory_space<hbm>>) target(%arg14 : memref<56x128xf32, #tpu.memory_space<vmem>>) offsets(%dma_start3A_247 : memref<56xi32, #tpu.memory_space<vmem>>) semaphore(%arg20 : memref<!tpu.dma_semaphore, #tpu.memory_space<semaphore_mem>>)
      %dma_wait3A_251 = arith.constant 1 : i32
      %dma_wait3A_252 = arith.constant 0 : i32
      %dma_wait3A_253 = tpu.memref_slice %arg10[%dma_wait3A_251, %dma_wait3A_252] : memref<8x56xi32, #tpu.memory_space<vmem>> -> memref<1x56xi32, #tpu.memory_space<vmem>>
      %dma_wait3A_254 = tpu.memref_squeeze %dma_wait3A_253 : memref<1x56xi32, #tpu.memory_space<vmem>> -> memref<56xi32, #tpu.memory_space<vmem>>
      %dma_wait3A_255 = arith.constant 0 : i32
      %dma_wait3A_256 = arith.constant 0 : i32
      %dma_wait3A_257 = tpu.memref_slice %arg9[%dma_wait3A_255, %dma_wait3A_256] : memref<10112x128xf32, #tpu.memory_space<vmem_shared>> -> memref<10112x128xf32, #tpu.memory_space<vmem_shared>>
      tpu.wait_indirect_dma semaphore(%arg29 : memref<!tpu.dma_semaphore, #tpu.memory_space<semaphore_mem>>) src(%arg17 : memref<56x128xf32, #tpu.memory_space<vmem>>) dst(%dma_wait3A_257 : memref<10112x128xf32, #tpu.memory_space<vmem_shared>>)
      %dma_start3A_258 = arith.constant 4 : i32
      %dma_start3A_259 = arith.constant 0 : i32
      %dma_start3A_260 = tpu.memref_slice %arg11[%dma_start3A_258, %dma_start3A_259] : memref<8x56xi32, #tpu.memory_space<vmem>> -> memref<1x56xi32, #tpu.memory_space<vmem>>
      %dma_start3A_261 = tpu.memref_squeeze %dma_start3A_260 : memref<1x56xi32, #tpu.memory_space<vmem>> -> memref<56xi32, #tpu.memory_space<vmem>>
      %dma_start3A_262 = arith.constant 0 : i32
      %dma_start3A_263 = arith.constant 0 : i32
      %dma_start3A_264 = tpu.memref_slice %arg3[%dma_start3A_262, %dma_start3A_263] : memref<10000x128xf32, #tpu.memory_space<hbm>> -> memref<10000x128xf32, #tpu.memory_space<hbm>>
      tpu.enqueue_indirect_dma source(%dma_start3A_264 : memref<10000x128xf32, #tpu.memory_space<hbm>>) target(%arg17 : memref<56x128xf32, #tpu.memory_space<vmem>>) offsets(%dma_start3A_261 : memref<56xi32, #tpu.memory_space<vmem>>) semaphore(%arg23 : memref<!tpu.dma_semaphore, #tpu.memory_space<semaphore_mem>>)
      %dma_wait3A_265 = arith.constant 3 : i32
      %dma_wait3A_266 = arith.constant 0 : i32
      %dma_wait3A_267 = tpu.memref_slice %arg11[%dma_wait3A_265, %dma_wait3A_266] : memref<8x56xi32, #tpu.memory_space<vmem>> -> memref<1x56xi32, #tpu.memory_space<vmem>>
      %dma_wait3A_268 = tpu.memref_squeeze %dma_wait3A_267 : memref<1x56xi32, #tpu.memory_space<vmem>> -> memref<56xi32, #tpu.memory_space<vmem>>
      %dma_wait3A_269 = arith.constant 0 : i32
      %dma_wait3A_270 = arith.constant 0 : i32
      %dma_wait3A_271 = tpu.memref_slice %arg3[%dma_wait3A_269, %dma_wait3A_270] : memref<10000x128xf32, #tpu.memory_space<hbm>> -> memref<10000x128xf32, #tpu.memory_space<hbm>>
      tpu.wait_indirect_dma semaphore(%arg19 : memref<!tpu.dma_semaphore, #tpu.memory_space<semaphore_mem>>) src(%dma_wait3A_271 : memref<10000x128xf32, #tpu.memory_space<hbm>>) dst(%arg13 : memref<56x128xf32, #tpu.memory_space<vmem>>)
      %dma_start3A_272 = arith.constant 3 : i32
      %dma_start3A_273 = arith.constant 0 : i32
      %dma_start3A_274 = tpu.memref_slice %arg10[%dma_start3A_272, %dma_start3A_273] : memref<8x56xi32, #tpu.memory_space<vmem>> -> memref<1x56xi32, #tpu.memory_space<vmem>>
      %dma_start3A_275 = tpu.memref_squeeze %dma_start3A_274 : memref<1x56xi32, #tpu.memory_space<vmem>> -> memref<56xi32, #tpu.memory_space<vmem>>
      %dma_start3A_276 = arith.constant 0 : i32
      %dma_start3A_277 = arith.constant 0 : i32
      %dma_start3A_278 = tpu.memref_slice %arg2[%dma_start3A_276, %dma_start3A_277] : memref<10008x128xf32, #tpu.memory_space<hbm>> -> memref<10008x128xf32, #tpu.memory_space<hbm>>
      tpu.enqueue_indirect_dma source(%dma_start3A_278 : memref<10008x128xf32, #tpu.memory_space<hbm>>) target(%arg13 : memref<56x128xf32, #tpu.memory_space<vmem>>) offsets(%dma_start3A_275 : memref<56xi32, #tpu.memory_space<vmem>>) semaphore(%arg19 : memref<!tpu.dma_semaphore, #tpu.memory_space<semaphore_mem>>) {add = true}
      %dma_wait3A_279 = arith.constant 3 : i32
      %dma_wait3A_280 = arith.constant 0 : i32
      %dma_wait3A_281 = tpu.memref_slice %arg11[%dma_wait3A_279, %dma_wait3A_280] : memref<8x56xi32, #tpu.memory_space<vmem>> -> memref<1x56xi32, #tpu.memory_space<vmem>>
      %dma_wait3A_282 = tpu.memref_squeeze %dma_wait3A_281 : memref<1x56xi32, #tpu.memory_space<vmem>> -> memref<56xi32, #tpu.memory_space<vmem>>
      %dma_wait3A_283 = arith.constant 0 : i32
      %dma_wait3A_284 = arith.constant 0 : i32
      %dma_wait3A_285 = tpu.memref_slice %arg3[%dma_wait3A_283, %dma_wait3A_284] : memref<10000x128xf32, #tpu.memory_space<hbm>> -> memref<10000x128xf32, #tpu.memory_space<hbm>>
      tpu.wait_indirect_dma semaphore(%arg22 : memref<!tpu.dma_semaphore, #tpu.memory_space<semaphore_mem>>) src(%dma_wait3A_285 : memref<10000x128xf32, #tpu.memory_space<hbm>>) dst(%arg16 : memref<56x128xf32, #tpu.memory_space<vmem>>)
      %dma_start3A_286 = arith.constant 3 : i32
      %dma_start3A_287 = arith.constant 0 : i32
      %dma_start3A_288 = tpu.memref_slice %arg12[%dma_start3A_286, %dma_start3A_287] : memref<8x56xi32, #tpu.memory_space<vmem>> -> memref<1x56xi32, #tpu.memory_space<vmem>>
      %dma_start3A_289 = tpu.memref_squeeze %dma_start3A_288 : memref<1x56xi32, #tpu.memory_space<vmem>> -> memref<56xi32, #tpu.memory_space<vmem>>
      %dma_start3A_290 = arith.constant 0 : i32
      %dma_start3A_291 = arith.constant 0 : i32
      %dma_start3A_292 = tpu.memref_slice %arg2[%dma_start3A_290, %dma_start3A_291] : memref<10008x128xf32, #tpu.memory_space<hbm>> -> memref<10008x128xf32, #tpu.memory_space<hbm>>
      tpu.enqueue_indirect_dma source(%dma_start3A_292 : memref<10008x128xf32, #tpu.memory_space<hbm>>) target(%arg16 : memref<56x128xf32, #tpu.memory_space<vmem>>) offsets(%dma_start3A_289 : memref<56xi32, #tpu.memory_space<vmem>>) semaphore(%arg22 : memref<!tpu.dma_semaphore, #tpu.memory_space<semaphore_mem>>) {add = true}
      %dma_wait3A_293 = arith.constant 2 : i32
      %dma_wait3A_294 = arith.constant 0 : i32
      %dma_wait3A_295 = tpu.memref_slice %arg10[%dma_wait3A_293, %dma_wait3A_294] : memref<8x56xi32, #tpu.memory_space<vmem>> -> memref<1x56xi32, #tpu.memory_space<vmem>>
      %dma_wait3A_296 = tpu.memref_squeeze %dma_wait3A_295 : memref<1x56xi32, #tpu.memory_space<vmem>> -> memref<56xi32, #tpu.memory_space<vmem>>
      %dma_wait3A_297 = arith.constant 0 : i32
      %dma_wait3A_298 = arith.constant 0 : i32
      %dma_wait3A_299 = tpu.memref_slice %arg2[%dma_wait3A_297, %dma_wait3A_298] : memref<10008x128xf32, #tpu.memory_space<hbm>> -> memref<10008x128xf32, #tpu.memory_space<hbm>>
      tpu.wait_indirect_dma semaphore(%arg21 : memref<!tpu.dma_semaphore, #tpu.memory_space<semaphore_mem>>) src(%dma_wait3A_299 : memref<10008x128xf32, #tpu.memory_space<hbm>>) dst(%arg15 : memref<56x128xf32, #tpu.memory_space<vmem>>)
      %dma_start3A_300 = arith.constant 2 : i32
      %dma_start3A_301 = arith.constant 0 : i32
      %dma_start3A_302 = tpu.memref_slice %arg12[%dma_start3A_300, %dma_start3A_301] : memref<8x56xi32, #tpu.memory_space<vmem>> -> memref<1x56xi32, #tpu.memory_space<vmem>>
      %dma_start3A_303 = tpu.memref_squeeze %dma_start3A_302 : memref<1x56xi32, #tpu.memory_space<vmem>> -> memref<56xi32, #tpu.memory_space<vmem>>
      %dma_start3A_304 = arith.constant 0 : i32
      %dma_start3A_305 = arith.constant 0 : i32
      %dma_start3A_306 = tpu.memref_slice %arg9[%dma_start3A_304, %dma_start3A_305] : memref<10112x128xf32, #tpu.memory_space<vmem_shared>> -> memref<10112x128xf32, #tpu.memory_space<vmem_shared>>
      tpu.enqueue_indirect_dma source(%arg15 : memref<56x128xf32, #tpu.memory_space<vmem>>) target(%dma_start3A_306 : memref<10112x128xf32, #tpu.memory_space<vmem_shared>>) offsets(%dma_start3A_303 : memref<56xi32, #tpu.memory_space<vmem>>) semaphore(%arg27 : memref<!tpu.dma_semaphore, #tpu.memory_space<semaphore_mem>>) {add = true}
      %dma_wait3A_307 = arith.constant 2 : i32
      %dma_wait3A_308 = arith.constant 0 : i32
      %dma_wait3A_309 = tpu.memref_slice %arg12[%dma_wait3A_307, %dma_wait3A_308] : memref<8x56xi32, #tpu.memory_space<vmem>> -> memref<1x56xi32, #tpu.memory_space<vmem>>
      %dma_wait3A_310 = tpu.memref_squeeze %dma_wait3A_309 : memref<1x56xi32, #tpu.memory_space<vmem>> -> memref<56xi32, #tpu.memory_space<vmem>>
      %dma_wait3A_311 = arith.constant 0 : i32
      %dma_wait3A_312 = arith.constant 0 : i32
      %dma_wait3A_313 = tpu.memref_slice %arg2[%dma_wait3A_311, %dma_wait3A_312] : memref<10008x128xf32, #tpu.memory_space<hbm>> -> memref<10008x128xf32, #tpu.memory_space<hbm>>
      tpu.wait_indirect_dma semaphore(%arg24 : memref<!tpu.dma_semaphore, #tpu.memory_space<semaphore_mem>>) src(%dma_wait3A_313 : memref<10008x128xf32, #tpu.memory_space<hbm>>) dst(%arg18 : memref<56x128xf32, #tpu.memory_space<vmem>>)
      %dma_start3A_314 = arith.constant 2 : i32
      %dma_start3A_315 = arith.constant 0 : i32
      %dma_start3A_316 = tpu.memref_slice %arg10[%dma_start3A_314, %dma_start3A_315] : memref<8x56xi32, #tpu.memory_space<vmem>> -> memref<1x56xi32, #tpu.memory_space<vmem>>
      %dma_start3A_317 = tpu.memref_squeeze %dma_start3A_316 : memref<1x56xi32, #tpu.memory_space<vmem>> -> memref<56xi32, #tpu.memory_space<vmem>>
      %dma_start3A_318 = arith.constant 0 : i32
      %dma_start3A_319 = arith.constant 0 : i32
      %dma_start3A_320 = tpu.memref_slice %arg9[%dma_start3A_318, %dma_start3A_319] : memref<10112x128xf32, #tpu.memory_space<vmem_shared>> -> memref<10112x128xf32, #tpu.memory_space<vmem_shared>>
      tpu.enqueue_indirect_dma source(%arg18 : memref<56x128xf32, #tpu.memory_space<vmem>>) target(%dma_start3A_320 : memref<10112x128xf32, #tpu.memory_space<vmem_shared>>) offsets(%dma_start3A_317 : memref<56xi32, #tpu.memory_space<vmem>>) semaphore(%arg30 : memref<!tpu.dma_semaphore, #tpu.memory_space<semaphore_mem>>) {add = true}
      %dma_wait3A_321 = arith.constant 2 : i32
      %dma_wait3A_322 = arith.constant 0 : i32
      %dma_wait3A_323 = tpu.memref_slice %arg12[%dma_wait3A_321, %dma_wait3A_322] : memref<8x56xi32, #tpu.memory_space<vmem>> -> memref<1x56xi32, #tpu.memory_space<vmem>>
      %dma_wait3A_324 = tpu.memref_squeeze %dma_wait3A_323 : memref<1x56xi32, #tpu.memory_space<vmem>> -> memref<56xi32, #tpu.memory_space<vmem>>
      %dma_wait3A_325 = arith.constant 0 : i32
      %dma_wait3A_326 = arith.constant 0 : i32
      %dma_wait3A_327 = tpu.memref_slice %arg9[%dma_wait3A_325, %dma_wait3A_326] : memref<10112x128xf32, #tpu.memory_space<vmem_shared>> -> memref<10112x128xf32, #tpu.memory_space<vmem_shared>>
      tpu.wait_indirect_dma semaphore(%arg27 : memref<!tpu.dma_semaphore, #tpu.memory_space<semaphore_mem>>) src(%arg15 : memref<56x128xf32, #tpu.memory_space<vmem>>) dst(%dma_wait3A_327 : memref<10112x128xf32, #tpu.memory_space<vmem_shared>>)
      %dma_start3A_328 = arith.constant 5 : i32
      %dma_start3A_329 = arith.constant 0 : i32
      %dma_start3A_330 = tpu.memref_slice %arg11[%dma_start3A_328, %dma_start3A_329] : memref<8x56xi32, #tpu.memory_space<vmem>> -> memref<1x56xi32, #tpu.memory_space<vmem>>
      %dma_start3A_331 = tpu.memref_squeeze %dma_start3A_330 : memref<1x56xi32, #tpu.memory_space<vmem>> -> memref<56xi32, #tpu.memory_space<vmem>>
      %dma_start3A_332 = arith.constant 0 : i32
      %dma_start3A_333 = arith.constant 0 : i32
      %dma_start3A_334 = tpu.memref_slice %arg3[%dma_start3A_332, %dma_start3A_333] : memref<10000x128xf32, #tpu.memory_space<hbm>> -> memref<10000x128xf32, #tpu.memory_space<hbm>>
      tpu.enqueue_indirect_dma source(%dma_start3A_334 : memref<10000x128xf32, #tpu.memory_space<hbm>>) target(%arg15 : memref<56x128xf32, #tpu.memory_space<vmem>>) offsets(%dma_start3A_331 : memref<56xi32, #tpu.memory_space<vmem>>) semaphore(%arg21 : memref<!tpu.dma_semaphore, #tpu.memory_space<semaphore_mem>>)
      %dma_wait3A_335 = arith.constant 2 : i32
      %dma_wait3A_336 = arith.constant 0 : i32
      %dma_wait3A_337 = tpu.memref_slice %arg10[%dma_wait3A_335, %dma_wait3A_336] : memref<8x56xi32, #tpu.memory_space<vmem>> -> memref<1x56xi32, #tpu.memory_space<vmem>>
      %dma_wait3A_338 = tpu.memref_squeeze %dma_wait3A_337 : memref<1x56xi32, #tpu.memory_space<vmem>> -> memref<56xi32, #tpu.memory_space<vmem>>
      %dma_wait3A_339 = arith.constant 0 : i32
      %dma_wait3A_340 = arith.constant 0 : i32
      %dma_wait3A_341 = tpu.memref_slice %arg9[%dma_wait3A_339, %dma_wait3A_340] : memref<10112x128xf32, #tpu.memory_space<vmem_shared>> -> memref<10112x128xf32, #tpu.memory_space<vmem_shared>>
      tpu.wait_indirect_dma semaphore(%arg30 : memref<!tpu.dma_semaphore, #tpu.memory_space<semaphore_mem>>) src(%arg18 : memref<56x128xf32, #tpu.memory_space<vmem>>) dst(%dma_wait3A_341 : memref<10112x128xf32, #tpu.memory_space<vmem_shared>>)
      %dma_start3A_342 = arith.constant 5 : i32
      %dma_start3A_343 = arith.constant 0 : i32
      %dma_start3A_344 = tpu.memref_slice %arg11[%dma_start3A_342, %dma_start3A_343] : memref<8x56xi32, #tpu.memory_space<vmem>> -> memref<1x56xi32, #tpu.memory_space<vmem>>
      %dma_start3A_345 = tpu.memref_squeeze %dma_start3A_344 : memref<1x56xi32, #tpu.memory_space<vmem>> -> memref<56xi32, #tpu.memory_space<vmem>>
      %dma_start3A_346 = arith.constant 0 : i32
      %dma_start3A_347 = arith.constant 0 : i32
      %dma_start3A_348 = tpu.memref_slice %arg3[%dma_start3A_346, %dma_start3A_347] : memref<10000x128xf32, #tpu.memory_space<hbm>> -> memref<10000x128xf32, #tpu.memory_space<hbm>>
      tpu.enqueue_indirect_dma source(%dma_start3A_348 : memref<10000x128xf32, #tpu.memory_space<hbm>>) target(%arg18 : memref<56x128xf32, #tpu.memory_space<vmem>>) offsets(%dma_start3A_345 : memref<56xi32, #tpu.memory_space<vmem>>) semaphore(%arg24 : memref<!tpu.dma_semaphore, #tpu.memory_space<semaphore_mem>>)
      %dma_wait3A_349 = arith.constant 4 : i32
      %dma_wait3A_350 = arith.constant 0 : i32
      %dma_wait3A_351 = tpu.memref_slice %arg11[%dma_wait3A_349, %dma_wait3A_350] : memref<8x56xi32, #tpu.memory_space<vmem>> -> memref<1x56xi32, #tpu.memory_space<vmem>>
      %dma_wait3A_352 = tpu.memref_squeeze %dma_wait3A_351 : memref<1x56xi32, #tpu.memory_space<vmem>> -> memref<56xi32, #tpu.memory_space<vmem>>
      %dma_wait3A_353 = arith.constant 0 : i32
      %dma_wait3A_354 = arith.constant 0 : i32
      %dma_wait3A_355 = tpu.memref_slice %arg3[%dma_wait3A_353, %dma_wait3A_354] : memref<10000x128xf32, #tpu.memory_space<hbm>> -> memref<10000x128xf32, #tpu.memory_space<hbm>>
      tpu.wait_indirect_dma semaphore(%arg20 : memref<!tpu.dma_semaphore, #tpu.memory_space<semaphore_mem>>) src(%dma_wait3A_355 : memref<10000x128xf32, #tpu.memory_space<hbm>>) dst(%arg14 : memref<56x128xf32, #tpu.memory_space<vmem>>)
      %dma_start3A_356 = arith.constant 4 : i32
      %dma_start3A_357 = arith.constant 0 : i32
      %dma_start3A_358 = tpu.memref_slice %arg10[%dma_start3A_356, %dma_start3A_357] : memref<8x56xi32, #tpu.memory_space<vmem>> -> memref<1x56xi32, #tpu.memory_space<vmem>>
      %dma_start3A_359 = tpu.memref_squeeze %dma_start3A_358 : memref<1x56xi32, #tpu.memory_space<vmem>> -> memref<56xi32, #tpu.memory_space<vmem>>
      %dma_start3A_360 = arith.constant 0 : i32
      %dma_start3A_361 = arith.constant 0 : i32
      %dma_start3A_362 = tpu.memref_slice %arg2[%dma_start3A_360, %dma_start3A_361] : memref<10008x128xf32, #tpu.memory_space<hbm>> -> memref<10008x128xf32, #tpu.memory_space<hbm>>
      tpu.enqueue_indirect_dma source(%dma_start3A_362 : memref<10008x128xf32, #tpu.memory_space<hbm>>) target(%arg14 : memref<56x128xf32, #tpu.memory_space<vmem>>) offsets(%dma_start3A_359 : memref<56xi32, #tpu.memory_space<vmem>>) semaphore(%arg20 : memref<!tpu.dma_semaphore, #tpu.memory_space<semaphore_mem>>) {add = true}
      %dma_wait3A_363 = arith.constant 4 : i32
      %dma_wait3A_364 = arith.constant 0 : i32
      %dma_wait3A_365 = tpu.memref_slice %arg11[%dma_wait3A_363, %dma_wait3A_364] : memref<8x56xi32, #tpu.memory_space<vmem>> -> memref<1x56xi32, #tpu.memory_space<vmem>>
      %dma_wait3A_366 = tpu.memref_squeeze %dma_wait3A_365 : memref<1x56xi32, #tpu.memory_space<vmem>> -> memref<56xi32, #tpu.memory_space<vmem>>
      %dma_wait3A_367 = arith.constant 0 : i32
      %dma_wait3A_368 = arith.constant 0 : i32
      %dma_wait3A_369 = tpu.memref_slice %arg3[%dma_wait3A_367, %dma_wait3A_368] : memref<10000x128xf32, #tpu.memory_space<hbm>> -> memref<10000x128xf32, #tpu.memory_space<hbm>>
      tpu.wait_indirect_dma semaphore(%arg23 : memref<!tpu.dma_semaphore, #tpu.memory_space<semaphore_mem>>) src(%dma_wait3A_369 : memref<10000x128xf32, #tpu.memory_space<hbm>>) dst(%arg17 : memref<56x128xf32, #tpu.memory_space<vmem>>)
      %dma_start3A_370 = arith.constant 4 : i32
      %dma_start3A_371 = arith.constant 0 : i32
      %dma_start3A_372 = tpu.memref_slice %arg12[%dma_start3A_370, %dma_start3A_371] : memref<8x56xi32, #tpu.memory_space<vmem>> -> memref<1x56xi32, #tpu.memory_space<vmem>>
      %dma_start3A_373 = tpu.memref_squeeze %dma_start3A_372 : memref<1x56xi32, #tpu.memory_space<vmem>> -> memref<56xi32, #tpu.memory_space<vmem>>
      %dma_start3A_374 = arith.constant 0 : i32
      %dma_start3A_375 = arith.constant 0 : i32
      %dma_start3A_376 = tpu.memref_slice %arg2[%dma_start3A_374, %dma_start3A_375] : memref<10008x128xf32, #tpu.memory_space<hbm>> -> memref<10008x128xf32, #tpu.memory_space<hbm>>
      tpu.enqueue_indirect_dma source(%dma_start3A_376 : memref<10008x128xf32, #tpu.memory_space<hbm>>) target(%arg17 : memref<56x128xf32, #tpu.memory_space<vmem>>) offsets(%dma_start3A_373 : memref<56xi32, #tpu.memory_space<vmem>>) semaphore(%arg23 : memref<!tpu.dma_semaphore, #tpu.memory_space<semaphore_mem>>) {add = true}
      %dma_wait3A_377 = arith.constant 3 : i32
      %dma_wait3A_378 = arith.constant 0 : i32
      %dma_wait3A_379 = tpu.memref_slice %arg10[%dma_wait3A_377, %dma_wait3A_378] : memref<8x56xi32, #tpu.memory_space<vmem>> -> memref<1x56xi32, #tpu.memory_space<vmem>>
      %dma_wait3A_380 = tpu.memref_squeeze %dma_wait3A_379 : memref<1x56xi32, #tpu.memory_space<vmem>> -> memref<56xi32, #tpu.memory_space<vmem>>
      %dma_wait3A_381 = arith.constant 0 : i32
      %dma_wait3A_382 = arith.constant 0 : i32
      %dma_wait3A_383 = tpu.memref_slice %arg2[%dma_wait3A_381, %dma_wait3A_382] : memref<10008x128xf32, #tpu.memory_space<hbm>> -> memref<10008x128xf32, #tpu.memory_space<hbm>>
      tpu.wait_indirect_dma semaphore(%arg19 : memref<!tpu.dma_semaphore, #tpu.memory_space<semaphore_mem>>) src(%dma_wait3A_383 : memref<10008x128xf32, #tpu.memory_space<hbm>>) dst(%arg13 : memref<56x128xf32, #tpu.memory_space<vmem>>)
      %dma_start3A_384 = arith.constant 3 : i32
      %dma_start3A_385 = arith.constant 0 : i32
      %dma_start3A_386 = tpu.memref_slice %arg12[%dma_start3A_384, %dma_start3A_385] : memref<8x56xi32, #tpu.memory_space<vmem>> -> memref<1x56xi32, #tpu.memory_space<vmem>>
      %dma_start3A_387 = tpu.memref_squeeze %dma_start3A_386 : memref<1x56xi32, #tpu.memory_space<vmem>> -> memref<56xi32, #tpu.memory_space<vmem>>
      %dma_start3A_388 = arith.constant 0 : i32
      %dma_start3A_389 = arith.constant 0 : i32
      %dma_start3A_390 = tpu.memref_slice %arg9[%dma_start3A_388, %dma_start3A_389] : memref<10112x128xf32, #tpu.memory_space<vmem_shared>> -> memref<10112x128xf32, #tpu.memory_space<vmem_shared>>
      tpu.enqueue_indirect_dma source(%arg13 : memref<56x128xf32, #tpu.memory_space<vmem>>) target(%dma_start3A_390 : memref<10112x128xf32, #tpu.memory_space<vmem_shared>>) offsets(%dma_start3A_387 : memref<56xi32, #tpu.memory_space<vmem>>) semaphore(%arg25 : memref<!tpu.dma_semaphore, #tpu.memory_space<semaphore_mem>>) {add = true}
      %dma_wait3A_391 = arith.constant 3 : i32
      %dma_wait3A_392 = arith.constant 0 : i32
      %dma_wait3A_393 = tpu.memref_slice %arg12[%dma_wait3A_391, %dma_wait3A_392] : memref<8x56xi32, #tpu.memory_space<vmem>> -> memref<1x56xi32, #tpu.memory_space<vmem>>
      %dma_wait3A_394 = tpu.memref_squeeze %dma_wait3A_393 : memref<1x56xi32, #tpu.memory_space<vmem>> -> memref<56xi32, #tpu.memory_space<vmem>>
      %dma_wait3A_395 = arith.constant 0 : i32
      %dma_wait3A_396 = arith.constant 0 : i32
      %dma_wait3A_397 = tpu.memref_slice %arg2[%dma_wait3A_395, %dma_wait3A_396] : memref<10008x128xf32, #tpu.memory_space<hbm>> -> memref<10008x128xf32, #tpu.memory_space<hbm>>
      tpu.wait_indirect_dma semaphore(%arg22 : memref<!tpu.dma_semaphore, #tpu.memory_space<semaphore_mem>>) src(%dma_wait3A_397 : memref<10008x128xf32, #tpu.memory_space<hbm>>) dst(%arg16 : memref<56x128xf32, #tpu.memory_space<vmem>>)
      %dma_start3A_398 = arith.constant 3 : i32
      %dma_start3A_399 = arith.constant 0 : i32
      %dma_start3A_400 = tpu.memref_slice %arg10[%dma_start3A_398, %dma_start3A_399] : memref<8x56xi32, #tpu.memory_space<vmem>> -> memref<1x56xi32, #tpu.memory_space<vmem>>
      %dma_start3A_401 = tpu.memref_squeeze %dma_start3A_400 : memref<1x56xi32, #tpu.memory_space<vmem>> -> memref<56xi32, #tpu.memory_space<vmem>>
      %dma_start3A_402 = arith.constant 0 : i32
      %dma_start3A_403 = arith.constant 0 : i32
      %dma_start3A_404 = tpu.memref_slice %arg9[%dma_start3A_402, %dma_start3A_403] : memref<10112x128xf32, #tpu.memory_space<vmem_shared>> -> memref<10112x128xf32, #tpu.memory_space<vmem_shared>>
      tpu.enqueue_indirect_dma source(%arg16 : memref<56x128xf32, #tpu.memory_space<vmem>>) target(%dma_start3A_404 : memref<10112x128xf32, #tpu.memory_space<vmem_shared>>) offsets(%dma_start3A_401 : memref<56xi32, #tpu.memory_space<vmem>>) semaphore(%arg28 : memref<!tpu.dma_semaphore, #tpu.memory_space<semaphore_mem>>) {add = true}
      %dma_wait3A_405 = arith.constant 3 : i32
      %dma_wait3A_406 = arith.constant 0 : i32
      %dma_wait3A_407 = tpu.memref_slice %arg12[%dma_wait3A_405, %dma_wait3A_406] : memref<8x56xi32, #tpu.memory_space<vmem>> -> memref<1x56xi32, #tpu.memory_space<vmem>>
      %dma_wait3A_408 = tpu.memref_squeeze %dma_wait3A_407 : memref<1x56xi32, #tpu.memory_space<vmem>> -> memref<56xi32, #tpu.memory_space<vmem>>
      %dma_wait3A_409 = arith.constant 0 : i32
      %dma_wait3A_410 = arith.constant 0 : i32
      %dma_wait3A_411 = tpu.memref_slice %arg9[%dma_wait3A_409, %dma_wait3A_410] : memref<10112x128xf32, #tpu.memory_space<vmem_shared>> -> memref<10112x128xf32, #tpu.memory_space<vmem_shared>>
      tpu.wait_indirect_dma semaphore(%arg25 : memref<!tpu.dma_semaphore, #tpu.memory_space<semaphore_mem>>) src(%arg13 : memref<56x128xf32, #tpu.memory_space<vmem>>) dst(%dma_wait3A_411 : memref<10112x128xf32, #tpu.memory_space<vmem_shared>>)
      %dma_start3A_412 = arith.constant 6 : i32
      %dma_start3A_413 = arith.constant 0 : i32
      %dma_start3A_414 = tpu.memref_slice %arg11[%dma_start3A_412, %dma_start3A_413] : memref<8x56xi32, #tpu.memory_space<vmem>> -> memref<1x56xi32, #tpu.memory_space<vmem>>
      %dma_start3A_415 = tpu.memref_squeeze %dma_start3A_414 : memref<1x56xi32, #tpu.memory_space<vmem>> -> memref<56xi32, #tpu.memory_space<vmem>>
      %dma_start3A_416 = arith.constant 0 : i32
      %dma_start3A_417 = arith.constant 0 : i32
      %dma_start3A_418 = tpu.memref_slice %arg3[%dma_start3A_416, %dma_start3A_417] : memref<10000x128xf32, #tpu.memory_space<hbm>> -> memref<10000x128xf32, #tpu.memory_space<hbm>>
      tpu.enqueue_indirect_dma source(%dma_start3A_418 : memref<10000x128xf32, #tpu.memory_space<hbm>>) target(%arg13 : memref<56x128xf32, #tpu.memory_space<vmem>>) offsets(%dma_start3A_415 : memref<56xi32, #tpu.memory_space<vmem>>) semaphore(%arg19 : memref<!tpu.dma_semaphore, #tpu.memory_space<semaphore_mem>>)
      %dma_wait3A_419 = arith.constant 3 : i32
      %dma_wait3A_420 = arith.constant 0 : i32
      %dma_wait3A_421 = tpu.memref_slice %arg10[%dma_wait3A_419, %dma_wait3A_420] : memref<8x56xi32, #tpu.memory_space<vmem>> -> memref<1x56xi32, #tpu.memory_space<vmem>>
      %dma_wait3A_422 = tpu.memref_squeeze %dma_wait3A_421 : memref<1x56xi32, #tpu.memory_space<vmem>> -> memref<56xi32, #tpu.memory_space<vmem>>
      %dma_wait3A_423 = arith.constant 0 : i32
      %dma_wait3A_424 = arith.constant 0 : i32
      %dma_wait3A_425 = tpu.memref_slice %arg9[%dma_wait3A_423, %dma_wait3A_424] : memref<10112x128xf32, #tpu.memory_space<vmem_shared>> -> memref<10112x128xf32, #tpu.memory_space<vmem_shared>>
      tpu.wait_indirect_dma semaphore(%arg28 : memref<!tpu.dma_semaphore, #tpu.memory_space<semaphore_mem>>) src(%arg16 : memref<56x128xf32, #tpu.memory_space<vmem>>) dst(%dma_wait3A_425 : memref<10112x128xf32, #tpu.memory_space<vmem_shared>>)
      %dma_start3A_426 = arith.constant 6 : i32
      %dma_start3A_427 = arith.constant 0 : i32
      %dma_start3A_428 = tpu.memref_slice %arg11[%dma_start3A_426, %dma_start3A_427] : memref<8x56xi32, #tpu.memory_space<vmem>> -> memref<1x56xi32, #tpu.memory_space<vmem>>
      %dma_start3A_429 = tpu.memref_squeeze %dma_start3A_428 : memref<1x56xi32, #tpu.memory_space<vmem>> -> memref<56xi32, #tpu.memory_space<vmem>>
      %dma_start3A_430 = arith.constant 0 : i32
      %dma_start3A_431 = arith.constant 0 : i32
      %dma_start3A_432 = tpu.memref_slice %arg3[%dma_start3A_430, %dma_start3A_431] : memref<10000x128xf32, #tpu.memory_space<hbm>> -> memref<10000x128xf32, #tpu.memory_space<hbm>>
      tpu.enqueue_indirect_dma source(%dma_start3A_432 : memref<10000x128xf32, #tpu.memory_space<hbm>>) target(%arg16 : memref<56x128xf32, #tpu.memory_space<vmem>>) offsets(%dma_start3A_429 : memref<56xi32, #tpu.memory_space<vmem>>) semaphore(%arg22 : memref<!tpu.dma_semaphore, #tpu.memory_space<semaphore_mem>>)
      %dma_wait3A_433 = arith.constant 5 : i32
      %dma_wait3A_434 = arith.constant 0 : i32
      %dma_wait3A_435 = tpu.memref_slice %arg11[%dma_wait3A_433, %dma_wait3A_434] : memref<8x56xi32, #tpu.memory_space<vmem>> -> memref<1x56xi32, #tpu.memory_space<vmem>>
      %dma_wait3A_436 = tpu.memref_squeeze %dma_wait3A_435 : memref<1x56xi32, #tpu.memory_space<vmem>> -> memref<56xi32, #tpu.memory_space<vmem>>
      %dma_wait3A_437 = arith.constant 0 : i32
      %dma_wait3A_438 = arith.constant 0 : i32
      %dma_wait3A_439 = tpu.memref_slice %arg3[%dma_wait3A_437, %dma_wait3A_438] : memref<10000x128xf32, #tpu.memory_space<hbm>> -> memref<10000x128xf32, #tpu.memory_space<hbm>>
      tpu.wait_indirect_dma semaphore(%arg21 : memref<!tpu.dma_semaphore, #tpu.memory_space<semaphore_mem>>) src(%dma_wait3A_439 : memref<10000x128xf32, #tpu.memory_space<hbm>>) dst(%arg15 : memref<56x128xf32, #tpu.memory_space<vmem>>)
      %dma_start3A_440 = arith.constant 5 : i32
      %dma_start3A_441 = arith.constant 0 : i32
      %dma_start3A_442 = tpu.memref_slice %arg10[%dma_start3A_440, %dma_start3A_441] : memref<8x56xi32, #tpu.memory_space<vmem>> -> memref<1x56xi32, #tpu.memory_space<vmem>>
      %dma_start3A_443 = tpu.memref_squeeze %dma_start3A_442 : memref<1x56xi32, #tpu.memory_space<vmem>> -> memref<56xi32, #tpu.memory_space<vmem>>
      %dma_start3A_444 = arith.constant 0 : i32
      %dma_start3A_445 = arith.constant 0 : i32
      %dma_start3A_446 = tpu.memref_slice %arg2[%dma_start3A_444, %dma_start3A_445] : memref<10008x128xf32, #tpu.memory_space<hbm>> -> memref<10008x128xf32, #tpu.memory_space<hbm>>
      tpu.enqueue_indirect_dma source(%dma_start3A_446 : memref<10008x128xf32, #tpu.memory_space<hbm>>) target(%arg15 : memref<56x128xf32, #tpu.memory_space<vmem>>) offsets(%dma_start3A_443 : memref<56xi32, #tpu.memory_space<vmem>>) semaphore(%arg21 : memref<!tpu.dma_semaphore, #tpu.memory_space<semaphore_mem>>) {add = true}
      %dma_wait3A_447 = arith.constant 5 : i32
      %dma_wait3A_448 = arith.constant 0 : i32
      %dma_wait3A_449 = tpu.memref_slice %arg11[%dma_wait3A_447, %dma_wait3A_448] : memref<8x56xi32, #tpu.memory_space<vmem>> -> memref<1x56xi32, #tpu.memory_space<vmem>>
      %dma_wait3A_450 = tpu.memref_squeeze %dma_wait3A_449 : memref<1x56xi32, #tpu.memory_space<vmem>> -> memref<56xi32, #tpu.memory_space<vmem>>
      %dma_wait3A_451 = arith.constant 0 : i32
      %dma_wait3A_452 = arith.constant 0 : i32
      %dma_wait3A_453 = tpu.memref_slice %arg3[%dma_wait3A_451, %dma_wait3A_452] : memref<10000x128xf32, #tpu.memory_space<hbm>> -> memref<10000x128xf32, #tpu.memory_space<hbm>>
      tpu.wait_indirect_dma semaphore(%arg24 : memref<!tpu.dma_semaphore, #tpu.memory_space<semaphore_mem>>) src(%dma_wait3A_453 : memref<10000x128xf32, #tpu.memory_space<hbm>>) dst(%arg18 : memref<56x128xf32, #tpu.memory_space<vmem>>)
      %dma_start3A_454 = arith.constant 5 : i32
      %dma_start3A_455 = arith.constant 0 : i32
      %dma_start3A_456 = tpu.memref_slice %arg12[%dma_start3A_454, %dma_start3A_455] : memref<8x56xi32, #tpu.memory_space<vmem>> -> memref<1x56xi32, #tpu.memory_space<vmem>>
      %dma_start3A_457 = tpu.memref_squeeze %dma_start3A_456 : memref<1x56xi32, #tpu.memory_space<vmem>> -> memref<56xi32, #tpu.memory_space<vmem>>
      %dma_start3A_458 = arith.constant 0 : i32
      %dma_start3A_459 = arith.constant 0 : i32
      %dma_start3A_460 = tpu.memref_slice %arg2[%dma_start3A_458, %dma_start3A_459] : memref<10008x128xf32, #tpu.memory_space<hbm>> -> memref<10008x128xf32, #tpu.memory_space<hbm>>
      tpu.enqueue_indirect_dma source(%dma_start3A_460 : memref<10008x128xf32, #tpu.memory_space<hbm>>) target(%arg18 : memref<56x128xf32, #tpu.memory_space<vmem>>) offsets(%dma_start3A_457 : memref<56xi32, #tpu.memory_space<vmem>>) semaphore(%arg24 : memref<!tpu.dma_semaphore, #tpu.memory_space<semaphore_mem>>) {add = true}
      %dma_wait3A_461 = arith.constant 4 : i32
      %dma_wait3A_462 = arith.constant 0 : i32
      %dma_wait3A_463 = tpu.memref_slice %arg10[%dma_wait3A_461, %dma_wait3A_462] : memref<8x56xi32, #tpu.memory_space<vmem>> -> memref<1x56xi32, #tpu.memory_space<vmem>>
      %dma_wait3A_464 = tpu.memref_squeeze %dma_wait3A_463 : memref<1x56xi32, #tpu.memory_space<vmem>> -> memref<56xi32, #tpu.memory_space<vmem>>
      %dma_wait3A_465 = arith.constant 0 : i32
      %dma_wait3A_466 = arith.constant 0 : i32
      %dma_wait3A_467 = tpu.memref_slice %arg2[%dma_wait3A_465, %dma_wait3A_466] : memref<10008x128xf32, #tpu.memory_space<hbm>> -> memref<10008x128xf32, #tpu.memory_space<hbm>>
      tpu.wait_indirect_dma semaphore(%arg20 : memref<!tpu.dma_semaphore, #tpu.memory_space<semaphore_mem>>) src(%dma_wait3A_467 : memref<10008x128xf32, #tpu.memory_space<hbm>>) dst(%arg14 : memref<56x128xf32, #tpu.memory_space<vmem>>)
      %dma_start3A_468 = arith.constant 4 : i32
      %dma_start3A_469 = arith.constant 0 : i32
      %dma_start3A_470 = tpu.memref_slice %arg12[%dma_start3A_468, %dma_start3A_469] : memref<8x56xi32, #tpu.memory_space<vmem>> -> memref<1x56xi32, #tpu.memory_space<vmem>>
      %dma_start3A_471 = tpu.memref_squeeze %dma_start3A_470 : memref<1x56xi32, #tpu.memory_space<vmem>> -> memref<56xi32, #tpu.memory_space<vmem>>
      %dma_start3A_472 = arith.constant 0 : i32
      %dma_start3A_473 = arith.constant 0 : i32
      %dma_start3A_474 = tpu.memref_slice %arg9[%dma_start3A_472, %dma_start3A_473] : memref<10112x128xf32, #tpu.memory_space<vmem_shared>> -> memref<10112x128xf32, #tpu.memory_space<vmem_shared>>
      tpu.enqueue_indirect_dma source(%arg14 : memref<56x128xf32, #tpu.memory_space<vmem>>) target(%dma_start3A_474 : memref<10112x128xf32, #tpu.memory_space<vmem_shared>>) offsets(%dma_start3A_471 : memref<56xi32, #tpu.memory_space<vmem>>) semaphore(%arg26 : memref<!tpu.dma_semaphore, #tpu.memory_space<semaphore_mem>>) {add = true}
      %dma_wait3A_475 = arith.constant 4 : i32
      %dma_wait3A_476 = arith.constant 0 : i32
      %dma_wait3A_477 = tpu.memref_slice %arg12[%dma_wait3A_475, %dma_wait3A_476] : memref<8x56xi32, #tpu.memory_space<vmem>> -> memref<1x56xi32, #tpu.memory_space<vmem>>
      %dma_wait3A_478 = tpu.memref_squeeze %dma_wait3A_477 : memref<1x56xi32, #tpu.memory_space<vmem>> -> memref<56xi32, #tpu.memory_space<vmem>>
      %dma_wait3A_479 = arith.constant 0 : i32
      %dma_wait3A_480 = arith.constant 0 : i32
      %dma_wait3A_481 = tpu.memref_slice %arg2[%dma_wait3A_479, %dma_wait3A_480] : memref<10008x128xf32, #tpu.memory_space<hbm>> -> memref<10008x128xf32, #tpu.memory_space<hbm>>
      tpu.wait_indirect_dma semaphore(%arg23 : memref<!tpu.dma_semaphore, #tpu.memory_space<semaphore_mem>>) src(%dma_wait3A_481 : memref<10008x128xf32, #tpu.memory_space<hbm>>) dst(%arg17 : memref<56x128xf32, #tpu.memory_space<vmem>>)
      %dma_start3A_482 = arith.constant 4 : i32
      %dma_start3A_483 = arith.constant 0 : i32
      %dma_start3A_484 = tpu.memref_slice %arg10[%dma_start3A_482, %dma_start3A_483] : memref<8x56xi32, #tpu.memory_space<vmem>> -> memref<1x56xi32, #tpu.memory_space<vmem>>
      %dma_start3A_485 = tpu.memref_squeeze %dma_start3A_484 : memref<1x56xi32, #tpu.memory_space<vmem>> -> memref<56xi32, #tpu.memory_space<vmem>>
      %dma_start3A_486 = arith.constant 0 : i32
      %dma_start3A_487 = arith.constant 0 : i32
      %dma_start3A_488 = tpu.memref_slice %arg9[%dma_start3A_486, %dma_start3A_487] : memref<10112x128xf32, #tpu.memory_space<vmem_shared>> -> memref<10112x128xf32, #tpu.memory_space<vmem_shared>>
      tpu.enqueue_indirect_dma source(%arg17 : memref<56x128xf32, #tpu.memory_space<vmem>>) target(%dma_start3A_488 : memref<10112x128xf32, #tpu.memory_space<vmem_shared>>) offsets(%dma_start3A_485 : memref<56xi32, #tpu.memory_space<vmem>>) semaphore(%arg29 : memref<!tpu.dma_semaphore, #tpu.memory_space<semaphore_mem>>) {add = true}
      %dma_wait3A_489 = arith.constant 4 : i32
      %dma_wait3A_490 = arith.constant 0 : i32
      %dma_wait3A_491 = tpu.memref_slice %arg12[%dma_wait3A_489, %dma_wait3A_490] : memref<8x56xi32, #tpu.memory_space<vmem>> -> memref<1x56xi32, #tpu.memory_space<vmem>>
      %dma_wait3A_492 = tpu.memref_squeeze %dma_wait3A_491 : memref<1x56xi32, #tpu.memory_space<vmem>> -> memref<56xi32, #tpu.memory_space<vmem>>
      %dma_wait3A_493 = arith.constant 0 : i32
      %dma_wait3A_494 = arith.constant 0 : i32
      %dma_wait3A_495 = tpu.memref_slice %arg9[%dma_wait3A_493, %dma_wait3A_494] : memref<10112x128xf32, #tpu.memory_space<vmem_shared>> -> memref<10112x128xf32, #tpu.memory_space<vmem_shared>>
      tpu.wait_indirect_dma semaphore(%arg26 : memref<!tpu.dma_semaphore, #tpu.memory_space<semaphore_mem>>) src(%arg14 : memref<56x128xf32, #tpu.memory_space<vmem>>) dst(%dma_wait3A_495 : memref<10112x128xf32, #tpu.memory_space<vmem_shared>>)
      %dma_start3A_496 = arith.constant 7 : i32
      %dma_start3A_497 = arith.constant 0 : i32
      %dma_start3A_498 = tpu.memref_slice %arg11[%dma_start3A_496, %dma_start3A_497] : memref<8x56xi32, #tpu.memory_space<vmem>> -> memref<1x56xi32, #tpu.memory_space<vmem>>
      %dma_start3A_499 = tpu.memref_squeeze %dma_start3A_498 : memref<1x56xi32, #tpu.memory_space<vmem>> -> memref<56xi32, #tpu.memory_space<vmem>>
      %dma_start3A_500 = arith.constant 0 : i32
      %dma_start3A_501 = arith.constant 0 : i32
      %dma_start3A_502 = tpu.memref_slice %arg3[%dma_start3A_500, %dma_start3A_501] : memref<10000x128xf32, #tpu.memory_space<hbm>> -> memref<10000x128xf32, #tpu.memory_space<hbm>>
      tpu.enqueue_indirect_dma source(%dma_start3A_502 : memref<10000x128xf32, #tpu.memory_space<hbm>>) target(%arg14 : memref<56x128xf32, #tpu.memory_space<vmem>>) offsets(%dma_start3A_499 : memref<56xi32, #tpu.memory_space<vmem>>) semaphore(%arg20 : memref<!tpu.dma_semaphore, #tpu.memory_space<semaphore_mem>>)
      %dma_wait3A_503 = arith.constant 4 : i32
      %dma_wait3A_504 = arith.constant 0 : i32
      %dma_wait3A_505 = tpu.memref_slice %arg10[%dma_wait3A_503, %dma_wait3A_504] : memref<8x56xi32, #tpu.memory_space<vmem>> -> memref<1x56xi32, #tpu.memory_space<vmem>>
      %dma_wait3A_506 = tpu.memref_squeeze %dma_wait3A_505 : memref<1x56xi32, #tpu.memory_space<vmem>> -> memref<56xi32, #tpu.memory_space<vmem>>
      %dma_wait3A_507 = arith.constant 0 : i32
      %dma_wait3A_508 = arith.constant 0 : i32
      %dma_wait3A_509 = tpu.memref_slice %arg9[%dma_wait3A_507, %dma_wait3A_508] : memref<10112x128xf32, #tpu.memory_space<vmem_shared>> -> memref<10112x128xf32, #tpu.memory_space<vmem_shared>>
      tpu.wait_indirect_dma semaphore(%arg29 : memref<!tpu.dma_semaphore, #tpu.memory_space<semaphore_mem>>) src(%arg17 : memref<56x128xf32, #tpu.memory_space<vmem>>) dst(%dma_wait3A_509 : memref<10112x128xf32, #tpu.memory_space<vmem_shared>>)
      %dma_start3A_510 = arith.constant 7 : i32
      %dma_start3A_511 = arith.constant 0 : i32
      %dma_start3A_512 = tpu.memref_slice %arg11[%dma_start3A_510, %dma_start3A_511] : memref<8x56xi32, #tpu.memory_space<vmem>> -> memref<1x56xi32, #tpu.memory_space<vmem>>
      %dma_start3A_513 = tpu.memref_squeeze %dma_start3A_512 : memref<1x56xi32, #tpu.memory_space<vmem>> -> memref<56xi32, #tpu.memory_space<vmem>>
      %dma_start3A_514 = arith.constant 0 : i32
      %dma_start3A_515 = arith.constant 0 : i32
      %dma_start3A_516 = tpu.memref_slice %arg3[%dma_start3A_514, %dma_start3A_515] : memref<10000x128xf32, #tpu.memory_space<hbm>> -> memref<10000x128xf32, #tpu.memory_space<hbm>>
      tpu.enqueue_indirect_dma source(%dma_start3A_516 : memref<10000x128xf32, #tpu.memory_space<hbm>>) target(%arg17 : memref<56x128xf32, #tpu.memory_space<vmem>>) offsets(%dma_start3A_513 : memref<56xi32, #tpu.memory_space<vmem>>) semaphore(%arg23 : memref<!tpu.dma_semaphore, #tpu.memory_space<semaphore_mem>>)
      %dma_wait3A_517 = arith.constant 6 : i32
      %dma_wait3A_518 = arith.constant 0 : i32
      %dma_wait3A_519 = tpu.memref_slice %arg11[%dma_wait3A_517, %dma_wait3A_518] : memref<8x56xi32, #tpu.memory_space<vmem>> -> memref<1x56xi32, #tpu.memory_space<vmem>>
      %dma_wait3A_520 = tpu.memref_squeeze %dma_wait3A_519 : memref<1x56xi32, #tpu.memory_space<vmem>> -> memref<56xi32, #tpu.memory_space<vmem>>
      %dma_wait3A_521 = arith.constant 0 : i32
      %dma_wait3A_522 = arith.constant 0 : i32
      %dma_wait3A_523 = tpu.memref_slice %arg3[%dma_wait3A_521, %dma_wait3A_522] : memref<10000x128xf32, #tpu.memory_space<hbm>> -> memref<10000x128xf32, #tpu.memory_space<hbm>>
      tpu.wait_indirect_dma semaphore(%arg19 : memref<!tpu.dma_semaphore, #tpu.memory_space<semaphore_mem>>) src(%dma_wait3A_523 : memref<10000x128xf32, #tpu.memory_space<hbm>>) dst(%arg13 : memref<56x128xf32, #tpu.memory_space<vmem>>)
      %dma_start3A_524 = arith.constant 6 : i32
      %dma_start3A_525 = arith.constant 0 : i32
      %dma_start3A_526 = tpu.memref_slice %arg10[%dma_start3A_524, %dma_start3A_525] : memref<8x56xi32, #tpu.memory_space<vmem>> -> memref<1x56xi32, #tpu.memory_space<vmem>>
      %dma_start3A_527 = tpu.memref_squeeze %dma_start3A_526 : memref<1x56xi32, #tpu.memory_space<vmem>> -> memref<56xi32, #tpu.memory_space<vmem>>
      %dma_start3A_528 = arith.constant 0 : i32
      %dma_start3A_529 = arith.constant 0 : i32
      %dma_start3A_530 = tpu.memref_slice %arg2[%dma_start3A_528, %dma_start3A_529] : memref<10008x128xf32, #tpu.memory_space<hbm>> -> memref<10008x128xf32, #tpu.memory_space<hbm>>
      tpu.enqueue_indirect_dma source(%dma_start3A_530 : memref<10008x128xf32, #tpu.memory_space<hbm>>) target(%arg13 : memref<56x128xf32, #tpu.memory_space<vmem>>) offsets(%dma_start3A_527 : memref<56xi32, #tpu.memory_space<vmem>>) semaphore(%arg19 : memref<!tpu.dma_semaphore, #tpu.memory_space<semaphore_mem>>) {add = true}
      %dma_wait3A_531 = arith.constant 6 : i32
      %dma_wait3A_532 = arith.constant 0 : i32
      %dma_wait3A_533 = tpu.memref_slice %arg11[%dma_wait3A_531, %dma_wait3A_532] : memref<8x56xi32, #tpu.memory_space<vmem>> -> memref<1x56xi32, #tpu.memory_space<vmem>>
      %dma_wait3A_534 = tpu.memref_squeeze %dma_wait3A_533 : memref<1x56xi32, #tpu.memory_space<vmem>> -> memref<56xi32, #tpu.memory_space<vmem>>
      %dma_wait3A_535 = arith.constant 0 : i32
      %dma_wait3A_536 = arith.constant 0 : i32
      %dma_wait3A_537 = tpu.memref_slice %arg3[%dma_wait3A_535, %dma_wait3A_536] : memref<10000x128xf32, #tpu.memory_space<hbm>> -> memref<10000x128xf32, #tpu.memory_space<hbm>>
      tpu.wait_indirect_dma semaphore(%arg22 : memref<!tpu.dma_semaphore, #tpu.memory_space<semaphore_mem>>) src(%dma_wait3A_537 : memref<10000x128xf32, #tpu.memory_space<hbm>>) dst(%arg16 : memref<56x128xf32, #tpu.memory_space<vmem>>)
      %dma_start3A_538 = arith.constant 6 : i32
      %dma_start3A_539 = arith.constant 0 : i32
      %dma_start3A_540 = tpu.memref_slice %arg12[%dma_start3A_538, %dma_start3A_539] : memref<8x56xi32, #tpu.memory_space<vmem>> -> memref<1x56xi32, #tpu.memory_space<vmem>>
      %dma_start3A_541 = tpu.memref_squeeze %dma_start3A_540 : memref<1x56xi32, #tpu.memory_space<vmem>> -> memref<56xi32, #tpu.memory_space<vmem>>
      %dma_start3A_542 = arith.constant 0 : i32
      %dma_start3A_543 = arith.constant 0 : i32
      %dma_start3A_544 = tpu.memref_slice %arg2[%dma_start3A_542, %dma_start3A_543] : memref<10008x128xf32, #tpu.memory_space<hbm>> -> memref<10008x128xf32, #tpu.memory_space<hbm>>
      tpu.enqueue_indirect_dma source(%dma_start3A_544 : memref<10008x128xf32, #tpu.memory_space<hbm>>) target(%arg16 : memref<56x128xf32, #tpu.memory_space<vmem>>) offsets(%dma_start3A_541 : memref<56xi32, #tpu.memory_space<vmem>>) semaphore(%arg22 : memref<!tpu.dma_semaphore, #tpu.memory_space<semaphore_mem>>) {add = true}
      %dma_wait3A_545 = arith.constant 5 : i32
      %dma_wait3A_546 = arith.constant 0 : i32
      %dma_wait3A_547 = tpu.memref_slice %arg10[%dma_wait3A_545, %dma_wait3A_546] : memref<8x56xi32, #tpu.memory_space<vmem>> -> memref<1x56xi32, #tpu.memory_space<vmem>>
      %dma_wait3A_548 = tpu.memref_squeeze %dma_wait3A_547 : memref<1x56xi32, #tpu.memory_space<vmem>> -> memref<56xi32, #tpu.memory_space<vmem>>
      %dma_wait3A_549 = arith.constant 0 : i32
      %dma_wait3A_550 = arith.constant 0 : i32
      %dma_wait3A_551 = tpu.memref_slice %arg2[%dma_wait3A_549, %dma_wait3A_550] : memref<10008x128xf32, #tpu.memory_space<hbm>> -> memref<10008x128xf32, #tpu.memory_space<hbm>>
      tpu.wait_indirect_dma semaphore(%arg21 : memref<!tpu.dma_semaphore, #tpu.memory_space<semaphore_mem>>) src(%dma_wait3A_551 : memref<10008x128xf32, #tpu.memory_space<hbm>>) dst(%arg15 : memref<56x128xf32, #tpu.memory_space<vmem>>)
      %dma_start3A_552 = arith.constant 5 : i32
      %dma_start3A_553 = arith.constant 0 : i32
      %dma_start3A_554 = tpu.memref_slice %arg12[%dma_start3A_552, %dma_start3A_553] : memref<8x56xi32, #tpu.memory_space<vmem>> -> memref<1x56xi32, #tpu.memory_space<vmem>>
      %dma_start3A_555 = tpu.memref_squeeze %dma_start3A_554 : memref<1x56xi32, #tpu.memory_space<vmem>> -> memref<56xi32, #tpu.memory_space<vmem>>
      %dma_start3A_556 = arith.constant 0 : i32
      %dma_start3A_557 = arith.constant 0 : i32
      %dma_start3A_558 = tpu.memref_slice %arg9[%dma_start3A_556, %dma_start3A_557] : memref<10112x128xf32, #tpu.memory_space<vmem_shared>> -> memref<10112x128xf32, #tpu.memory_space<vmem_shared>>
      tpu.enqueue_indirect_dma source(%arg15 : memref<56x128xf32, #tpu.memory_space<vmem>>) target(%dma_start3A_558 : memref<10112x128xf32, #tpu.memory_space<vmem_shared>>) offsets(%dma_start3A_555 : memref<56xi32, #tpu.memory_space<vmem>>) semaphore(%arg27 : memref<!tpu.dma_semaphore, #tpu.memory_space<semaphore_mem>>) {add = true}
      %dma_wait3A_559 = arith.constant 5 : i32
      %dma_wait3A_560 = arith.constant 0 : i32
      %dma_wait3A_561 = tpu.memref_slice %arg12[%dma_wait3A_559, %dma_wait3A_560] : memref<8x56xi32, #tpu.memory_space<vmem>> -> memref<1x56xi32, #tpu.memory_space<vmem>>
      %dma_wait3A_562 = tpu.memref_squeeze %dma_wait3A_561 : memref<1x56xi32, #tpu.memory_space<vmem>> -> memref<56xi32, #tpu.memory_space<vmem>>
      %dma_wait3A_563 = arith.constant 0 : i32
      %dma_wait3A_564 = arith.constant 0 : i32
      %dma_wait3A_565 = tpu.memref_slice %arg2[%dma_wait3A_563, %dma_wait3A_564] : memref<10008x128xf32, #tpu.memory_space<hbm>> -> memref<10008x128xf32, #tpu.memory_space<hbm>>
      tpu.wait_indirect_dma semaphore(%arg24 : memref<!tpu.dma_semaphore, #tpu.memory_space<semaphore_mem>>) src(%dma_wait3A_565 : memref<10008x128xf32, #tpu.memory_space<hbm>>) dst(%arg18 : memref<56x128xf32, #tpu.memory_space<vmem>>)
      %dma_start3A_566 = arith.constant 5 : i32
      %dma_start3A_567 = arith.constant 0 : i32
      %dma_start3A_568 = tpu.memref_slice %arg10[%dma_start3A_566, %dma_start3A_567] : memref<8x56xi32, #tpu.memory_space<vmem>> -> memref<1x56xi32, #tpu.memory_space<vmem>>
      %dma_start3A_569 = tpu.memref_squeeze %dma_start3A_568 : memref<1x56xi32, #tpu.memory_space<vmem>> -> memref<56xi32, #tpu.memory_space<vmem>>
      %dma_start3A_570 = arith.constant 0 : i32
      %dma_start3A_571 = arith.constant 0 : i32
      %dma_start3A_572 = tpu.memref_slice %arg9[%dma_start3A_570, %dma_start3A_571] : memref<10112x128xf32, #tpu.memory_space<vmem_shared>> -> memref<10112x128xf32, #tpu.memory_space<vmem_shared>>
      tpu.enqueue_indirect_dma source(%arg18 : memref<56x128xf32, #tpu.memory_space<vmem>>) target(%dma_start3A_572 : memref<10112x128xf32, #tpu.memory_space<vmem_shared>>) offsets(%dma_start3A_569 : memref<56xi32, #tpu.memory_space<vmem>>) semaphore(%arg30 : memref<!tpu.dma_semaphore, #tpu.memory_space<semaphore_mem>>) {add = true}
      %dma_wait3A_573 = arith.constant 7 : i32
      %dma_wait3A_574 = arith.constant 0 : i32
      %dma_wait3A_575 = tpu.memref_slice %arg11[%dma_wait3A_573, %dma_wait3A_574] : memref<8x56xi32, #tpu.memory_space<vmem>> -> memref<1x56xi32, #tpu.memory_space<vmem>>
      %dma_wait3A_576 = tpu.memref_squeeze %dma_wait3A_575 : memref<1x56xi32, #tpu.memory_space<vmem>> -> memref<56xi32, #tpu.memory_space<vmem>>
      %dma_wait3A_577 = arith.constant 0 : i32
      %dma_wait3A_578 = arith.constant 0 : i32
      %dma_wait3A_579 = tpu.memref_slice %arg3[%dma_wait3A_577, %dma_wait3A_578] : memref<10000x128xf32, #tpu.memory_space<hbm>> -> memref<10000x128xf32, #tpu.memory_space<hbm>>
      tpu.wait_indirect_dma semaphore(%arg20 : memref<!tpu.dma_semaphore, #tpu.memory_space<semaphore_mem>>) src(%dma_wait3A_579 : memref<10000x128xf32, #tpu.memory_space<hbm>>) dst(%arg14 : memref<56x128xf32, #tpu.memory_space<vmem>>)
      %dma_start3A_580 = arith.constant 7 : i32
      %dma_start3A_581 = arith.constant 0 : i32
      %dma_start3A_582 = tpu.memref_slice %arg10[%dma_start3A_580, %dma_start3A_581] : memref<8x56xi32, #tpu.memory_space<vmem>> -> memref<1x56xi32, #tpu.memory_space<vmem>>
      %dma_start3A_583 = tpu.memref_squeeze %dma_start3A_582 : memref<1x56xi32, #tpu.memory_space<vmem>> -> memref<56xi32, #tpu.memory_space<vmem>>
      %dma_start3A_584 = arith.constant 0 : i32
      %dma_start3A_585 = arith.constant 0 : i32
      %dma_start3A_586 = tpu.memref_slice %arg2[%dma_start3A_584, %dma_start3A_585] : memref<10008x128xf32, #tpu.memory_space<hbm>> -> memref<10008x128xf32, #tpu.memory_space<hbm>>
      tpu.enqueue_indirect_dma source(%dma_start3A_586 : memref<10008x128xf32, #tpu.memory_space<hbm>>) target(%arg14 : memref<56x128xf32, #tpu.memory_space<vmem>>) offsets(%dma_start3A_583 : memref<56xi32, #tpu.memory_space<vmem>>) semaphore(%arg20 : memref<!tpu.dma_semaphore, #tpu.memory_space<semaphore_mem>>) {add = true}
      %dma_wait3A_587 = arith.constant 7 : i32
      %dma_wait3A_588 = arith.constant 0 : i32
      %dma_wait3A_589 = tpu.memref_slice %arg11[%dma_wait3A_587, %dma_wait3A_588] : memref<8x56xi32, #tpu.memory_space<vmem>> -> memref<1x56xi32, #tpu.memory_space<vmem>>
      %dma_wait3A_590 = tpu.memref_squeeze %dma_wait3A_589 : memref<1x56xi32, #tpu.memory_space<vmem>> -> memref<56xi32, #tpu.memory_space<vmem>>
      %dma_wait3A_591 = arith.constant 0 : i32
      %dma_wait3A_592 = arith.constant 0 : i32
      %dma_wait3A_593 = tpu.memref_slice %arg3[%dma_wait3A_591, %dma_wait3A_592] : memref<10000x128xf32, #tpu.memory_space<hbm>> -> memref<10000x128xf32, #tpu.memory_space<hbm>>
      tpu.wait_indirect_dma semaphore(%arg23 : memref<!tpu.dma_semaphore, #tpu.memory_space<semaphore_mem>>) src(%dma_wait3A_593 : memref<10000x128xf32, #tpu.memory_space<hbm>>) dst(%arg17 : memref<56x128xf32, #tpu.memory_space<vmem>>)
      %dma_start3A_594 = arith.constant 7 : i32
      %dma_start3A_595 = arith.constant 0 : i32
      %dma_start3A_596 = tpu.memref_slice %arg12[%dma_start3A_594, %dma_start3A_595] : memref<8x56xi32, #tpu.memory_space<vmem>> -> memref<1x56xi32, #tpu.memory_space<vmem>>
      %dma_start3A_597 = tpu.memref_squeeze %dma_start3A_596 : memref<1x56xi32, #tpu.memory_space<vmem>> -> memref<56xi32, #tpu.memory_space<vmem>>
      %dma_start3A_598 = arith.constant 0 : i32
      %dma_start3A_599 = arith.constant 0 : i32
      %dma_start3A_600 = tpu.memref_slice %arg2[%dma_start3A_598, %dma_start3A_599] : memref<10008x128xf32, #tpu.memory_space<hbm>> -> memref<10008x128xf32, #tpu.memory_space<hbm>>
      tpu.enqueue_indirect_dma source(%dma_start3A_600 : memref<10008x128xf32, #tpu.memory_space<hbm>>) target(%arg17 : memref<56x128xf32, #tpu.memory_space<vmem>>) offsets(%dma_start3A_597 : memref<56xi32, #tpu.memory_space<vmem>>) semaphore(%arg23 : memref<!tpu.dma_semaphore, #tpu.memory_space<semaphore_mem>>) {add = true}
      %dma_wait3A_601 = arith.constant 6 : i32
      %dma_wait3A_602 = arith.constant 0 : i32
      %dma_wait3A_603 = tpu.memref_slice %arg10[%dma_wait3A_601, %dma_wait3A_602] : memref<8x56xi32, #tpu.memory_space<vmem>> -> memref<1x56xi32, #tpu.memory_space<vmem>>
      %dma_wait3A_604 = tpu.memref_squeeze %dma_wait3A_603 : memref<1x56xi32, #tpu.memory_space<vmem>> -> memref<56xi32, #tpu.memory_space<vmem>>
      %dma_wait3A_605 = arith.constant 0 : i32
      %dma_wait3A_606 = arith.constant 0 : i32
      %dma_wait3A_607 = tpu.memref_slice %arg2[%dma_wait3A_605, %dma_wait3A_606] : memref<10008x128xf32, #tpu.memory_space<hbm>> -> memref<10008x128xf32, #tpu.memory_space<hbm>>
      tpu.wait_indirect_dma semaphore(%arg19 : memref<!tpu.dma_semaphore, #tpu.memory_space<semaphore_mem>>) src(%dma_wait3A_607 : memref<10008x128xf32, #tpu.memory_space<hbm>>) dst(%arg13 : memref<56x128xf32, #tpu.memory_space<vmem>>)
      %dma_start3A_608 = arith.constant 6 : i32
      %dma_start3A_609 = arith.constant 0 : i32
      %dma_start3A_610 = tpu.memref_slice %arg12[%dma_start3A_608, %dma_start3A_609] : memref<8x56xi32, #tpu.memory_space<vmem>> -> memref<1x56xi32, #tpu.memory_space<vmem>>
      %dma_start3A_611 = tpu.memref_squeeze %dma_start3A_610 : memref<1x56xi32, #tpu.memory_space<vmem>> -> memref<56xi32, #tpu.memory_space<vmem>>
      %dma_start3A_612 = arith.constant 0 : i32
      %dma_start3A_613 = arith.constant 0 : i32
      %dma_start3A_614 = tpu.memref_slice %arg9[%dma_start3A_612, %dma_start3A_613] : memref<10112x128xf32, #tpu.memory_space<vmem_shared>> -> memref<10112x128xf32, #tpu.memory_space<vmem_shared>>
      tpu.enqueue_indirect_dma source(%arg13 : memref<56x128xf32, #tpu.memory_space<vmem>>) target(%dma_start3A_614 : memref<10112x128xf32, #tpu.memory_space<vmem_shared>>) offsets(%dma_start3A_611 : memref<56xi32, #tpu.memory_space<vmem>>) semaphore(%arg25 : memref<!tpu.dma_semaphore, #tpu.memory_space<semaphore_mem>>) {add = true}
      %dma_wait3A_615 = arith.constant 6 : i32
      %dma_wait3A_616 = arith.constant 0 : i32
      %dma_wait3A_617 = tpu.memref_slice %arg12[%dma_wait3A_615, %dma_wait3A_616] : memref<8x56xi32, #tpu.memory_space<vmem>> -> memref<1x56xi32, #tpu.memory_space<vmem>>
      %dma_wait3A_618 = tpu.memref_squeeze %dma_wait3A_617 : memref<1x56xi32, #tpu.memory_space<vmem>> -> memref<56xi32, #tpu.memory_space<vmem>>
      %dma_wait3A_619 = arith.constant 0 : i32
      %dma_wait3A_620 = arith.constant 0 : i32
      %dma_wait3A_621 = tpu.memref_slice %arg2[%dma_wait3A_619, %dma_wait3A_620] : memref<10008x128xf32, #tpu.memory_space<hbm>> -> memref<10008x128xf32, #tpu.memory_space<hbm>>
      tpu.wait_indirect_dma semaphore(%arg22 : memref<!tpu.dma_semaphore, #tpu.memory_space<semaphore_mem>>) src(%dma_wait3A_621 : memref<10008x128xf32, #tpu.memory_space<hbm>>) dst(%arg16 : memref<56x128xf32, #tpu.memory_space<vmem>>)
      %dma_start3A_622 = arith.constant 6 : i32
      %dma_start3A_623 = arith.constant 0 : i32
      %dma_start3A_624 = tpu.memref_slice %arg10[%dma_start3A_622, %dma_start3A_623] : memref<8x56xi32, #tpu.memory_space<vmem>> -> memref<1x56xi32, #tpu.memory_space<vmem>>
      %dma_start3A_625 = tpu.memref_squeeze %dma_start3A_624 : memref<1x56xi32, #tpu.memory_space<vmem>> -> memref<56xi32, #tpu.memory_space<vmem>>
      %dma_start3A_626 = arith.constant 0 : i32
      %dma_start3A_627 = arith.constant 0 : i32
      %dma_start3A_628 = tpu.memref_slice %arg9[%dma_start3A_626, %dma_start3A_627] : memref<10112x128xf32, #tpu.memory_space<vmem_shared>> -> memref<10112x128xf32, #tpu.memory_space<vmem_shared>>
      tpu.enqueue_indirect_dma source(%arg16 : memref<56x128xf32, #tpu.memory_space<vmem>>) target(%dma_start3A_628 : memref<10112x128xf32, #tpu.memory_space<vmem_shared>>) offsets(%dma_start3A_625 : memref<56xi32, #tpu.memory_space<vmem>>) semaphore(%arg28 : memref<!tpu.dma_semaphore, #tpu.memory_space<semaphore_mem>>) {add = true}
      %dma_wait3A_629 = arith.constant 7 : i32
      %dma_wait3A_630 = arith.constant 0 : i32
      %dma_wait3A_631 = tpu.memref_slice %arg10[%dma_wait3A_629, %dma_wait3A_630] : memref<8x56xi32, #tpu.memory_space<vmem>> -> memref<1x56xi32, #tpu.memory_space<vmem>>
      %dma_wait3A_632 = tpu.memref_squeeze %dma_wait3A_631 : memref<1x56xi32, #tpu.memory_space<vmem>> -> memref<56xi32, #tpu.memory_space<vmem>>
      %dma_wait3A_633 = arith.constant 0 : i32
      %dma_wait3A_634 = arith.constant 0 : i32
      %dma_wait3A_635 = tpu.memref_slice %arg2[%dma_wait3A_633, %dma_wait3A_634] : memref<10008x128xf32, #tpu.memory_space<hbm>> -> memref<10008x128xf32, #tpu.memory_space<hbm>>
      tpu.wait_indirect_dma semaphore(%arg20 : memref<!tpu.dma_semaphore, #tpu.memory_space<semaphore_mem>>) src(%dma_wait3A_635 : memref<10008x128xf32, #tpu.memory_space<hbm>>) dst(%arg14 : memref<56x128xf32, #tpu.memory_space<vmem>>)
      %dma_start3A_636 = arith.constant 7 : i32
      %dma_start3A_637 = arith.constant 0 : i32
      %dma_start3A_638 = tpu.memref_slice %arg12[%dma_start3A_636, %dma_start3A_637] : memref<8x56xi32, #tpu.memory_space<vmem>> -> memref<1x56xi32, #tpu.memory_space<vmem>>
      %dma_start3A_639 = tpu.memref_squeeze %dma_start3A_638 : memref<1x56xi32, #tpu.memory_space<vmem>> -> memref<56xi32, #tpu.memory_space<vmem>>
      %dma_start3A_640 = arith.constant 0 : i32
      %dma_start3A_641 = arith.constant 0 : i32
      %dma_start3A_642 = tpu.memref_slice %arg9[%dma_start3A_640, %dma_start3A_641] : memref<10112x128xf32, #tpu.memory_space<vmem_shared>> -> memref<10112x128xf32, #tpu.memory_space<vmem_shared>>
      tpu.enqueue_indirect_dma source(%arg14 : memref<56x128xf32, #tpu.memory_space<vmem>>) target(%dma_start3A_642 : memref<10112x128xf32, #tpu.memory_space<vmem_shared>>) offsets(%dma_start3A_639 : memref<56xi32, #tpu.memory_space<vmem>>) semaphore(%arg26 : memref<!tpu.dma_semaphore, #tpu.memory_space<semaphore_mem>>) {add = true}
      %dma_wait3A_643 = arith.constant 7 : i32
      %dma_wait3A_644 = arith.constant 0 : i32
      %dma_wait3A_645 = tpu.memref_slice %arg12[%dma_wait3A_643, %dma_wait3A_644] : memref<8x56xi32, #tpu.memory_space<vmem>> -> memref<1x56xi32, #tpu.memory_space<vmem>>
      %dma_wait3A_646 = tpu.memref_squeeze %dma_wait3A_645 : memref<1x56xi32, #tpu.memory_space<vmem>> -> memref<56xi32, #tpu.memory_space<vmem>>
      %dma_wait3A_647 = arith.constant 0 : i32
      %dma_wait3A_648 = arith.constant 0 : i32
      %dma_wait3A_649 = tpu.memref_slice %arg2[%dma_wait3A_647, %dma_wait3A_648] : memref<10008x128xf32, #tpu.memory_space<hbm>> -> memref<10008x128xf32, #tpu.memory_space<hbm>>
      tpu.wait_indirect_dma semaphore(%arg23 : memref<!tpu.dma_semaphore, #tpu.memory_space<semaphore_mem>>) src(%dma_wait3A_649 : memref<10008x128xf32, #tpu.memory_space<hbm>>) dst(%arg17 : memref<56x128xf32, #tpu.memory_space<vmem>>)
      %dma_start3A_650 = arith.constant 7 : i32
      %dma_start3A_651 = arith.constant 0 : i32
      %dma_start3A_652 = tpu.memref_slice %arg10[%dma_start3A_650, %dma_start3A_651] : memref<8x56xi32, #tpu.memory_space<vmem>> -> memref<1x56xi32, #tpu.memory_space<vmem>>
      %dma_start3A_653 = tpu.memref_squeeze %dma_start3A_652 : memref<1x56xi32, #tpu.memory_space<vmem>> -> memref<56xi32, #tpu.memory_space<vmem>>
      %dma_start3A_654 = arith.constant 0 : i32
      %dma_start3A_655 = arith.constant 0 : i32
      %dma_start3A_656 = tpu.memref_slice %arg9[%dma_start3A_654, %dma_start3A_655] : memref<10112x128xf32, #tpu.memory_space<vmem_shared>> -> memref<10112x128xf32, #tpu.memory_space<vmem_shared>>
      tpu.enqueue_indirect_dma source(%arg17 : memref<56x128xf32, #tpu.memory_space<vmem>>) target(%dma_start3A_656 : memref<10112x128xf32, #tpu.memory_space<vmem_shared>>) offsets(%dma_start3A_653 : memref<56xi32, #tpu.memory_space<vmem>>) semaphore(%arg29 : memref<!tpu.dma_semaphore, #tpu.memory_space<semaphore_mem>>) {add = true}
      %dma_wait3A_657 = arith.constant 6 : i32
      %dma_wait3A_658 = arith.constant 0 : i32
      %dma_wait3A_659 = tpu.memref_slice %arg12[%dma_wait3A_657, %dma_wait3A_658] : memref<8x56xi32, #tpu.memory_space<vmem>> -> memref<1x56xi32, #tpu.memory_space<vmem>>
      %dma_wait3A_660 = tpu.memref_squeeze %dma_wait3A_659 : memref<1x56xi32, #tpu.memory_space<vmem>> -> memref<56xi32, #tpu.memory_space<vmem>>
      %dma_wait3A_661 = arith.constant 0 : i32
      %dma_wait3A_662 = arith.constant 0 : i32
      %dma_wait3A_663 = tpu.memref_slice %arg9[%dma_wait3A_661, %dma_wait3A_662] : memref<10112x128xf32, #tpu.memory_space<vmem_shared>> -> memref<10112x128xf32, #tpu.memory_space<vmem_shared>>
      tpu.wait_indirect_dma semaphore(%arg25 : memref<!tpu.dma_semaphore, #tpu.memory_space<semaphore_mem>>) src(%arg13 : memref<56x128xf32, #tpu.memory_space<vmem>>) dst(%dma_wait3A_663 : memref<10112x128xf32, #tpu.memory_space<vmem_shared>>)
      %dma_wait3A_664 = arith.constant 6 : i32
      %dma_wait3A_665 = arith.constant 0 : i32
      %dma_wait3A_666 = tpu.memref_slice %arg10[%dma_wait3A_664, %dma_wait3A_665] : memref<8x56xi32, #tpu.memory_space<vmem>> -> memref<1x56xi32, #tpu.memory_space<vmem>>
      %dma_wait3A_667 = tpu.memref_squeeze %dma_wait3A_666 : memref<1x56xi32, #tpu.memory_space<vmem>> -> memref<56xi32, #tpu.memory_space<vmem>>
      %dma_wait3A_668 = arith.constant 0 : i32
      %dma_wait3A_669 = arith.constant 0 : i32
      %dma_wait3A_670 = tpu.memref_slice %arg9[%dma_wait3A_668, %dma_wait3A_669] : memref<10112x128xf32, #tpu.memory_space<vmem_shared>> -> memref<10112x128xf32, #tpu.memory_space<vmem_shared>>
      tpu.wait_indirect_dma semaphore(%arg28 : memref<!tpu.dma_semaphore, #tpu.memory_space<semaphore_mem>>) src(%arg16 : memref<56x128xf32, #tpu.memory_space<vmem>>) dst(%dma_wait3A_670 : memref<10112x128xf32, #tpu.memory_space<vmem_shared>>)
      %dma_wait3A_671 = arith.constant 7 : i32
      %dma_wait3A_672 = arith.constant 0 : i32
      %dma_wait3A_673 = tpu.memref_slice %arg12[%dma_wait3A_671, %dma_wait3A_672] : memref<8x56xi32, #tpu.memory_space<vmem>> -> memref<1x56xi32, #tpu.memory_space<vmem>>
      %dma_wait3A_674 = tpu.memref_squeeze %dma_wait3A_673 : memref<1x56xi32, #tpu.memory_space<vmem>> -> memref<56xi32, #tpu.memory_space<vmem>>
      %dma_wait3A_675 = arith.constant 0 : i32
      %dma_wait3A_676 = arith.constant 0 : i32
      %dma_wait3A_677 = tpu.memref_slice %arg9[%dma_wait3A_675, %dma_wait3A_676] : memref<10112x128xf32, #tpu.memory_space<vmem_shared>> -> memref<10112x128xf32, #tpu.memory_space<vmem_shared>>
      tpu.wait_indirect_dma semaphore(%arg26 : memref<!tpu.dma_semaphore, #tpu.memory_space<semaphore_mem>>) src(%arg14 : memref<56x128xf32, #tpu.memory_space<vmem>>) dst(%dma_wait3A_677 : memref<10112x128xf32, #tpu.memory_space<vmem_shared>>)
      %dma_wait3A_678 = arith.constant 7 : i32
      %dma_wait3A_679 = arith.constant 0 : i32
      %dma_wait3A_680 = tpu.memref_slice %arg10[%dma_wait3A_678, %dma_wait3A_679] : memref<8x56xi32, #tpu.memory_space<vmem>> -> memref<1x56xi32, #tpu.memory_space<vmem>>
      %dma_wait3A_681 = tpu.memref_squeeze %dma_wait3A_680 : memref<1x56xi32, #tpu.memory_space<vmem>> -> memref<56xi32, #tpu.memory_space<vmem>>
      %dma_wait3A_682 = arith.constant 0 : i32
      %dma_wait3A_683 = arith.constant 0 : i32
      %dma_wait3A_684 = tpu.memref_slice %arg9[%dma_wait3A_682, %dma_wait3A_683] : memref<10112x128xf32, #tpu.memory_space<vmem_shared>> -> memref<10112x128xf32, #tpu.memory_space<vmem_shared>>
      tpu.wait_indirect_dma semaphore(%arg29 : memref<!tpu.dma_semaphore, #tpu.memory_space<semaphore_mem>>) src(%arg17 : memref<56x128xf32, #tpu.memory_space<vmem>>) dst(%dma_wait3A_684 : memref<10112x128xf32, #tpu.memory_space<vmem_shared>>)
      %dma_wait3A_685 = arith.constant 5 : i32
      %dma_wait3A_686 = arith.constant 0 : i32
      %dma_wait3A_687 = tpu.memref_slice %arg12[%dma_wait3A_685, %dma_wait3A_686] : memref<8x56xi32, #tpu.memory_space<vmem>> -> memref<1x56xi32, #tpu.memory_space<vmem>>
      %dma_wait3A_688 = tpu.memref_squeeze %dma_wait3A_687 : memref<1x56xi32, #tpu.memory_space<vmem>> -> memref<56xi32, #tpu.memory_space<vmem>>
      %dma_wait3A_689 = arith.constant 0 : i32
      %dma_wait3A_690 = arith.constant 0 : i32
      %dma_wait3A_691 = tpu.memref_slice %arg9[%dma_wait3A_689, %dma_wait3A_690] : memref<10112x128xf32, #tpu.memory_space<vmem_shared>> -> memref<10112x128xf32, #tpu.memory_space<vmem_shared>>
      tpu.wait_indirect_dma semaphore(%arg27 : memref<!tpu.dma_semaphore, #tpu.memory_space<semaphore_mem>>) src(%arg15 : memref<56x128xf32, #tpu.memory_space<vmem>>) dst(%dma_wait3A_691 : memref<10112x128xf32, #tpu.memory_space<vmem_shared>>)
      %dma_wait3A_692 = arith.constant 5 : i32
      %dma_wait3A_693 = arith.constant 0 : i32
      %dma_wait3A_694 = tpu.memref_slice %arg10[%dma_wait3A_692, %dma_wait3A_693] : memref<8x56xi32, #tpu.memory_space<vmem>> -> memref<1x56xi32, #tpu.memory_space<vmem>>
      %dma_wait3A_695 = tpu.memref_squeeze %dma_wait3A_694 : memref<1x56xi32, #tpu.memory_space<vmem>> -> memref<56xi32, #tpu.memory_space<vmem>>
      %dma_wait3A_696 = arith.constant 0 : i32
      %dma_wait3A_697 = arith.constant 0 : i32
      %dma_wait3A_698 = tpu.memref_slice %arg9[%dma_wait3A_696, %dma_wait3A_697] : memref<10112x128xf32, #tpu.memory_space<vmem_shared>> -> memref<10112x128xf32, #tpu.memory_space<vmem_shared>>
      tpu.wait_indirect_dma semaphore(%arg30 : memref<!tpu.dma_semaphore, #tpu.memory_space<semaphore_mem>>) src(%arg18 : memref<56x128xf32, #tpu.memory_space<vmem>>) dst(%dma_wait3A_698 : memref<10112x128xf32, #tpu.memory_space<vmem_shared>>)
    }
    %barrier3A_20 = arith.constant 0 : index
    tpu.barrier barrier_id(%barrier3A_20)
    %mul3A_21 = arith.constant 632 : i32
    %mul3A_22 = arith.muli %arg1, %mul3A_21 : i32
    %mul3A_23 = arith.constant 632 : i32
    %mul3A_24 = arith.muli %arg1, %mul3A_23 : i32
    "tpu.region"() ({
      %run_scoped3A = tpu.sem_alloc : memref<!tpu.dma_semaphore, #tpu.memory_space<semaphore_mem>>
      %dma_start3A = arith.constant 0 : i32
      %dma_start3A_25 = tpu.memref_slice %arg8[%arg0, %mul3A_24, %dma_start3A] : memref<2x10112x128xf32, #tpu.memory_space<hbm>> -> memref<1x632x128xf32, #tpu.memory_space<hbm>>
      %dma_start3A_26 = tpu.memref_squeeze %dma_start3A_25 : memref<1x632x128xf32, #tpu.memory_space<hbm>> -> memref<632x128xf32, #tpu.memory_space<hbm>>
      %dma_start3A_27 = arith.constant 0 : i32
      %dma_start3A_28 = tpu.memref_slice %arg9[%mul3A_22, %dma_start3A_27] : memref<10112x128xf32, #tpu.memory_space<vmem_shared>> -> memref<632x128xf32, #tpu.memory_space<vmem_shared>>
      tpu.enqueue_dma source(%dma_start3A_28 : memref<632x128xf32, #tpu.memory_space<vmem_shared>>) target(%dma_start3A_26 : memref<632x128xf32, #tpu.memory_space<hbm>>) target_semaphore(%run_scoped3A : memref<!tpu.dma_semaphore, #tpu.memory_space<semaphore_mem>>)
      %dma_wait3A = arith.constant 0 : i32
      %dma_wait3A_29 = tpu.memref_slice %arg8[%arg0, %mul3A_24, %dma_wait3A] : memref<2x10112x128xf32, #tpu.memory_space<hbm>> -> memref<1x632x128xf32, #tpu.memory_space<hbm>>
      %dma_wait3A_30 = tpu.memref_squeeze %dma_wait3A_29 : memref<1x632x128xf32, #tpu.memory_space<hbm>> -> memref<632x128xf32, #tpu.memory_space<hbm>>
      %dma_wait3A_31 = arith.constant 0 : i32
      %dma_wait3A_32 = tpu.memref_slice %arg9[%mul3A_22, %dma_wait3A_31] : memref<10112x128xf32, #tpu.memory_space<vmem_shared>> -> memref<632x128xf32, #tpu.memory_space<vmem_shared>>
      tpu.wait_dma2 semaphore(%run_scoped3A : memref<!tpu.dma_semaphore, #tpu.memory_space<semaphore_mem>>) src(%dma_wait3A_32 : memref<632x128xf32, #tpu.memory_space<vmem_shared>>) dst(%dma_wait3A_30 : memref<632x128xf32, #tpu.memory_space<hbm>>)
      tpu.yield
    }) : () -> ()
    return
  }
}

module attributes {stable_mosaic.version = 14 : i64} {
  func.func @_tc_body(%arg0: i32, %arg1: memref<2000x128xf32, #tpu.memory_space<vmem>>, %arg2: memref<2000x128xf32, #tpu.memory_space<vmem>>, %arg3: memref<2000x128xf32, #tpu.memory_space<vmem>>, %arg4: memref<128x128xf32, #tpu.memory_space<vmem>>, %arg5: memref<128x128xf32, #tpu.memory_space<vmem>>, %arg6: memref<1x128xf32, #tpu.memory_space<vmem>>, %arg7: memref<2000x128xf32, #tpu.memory_space<vmem>>) attributes {dimension_semantics = [#tpu.dimension_semantics<arbitrary>], iteration_bounds = array<i64: 5>, scalar_prefetch = 0 : i64, scratch_operands = 0 : i64, tpu.core_type = #tpu.core_type<tc>, window_params = [{transform_indices = @transform_0, window_bounds = array<i64: 2000, 128>}, {transform_indices = @transform_1, window_bounds = array<i64: 2000, 128>}, {transform_indices = @transform_2, window_bounds = array<i64: 2000, 128>}, {pipeline_mode = #tpu.pipeline_mode<synchronous>, transform_indices = @transform_3, window_bounds = array<i64: 128, 128>}, {pipeline_mode = #tpu.pipeline_mode<synchronous>, transform_indices = @transform_4, window_bounds = array<i64: 128, 128>}, {pipeline_mode = #tpu.pipeline_mode<synchronous>, transform_indices = @transform_5, window_bounds = array<i64: 1, 128>}, {transform_indices = @transform_6, window_bounds = array<i64: 2000, 128>}]} {
    %get3A = arith.constant 0 : index
    %get3A_0 = arith.constant 0 : index
    %get3A_1 = vector.load %arg1[%get3A, %get3A_0] : memref<2000x128xf32, #tpu.memory_space<vmem>>, vector<2000x128xf32>
    %get3A_2 = arith.constant 0 : index
    %get3A_3 = arith.constant 0 : index
    %get3A_4 = vector.load %arg2[%get3A_2, %get3A_3] : memref<2000x128xf32, #tpu.memory_space<vmem>>, vector<2000x128xf32>
    %get3A_5 = arith.constant 0 : index
    %get3A_6 = arith.constant 0 : index
    %get3A_7 = vector.load %arg3[%get3A_5, %get3A_6] : memref<2000x128xf32, #tpu.memory_space<vmem>>, vector<2000x128xf32>
    %add3A = arith.addf %get3A_4, %get3A_7 : vector<2000x128xf32>
    %get3A_8 = arith.constant 0 : index
    %get3A_9 = arith.constant 0 : index
    %get3A_10 = vector.load %arg4[%get3A_8, %get3A_9] : memref<128x128xf32, #tpu.memory_space<vmem>>, vector<128x128xf32>
    %dot_general3A = arith.constant dense<0.000000e+00> : vector<2000x128xf32>
    %dot_general3A_11 = tpu.matmul %get3A_1, %get3A_10, %dot_general3A {dimension_numbers = #tpu.dot_dimension_numbers<[1], [0], [0], [1], [0, 0, 1, 1], [], []>, transpose_lhs_hint = false} : vector<2000x128xf32>, vector<128x128xf32>, vector<2000x128xf32> -> vector<2000x128xf32>
    %get3A_12 = arith.constant 0 : index
    %get3A_13 = arith.constant 0 : index
    %get3A_14 = vector.load %arg5[%get3A_12, %get3A_13] : memref<128x128xf32, #tpu.memory_space<vmem>>, vector<128x128xf32>
    %dot_general3A_15 = arith.constant dense<0.000000e+00> : vector<2000x128xf32>
    %dot_general3A_16 = tpu.matmul %add3A, %get3A_14, %dot_general3A_15 {dimension_numbers = #tpu.dot_dimension_numbers<[1], [0], [0], [1], [0, 0, 1, 1], [], []>, transpose_lhs_hint = false} : vector<2000x128xf32>, vector<128x128xf32>, vector<2000x128xf32> -> vector<2000x128xf32>
    %add3A_17 = arith.addf %dot_general3A_11, %dot_general3A_16 : vector<2000x128xf32>
    %get3A_18 = arith.constant 0 : index
    %get3A_19 = arith.constant 0 : index
    %get3A_20 = vector.load %arg6[%get3A_18, %get3A_19] : memref<1x128xf32, #tpu.memory_space<vmem>>, vector<1x128xf32>
    %add3A_21 = vector.broadcast %get3A_20 : vector<1x128xf32> to vector<2000x128xf32>
    %add3A_22 = arith.addf %add3A_17, %add3A_21 : vector<2000x128xf32>
    %logistic3A = arith.negf %add3A_22 : vector<2000x128xf32>
    %logistic3A_23 = math.exp %logistic3A : vector<2000x128xf32>
    %logistic3A_24 = arith.constant 1.000000e+00 : f32
    %logistic3A_25 = vector.broadcast %logistic3A_24 : f32 to vector<2000x128xf32>
    %logistic3A_26 = arith.addf %logistic3A_25, %logistic3A_23 : vector<2000x128xf32>
    %logistic3A_27 = arith.divf %logistic3A_25, %logistic3A_26 : vector<2000x128xf32>
    %mul3A = arith.mulf %add3A_22, %logistic3A_27 : vector<2000x128xf32>
    %add3A_28 = arith.addf %get3A_1, %mul3A : vector<2000x128xf32>
    %swap3A = arith.constant 0 : index
    %swap3A_29 = arith.constant 0 : index
    %swap3A_30 = vector.load %arg7[%swap3A, %swap3A_29] : memref<2000x128xf32, #tpu.memory_space<vmem>>, vector<2000x128xf32>
    tpu.vector_store %arg7[%swap3A, %swap3A_29], %add3A_28 {strides = array<i32>} : memref<2000x128xf32, #tpu.memory_space<vmem>>, vector<2000x128xf32>,
    return
  }
  func.func @transform_0(%arg0: i32) -> (i32, i32) {
    %c0_i32 = arith.constant 0 : i32
    %c0_i32_0 = arith.constant 0 : i32
    return %arg0, %c0_i32 : i32, i32
  }
  func.func @transform_1(%arg0: i32) -> (i32, i32) {
    %c0_i32 = arith.constant 0 : i32
    %c0_i32_0 = arith.constant 0 : i32
    return %arg0, %c0_i32 : i32, i32
  }
  func.func @transform_2(%arg0: i32) -> (i32, i32) {
    %c0_i32 = arith.constant 0 : i32
    %c0_i32_0 = arith.constant 0 : i32
    return %arg0, %c0_i32 : i32, i32
  }
  func.func @transform_3(%arg0: i32) -> (i32, i32) {
    %c0_i32 = arith.constant 0 : i32
    %c0_i32_0 = arith.constant 0 : i32
    %c0_i32_1 = arith.constant 0 : i32
    return %c0_i32, %c0_i32_0 : i32, i32
  }
  func.func @transform_4(%arg0: i32) -> (i32, i32) {
    %c0_i32 = arith.constant 0 : i32
    %c0_i32_0 = arith.constant 0 : i32
    %c0_i32_1 = arith.constant 0 : i32
    return %c0_i32, %c0_i32_0 : i32, i32
  }
  func.func @transform_5(%arg0: i32) -> (i32, i32) {
    %c0_i32 = arith.constant 0 : i32
    %c0_i32_0 = arith.constant 0 : i32
    %c0_i32_1 = arith.constant 0 : i32
    return %c0_i32, %c0_i32_0 : i32, i32
  }
  func.func @transform_6(%arg0: i32) -> (i32, i32) {
    %c0_i32 = arith.constant 0 : i32
    %c0_i32_0 = arith.constant 0 : i32
    return %arg0, %c0_i32 : i32, i32
  }
}

</mosaic_0001>

<sc_bundles>
// kernel: kernel.4.cloned.1.call-start
scs
__scs_entry_jumppad:
0x0: {  	(pc) =	sbr.rel $0x88, $3  }
0x1: {  	(tag) =	ssettag $0x0;
	lr =	simm.s32 $0x1  }
0x2: {  	[smem:$0x3F9C] =	sst lr;
	_ =	strace $0xD0000000  }
0x3: {  	_ = 	snop  }
0x4: {  	_ = 	snop  }
0x5: {  	_ = 	snop  }
0x6: {  	_ = 	snop  }
0x7: {  	_ = 	snop  }
__scs_overlays_trampoline_lowered:
0x8: {  	[smem:$0x3FAB] =	sst s0  }
0x9: {  	[smem:$0x3FAC] =	sst s1  }
0xa: {  	[smem:$0x3FAD] =	sst s2  }
0xb: {  	[smem:$0x3FAE] =	sst s3  }
0xc: {  	[smem:$0x3FAF] =	sst s4  }
0xd: {  	[smem:$0x3FB0] =	sst s5  }
0xe: {  	[smem:$0x3FB1] =	sst s6  }
0xf: {  	[smem:$0x3FB2] =	sst s7  }
0x10: {  	[smem:$0x3FB3] =	sst s8  }
0x11: {  	[smem:$0x3FB4] =	sst s9;
	s0 =	simm.s32 @!p0 $0x0  }
0x12: {  	s1 =	sld [smem:$0x3F9A];
	s0 =	simm.s32 @p0 $0x1  }
0x13: {  	[smem:$0x3FB5] =	sst s0;
	s0 =	simm.s32 @!p1 $0x0  }
0x14: {  	s2 =	sld [smem:$0x3F99];
	s0 =	simm.s32 @p1 $0x1  }
0x15: {  	[smem:$0x3FB6] =	sst s0;
	s0 =	simm.s32 @!p2 $0x0  }
0x16: {  	s3 =	sld [smem:$0x3FDB];
	s0 =	simm.s32 @p2 $0x1  }
0x17: {  	s4 =	simm.s32 $0x1BF5;
	[smem:$0x3FB8] =	sst s0  }
0x18: {  	s0 =	sld [smem:$0x3F9B];
	_ =	swait.ge [sflag:s4], $0x0  }
0x19: {  	s7 =	sld [smem:$0x3F9C]  }
0x1a: {  	s8 =	sadd.s32 $0xFFFFE003, lr  }
0x1b: {  	s9 =	sadd.s32 $0xFFFFFEF7, lr;
	s5 =	simm.s32 $0xFFFFFFFF;
	p2 =	slt.u32 s8, $0xFFFFF086  }
0x1c: {  	p1 =	slt.u32 s9, $0xF7A;
	s5 =	simm.s32 @!p2 $0x0  }
0x1d: {  	s5 =	simm.s32 @p1 $0x1;
	p0 =	seq.s32 s7, s2  }
0x1e: {  	s7 =	smul.u32 @!p0 $0xF7A, s2;
	p2 =	seq.s32 @!p0 s5, $0x0  }
0x1f: {  	s9 =	smul.u32 $0xF7A, s1;
	s8 =	simm.s32 @!p0 $0x1BF5;
	p2 =	por !p2, p0  }
0x20: {  	[sflag:s8] =	ssyncset.s32 @!p0 $0xFFFFF086;
	s6 =	sadd.s32 @!p0 s3, s7;
	s7 =	simm.s32 @!p0 $0x108  }
0x21: {  	s3 =	sadd.s32 s3, s9;
	s6 =	sadd.s32 @!p0 $0x88, s6;
	s7 =	simm.s32 @p2 $0x1082  }
0x22: {  	[simem:s7], [sflag:s8] =	dma.local @!p0 [hbm:s6], $0xF7A  }
0x23: {  	s9 =	sor.u32 $0xD0000000, s2;
	s6 =	simm.s32 $0x108;
	_ =	swait.ge @!p0 [sflag:s8], $0x0  }
0x24: {  	s3 =	sadd.s32 $0x88, s3;
	s6 =	simm.s32 @!p1 $0x1082;
	[sflag:s4] =	ssyncset.s32 $0xFFFFF086  }
0x25: {  	[simem:s6], [sflag:s4] =	dma.local [hbm:s3], $0xF7A  }
0x26: {  	[smem:$0x3F9C] =	sst s1;
	(tag) =	ssettag s2;
	_ =	strace s9  }
0x27: {  	s1 =	sld [smem:$0x3FAC]  }
0x28: {  	s2 =	sld [smem:$0x3FAD]  }
0x29: {  	s4 =	sld [smem:$0x3FAF]  }
0x2a: {  	p0 =	seq.s32 s5, $0x0;
	s5 =	sld [smem:$0x3FB0]  }
0x2b: {  	s6 =	sld [smem:$0x3FB1]  }
0x2c: {  	s7 =	sld [smem:$0x3FB2]  }
0x2d: {  	s3 =	simm.s32 $0x108;
	s8 =	sld [smem:$0x3FB3]  }
0x2e: {  	s3 =	simm.s32 @!p0 $0x1082;
	s9 =	sld [smem:$0x3FB4]  }
0x2f: {  	lr =	sadd.s32 s0, s3;
	s0 =	sld [smem:$0x3FAB]  }
0x30: {  	s3 =	sld [smem:$0x3FAE]  }
0x31: {  	[smem:$0x3FB7] =	sst s10  }
0x32: {  	s10 =	sld [smem:$0x3FB5];
	_ =	sdelay $0x3  }
0x33: {  	p0 =	seq.s32 s10, $0x1;
	s10 =	sld [smem:$0x3FB7];
	_ =	sdelay $0x3  }
0x34: {  	[smem:$0x3FB7] =	sst s10  }
0x35: {  	s10 =	sld [smem:$0x3FB6];
	_ =	sdelay $0x3  }
0x36: {  	p1 =	seq.s32 s10, $0x1;
	s10 =	sld [smem:$0x3FB7];
	_ =	sdelay $0x3  }
0x37: {  	[smem:$0x3FB7] =	sst s10  }
0x38: {  	s10 =	sld [smem:$0x3FB8]  }
0x39: {  	_ = 	snop;
	(pc) =	sbr.ind lr, $3  }
0x3a: {  	_ = 	snop  }
0x3b: {  	_ = 	snop  }
0x3c: {  	p2 =	seq.s32 s10, $0x1;
	s10 =	sld [smem:$0x3FB7]  }
0x3d: {  	_ =	shalt  }
0x3e: {  	_ =	shalt  }
0x3f: {  	_ =	shalt  }
0x40: {  	_ =	shalt  }
0x41: {  	_ =	shalt  }
0x42: {  	_ =	shalt  }
0x43: {  	_ =	shalt  }
0x44: {  	_ =	shalt  }
0x45: {  	_ =	shalt  }
0x46: {  	_ =	shalt  }
0x47: {  	_ =	shalt  }
0x48: {  	_ =	shalt  }
0x49: {  	_ =	shalt  }
0x4a: {  	_ =	shalt  }
0x4b: {  	_ =	shalt  }
0x4c: {  	_ =	shalt  }
0x4d: {  	_ =	shalt  }
0x4e: {  	_ =	shalt  }
0x4f: {  	_ =	shalt  }
0x50: {  	_ =	shalt  }
0x51: {  	_ =	shalt  }
0x52: {  	_ =	shalt  }
0x53: {  	_ =	shalt  }
0x54: {  	_ =	shalt  }
0x55: {  	_ =	shalt  }
0x56: {  	_ =	shalt  }
0x57: {  	_ =	shalt  }
0x58: {  	_ =	shalt  }
0x59: {  	_ =	shalt  }
0x5a: {  	_ =	shalt  }
0x5b: {  	_ =	shalt  }
0x5c: {  	_ =	shalt  }
0x5d: {  	_ =	shalt  }
0x5e: {  	_ =	shalt  }
0x5f: {  	_ =	shalt  }
0x60: {  	_ =	shalt  }
0x61: {  	_ =	shalt  }
0x62: {  	_ =	shalt  }
0x63: {  	_ =	shalt  }
0x64: {  	_ =	shalt  }
0x65: {  	_ =	shalt  }
0x66: {  	_ =	shalt  }
0x67: {  	_ =	shalt  }
0x68: {  	_ =	shalt  }
0x69: {  	_ =	shalt  }
0x6a: {  	_ =	shalt  }
0x6b: {  	_ =	shalt  }
0x6c: {  	_ =	shalt  }
0x6d: {  	_ =	shalt  }
0x6e: {  	_ =	shalt  }
0x6f: {  	_ =	shalt  }
0x70: {  	_ =	shalt  }
0x71: {  	_ =	shalt  }
0x72: {  	_ =	shalt  }
0x73: {  	_ =	shalt  }
0x74: {  	_ =	shalt  }
0x75: {  	_ =	shalt  }
0x76: {  	_ =	shalt  }
0x77: {  	_ =	shalt  }
0x78: {  	_ =	shalt  }
0x79: {  	_ =	shalt  }
0x7a: {  	_ =	shalt  }
0x7b: {  	_ =	shalt  }
0x7c: {  	_ =	shalt  }
0x7d: {  	_ =	shalt  }
0x7e: {  	_ =	shalt  }
0x7f: {  	_ =	shalt  }
0x80: {  	_ =	shalt  }
0x81: {  	_ =	shalt  }
0x82: {  	_ =	shalt  }
0x83: {  	_ =	shalt  }
0x84: {  	_ =	shalt  }
0x85: {  	_ =	shalt  }
0x86: {  	_ =	shalt  }
0x87: {  	_ =	shalt  }
.Lfunc_end0:
.L_simem_size_0:
called_computation_lowered:
.L_overlay_start_0:
0x88: {  	s2 =	sld [smem:$0x3FD9]  }
0x89: {  	s3 =	sld [smem:$0x3FFE];
	_ =	sdelay $0x1  }
0x8a: {  	s1 =	srdreg.scid  }
0x8b: {  	s0 =	sand.u32 $0x1, s1  }
0x8c: {  	s17 =	sshll.u32 s0, $0xA;
	s2 =	sadd.s32 s3, s2  }
0x8d: {  	s2 =	sadd.s32 s2, s17  }
0x8e: {  	[smem:$0x3FC3] =	sst s2  }
0x8f: {  	_ = 	snop  }
0x90: {  	s2 =	sld [smem:$0x3FC8]  }
0x91: {  	s18 =	sld [smem:$0x3FD0];
	(tm) =	ssettm $0x1  }
0x92: {  	s4 =	sld [smem:$0x3FFB];
	_ =	sdelay $0x3  }
0x93: {  	_ =	strace s4  }
0x94: {  	s4 =	sld [smem:$0x3FFC];
	_ =	sdelay $0x3  }
0x95: {  	_ =	strace s4  }
0x96: {  	s4 =	sld [smem:$0x3FFD];
	_ =	sdelay $0x3  }
0x97: {  	_ =	strace s4  }
0x98: {  	_ =	strace $0x8FFFFFFF  }
0x99: {  	s19 =	sld [smem:$0x3FDB];
	_ =	sdelay $0x1  }
0x9a: {  	s5 =	simm.s32 $_scs_section_size  }
0x9b: {  	s6 =	simm.s32 $_size__tile_overlayer_lowered;
	s7 =	simm.s32 $_tile_overlayer_lowered  }
0x9c: {  	s22 =	simm.s32 $0x1BFF;
	s21 =	sshll.u32 s7, $0x1;
	s4 =	sadd.s32 s5, s19  }
0x9d: {  	s8 =	simm.s32 $0x0;
	s20 =	sshll.u32 s6, $0x1;
	s6 =	sadd.s32 s21, s4  }
0x9e: {  	[timem:s8], [sflag:s22] =	dma.local [hbm:s6], s20  }
0x9f: {  	_ =	swait.ge [sflag:s22], s20  }
0xa0: {  	s5 =	ssub.s32 $0x0, s20;
	[sflag:s22] =	ssyncset.done $0x0  }
0xa1: {  	[sflag:s22] =	ssyncadd.s32 s5;
	_ =	sdelay $0x1  }
0xa2: {  	s23 =	simm.s32 $0x1B8B  }
0xa3: {  	_ =	swait.ge [sflag:s23], $0x1  }
0xa4: {  	[sflag:s23] =	ssyncset.done $0x0  }
0xa5: {  	s25 =	simm.s32 $0x1B8E;
	s24 =	sld [smem:$0x3FFE];
	[sflag:s23] =	ssyncadd.s32 $0xFFFFFFFF  }
0xa6: {  	s26 =	simm.s32 $execute0_lowered;
	[smem:$0x3FD2] =	sst s25  }
0xa7: {  	s6 =	sshll.u32 s26, $0x1;
	_ =	strace $0x80000046;
	[dreg:$0x1] =	wrdreg $0xFFFFFFFF  }
0xa8: {  	s28 =	simm.s32 $_size_execute0_lowered;
	s4 =	sadd.s32 s4, s6;
	[dreg:$0x0] =	wrdreg $0x0  }
0xa9: {  	s6 =	sshll.u32 s28, $0x1;
	[dreg:$0x2] =	wrdreg s4  }
0xaa: {  	[dreg:$0x3] =	wrdreg s6  }
0xab: {  	[dreg:$0x4] =	wrdreg $0xC0  }
0xac: {  	_ =	task [dreg:s8], $0x5FFFF  }
0xad: {  	[dreg:$0x1] =	wrdreg $0xFFFFFFFF  }
0xae: {  	[dreg:$0x0] =	wrdreg $0x60  }
0xaf: {  	[dreg:$0x2] =	wrdreg s24  }
0xb0: {  	[dreg:$0x3] =	wrdreg s2  }
0xb1: {  	[dreg:$0x4] =	wrdreg s18  }
0xb2: {  	[dreg:$0x5] =	wrdreg $0x0  }
0xb3: {  	[dreg:$0x6] =	wrdreg $0x9  }
0xb4: {  	_ =	task.clear_ibuf [dreg:s8], $0x7FFFF;
	_ =	strace $0x90000046  }
0xb5: {  	s29 =	simm.s32 $0x9;
	_ =	strace $0x80000048  }
0xb6: {  	_ =	swait.ge [sflag:s29], $0x1  }
0xb7: {  	[sflag:s29] =	ssyncadd.s32 $0xFFFFFFFF  }
0xb8: {  	_ =	strace $0x90000048  }
0xb9: {  	_ =	sfence  }
0xba: {  	s30 =	sld [smem:$0x0];
	_ =	sdelay $0x2  }
0xbb: {  	s31 =	sshll.u32 s1, $0xD;
	s1 =	sshrl.u32 s1, $0x2  }
0xbc: {  	s3 =	sand.u32 $0x4000, s31;
	s1 =	sadd.s32 s1, s30  }
0xbd: {  	s0 =	sor.u32 s3, s0;
	s1 =	sshll.u32 s1, $0x11  }
0xbe: {  	s0 =	sor.u32 s1, s0  }
0xbf: {  	s0 =	sadd.s32 $0x8F2B, s0  }
0xc0: {  	[sflag:s0] =	ssyncadd.remote.s32 $0x1  }
0xc1: {  	_ =	sfence.sel $0xFFFF  }
0xc2: {  	[dreg:$0x0] =	wrdreg $0xFFFFFFFF;
	(pc) =	sbr.abs _section_cstart, $3  }
0xc3: {  	[dreg:$0x1] =	wrdreg $0xFFFFFFFF  }
0xc4: {  	_ =	task.clear_ibuf [dreg:s8], $0x2FFFF;
	_ =	strace $0x9FFFFFFF  }
0xc5: {  	(tm) =	ssettm $0x7FFFFFFF  }
tec
execute0_lowered:
.L_overlay_start_1:
0x0: {  	(tag) =	ssettag $0x1  }
0x1: {  	s0 =	rddreg [dreg:$0x0]  }
0x2: {  	s2 =	rddreg [dreg:$0x1]  }
0x3: {  	s1 =	rddreg [dreg:$0x2]  }
0x4: {  	s3 =	rddreg [dreg:$0x3];
	s12 =	stileid.u32  }
0x5: {  	s4 =	simm.s32 $0x0;
	s5 =	srdreg.scid;
	s16 =	simm.s32 $0x13C00  }
0x6: {  	s29 =	simm.s32 $0x18000;
	s30 =	simm.s32 $0x1D400;
	s31 =	simm.s32 $0x2  }
0x7: {  	s13 =	simm.s32 $0x3;
	s28 =	simm.s32 $0xB;
	s6 =	smul.u32 $0x138, s12  }
0x8: {  	[smem:$0x7FF] =	sst s4;
	s7 =	sand.u32 $0x1, s5;
	s17 =	smul.u32 $0x30, s12  }
0x9: {  	s10 =	smul.u32 $0x13C00, s12;
	s5 =	sadd.s32 $0x2D600, s0;
	s11 =	sadd.s32 $0x54800, s0  }
0xa: {  	s19 =	smul.u32 $0x4F000, s12;
	s22 =	sshll.u32 s12, $0x6;
	_ =	strace $0x80000047  }
0xb: {  	s8 =	smul.u32 $0x13C000, s7;
	p0 =	seq.s32 s7, $0x0;
	[dreg:$0x5] =	wrdreg s11  }
0xc: {  	s7 =	ssub.s32 $0x2, s7;
	s14 =	sor.u32 $0x1C0D, s22;
	s11 =	simm.s32 $0x6  }
0xd: {  	s22 =	simm.s32 $0x0;
	s9 =	sadd.s32 $0x1380, s17;
	s18 =	sshrl.u32 s7, $0x1  }
0xe: {  	s21 =	sshrl.u32 s19, $0x2;
	s17 =	simm.s32 $0x14000;
	s19 =	simm.s32 $0x38  }
0xf: {  	[dreg:$0x7] =	wrdreg s14;
	s9 =	smov.u32 @p0 s6;
	s8 =	sadd.s32 s10, s8  }
0x10: {  	s7 =	ssub.s32 s7, s18;
	s10 =	simm.s32 $0x27;
	s18 =	simm.s32 $0x14400  }
0x11: {  	s6 =	sshll.u32 s9, $0x4;
	s8 =	sshrl.u32 s8, $0x3;
	s10 =	simm.s32 @!p0 $0x6  }
0x12: {  	s23 =	smax.u32 s7, $0x1;
	s9 =	simm.s32 $0x7;
	s7 =	simm.s32 $0x8  }
0x13: {  	s20 =	sadd.s32 s6, s0;
	s0 =	sadd.s32 s8, s0;
	[dreg:$0x6] =	wrdreg s10  }
0x14: {  	s8 =	sadd.s32 s21, s3;
	[dreg:$0x9] =	wrdreg s23;
	s26 =	sadd.s32 s6, s1  }
0x15: {  	s21 =	simm.s32 $0x19C00;
	s23 =	simm.s32 $0x16400;
	s1 =	simm.s32 $0x5  }
0x16: {  	s10 =	simm.s32 $0x9;
	s0 =	sadd.s32 $0x57000, s0;
	[dreg:$0xc] =	wrdreg s26  }
0x17: {  	s24 =	sadd.s32 $0x16E00, s20;
	s25 =	sadd.s32 $0x600, s20;
	[dreg:$0x8] =	wrdreg s0  }
0x18: {  	s6 =	sshrl.u32 s8, $0x3;
	s20 =	simm.s32 $0x14800;
	[dreg:$0xa] =	wrdreg s24  }
0x19: {  	s26 =	simm.s32 $0x4;
	s8 =	simm.s32 $0xA;
	[dreg:$0xb] =	wrdreg s25  }
0x1a: {  	s24 =	simm.s32 $0x1B800;
	s25 =	simm.s32 $0x1;
	[dreg:$0xd] =	wrdreg s6  }
.LBB2_1:
0x1b: {  	[dreg:$0xe] =	wrdreg s22  }
0x1c: {  	s0 =	rddreg [dreg:$0x5]  }
0x1d: {  	[spmem:s6], [sflag:s14] =	dma.local [hbm:s0], $0x2780  }
0x1e: {  	s14 =	simm.s32 $0xD  }
0x1f: {  	_ =	swait.ge [sflag:s14], $0x2780  }
0x20: {  	[sflag:s14] =	ssyncset.done $0x0  }
0x21: {  	[sflag:s14] =	ssyncadd.s32 $0xFFFFD880  }
0x22: {  	[bflag:$0x0] =	sbarrier.arrive $0xFFFF  }
0x23: {  	s15 =	rddreg [dreg:$0xc]  }
0x24: {  	[tilespmem:s16], [sflag:$0xD] =	stream.linear.gather [hbm4b:s15+s4], $0x400, $0x38;
	[tilespmem:$0x1F000] =	vst v63  }
0x25: {  	_ =	swait.ge [sflag:s14], $0x400  }
0x26: {  	[sflag:s14] =	ssyncset.done $0x0  }
0x27: {  	s22 =	rddreg [dreg:$0xb];
	[sflag:s14] =	ssyncadd.s32 $0xFFFFFC00  }
0x28: {  	[tilespmem:s17], [sflag:$0xD] =	stream.linear.gather [hbm4b:s22+s4], $0x400, $0x38;
	[tilespmem:$0x1F000] =	vst v63  }
0x29: {  	_ =	swait.ge [sflag:s14], $0x400  }
0x2a: {  	[sflag:s14] =	ssyncset.done $0x0  }
0x2b: {  	s22 =	rddreg [dreg:$0xa];
	[sflag:s14] =	ssyncadd.s32 $0xFFFFFC00  }
0x2c: {  	[tilespmem:s18], [sflag:$0xD] =	stream.linear.gather [hbm4b:s22+s4], $0x400, $0x38;
	[tilespmem:$0x1F000] =	vst v63  }
0x2d: {  	_ =	swait.ge [sflag:s14], $0x400  }
0x2e: {  	[sflag:s14] =	ssyncset.done $0x0  }
0x2f: {  	[sflag:s14] =	ssyncadd.s32 $0xFFFFFC00  }
0x30: {  	[tilespmem:s20], [sflag:$0x1] =	stream.indirect.gather [hbm4b:s2+s19], $0x80, s17, s19, $0xb8;
	[tilespmem:$0x1F000] =	vst v63  }
0x31: {  	_ = 	snop  }
0x32: {  	[tilespmem:s21], [sflag:$0x4] =	stream.indirect.gather [hbm4b:s2+s19], $0x80, s17, s19, $0xb8;
	[tilespmem:$0x1F000] =	vst v63  }
0x33: {  	s4 =	simm.s32 $0x14080  }
0x34: {  	[tilespmem:s23], [sflag:$0x2] =	stream.indirect.gather [hbm4b:s2+s19], $0x80, s4, s19, $0xb8;
	[tilespmem:$0x1F000] =	vst v63  }
0x35: {  	_ = 	snop  }
0x36: {  	[tilespmem:s24], [sflag:$0x5] =	stream.indirect.gather [hbm4b:s2+s19], $0x80, s4, s19, $0xb8;
	[tilespmem:$0x1F000] =	vst v63  }
0x37: {  	_ =	swait.ge [sflag:s25], $0x1C00  }
0x38: {  	[sflag:s25] =	ssyncset.done $0x0  }
0x39: {  	[sflag:s25] =	ssyncadd.s32 $0xFFFFE400  }
0x3a: {  	[tilespmem:s20], [sflag:$0x1] =	stream.indirect.gather.add.f32 [hbm:s5], $0x80, s16, s19, $0xb8;
	[tilespmem:$0x1F000] =	vst v63  }
0x3b: {  	_ =	swait.ge [sflag:s26], $0x1C00  }
0x3c: {  	[sflag:s26] =	ssyncset.done $0x0  }
0x3d: {  	[sflag:s26] =	ssyncadd.s32 $0xFFFFE400  }
0x3e: {  	[tilespmem:s21], [sflag:$0x4] =	stream.indirect.gather.add.f32 [hbm:s5], $0x80, s18, s19, $0xb8;
	[tilespmem:$0x1F000] =	vst v63  }
0x3f: {  	s6 =	simm.s32 $0x14100  }
0x40: {  	[tilespmem:s29], [sflag:$0x3] =	stream.indirect.gather [hbm4b:s2+s19], $0x80, s6, s19, $0xb8;
	[tilespmem:$0x1F000] =	vst v63  }
0x41: {  	_ = 	snop  }
0x42: {  	[tilespmem:s30], [sflag:$0x6] =	stream.indirect.gather [hbm4b:s2+s19], $0x80, s6, s19, $0xb8;
	[tilespmem:$0x1F000] =	vst v63  }
0x43: {  	_ =	swait.ge [sflag:s31], $0x1C00  }
0x44: {  	[sflag:s31] =	ssyncset.done $0x0  }
0x45: {  	s14 =	simm.s32 $0x13C80;
	[sflag:s31] =	ssyncadd.s32 $0xFFFFE400  }
0x46: {  	[tilespmem:s23], [sflag:$0x2] =	stream.indirect.gather.add.f32 [hbm:s5], $0x80, s14, s19, $0xb8;
	[tilespmem:$0x1F000] =	vst v63  }
0x47: {  	_ =	swait.ge [sflag:s1], $0x1C00  }
0x48: {  	[sflag:s1] =	ssyncset.done $0x0  }
0x49: {  	s4 =	simm.s32 $0x14480;
	[sflag:s1] =	ssyncadd.s32 $0xFFFFE400  }
0x4a: {  	[tilespmem:s24], [sflag:$0x5] =	stream.indirect.gather.add.f32 [hbm:s5], $0x80, s4, s19, $0xb8;
	[tilespmem:$0x1F000] =	vst v63  }
0x4b: {  	_ =	swait.ge [sflag:s25], $0x1C00  }
0x4c: {  	[sflag:s25] =	ssyncset.done $0x0  }
0x4d: {  	[sflag:s25] =	ssyncadd.s32 $0xFFFFE400  }
0x4e: {  	[spmem:s3] =	stream.indirect.scatter.add.f32 [tilespmem:s20], [sflag:$0x7], $0x80, s18, s19, $0xb8;
	[tilespmem:$0x1F000] =	vst v63  }
0x4f: {  	_ =	swait.ge [sflag:s26], $0x1C00  }
0x50: {  	[sflag:s26] =	ssyncset.done $0x0  }
0x51: {  	[sflag:s26] =	ssyncadd.s32 $0xFFFFE400  }
0x52: {  	[spmem:s3] =	stream.indirect.scatter.add.f32 [tilespmem:s21], [sflag:$0xA], $0x80, s16, s19, $0xb8;
	[tilespmem:$0x1F000] =	vst v63  }
0x53: {  	_ =	swait.ge [sflag:s9], $0x1C00  }
0x54: {  	[sflag:s9] =	ssyncset.done $0x0  }
0x55: {  	s12 =	simm.s32 $0x14180;
	[sflag:s9] =	ssyncadd.s32 $0xFFFFE400  }
0x56: {  	[tilespmem:s20], [sflag:$0x1] =	stream.indirect.gather [hbm4b:s2+s19], $0x80, s12, s19, $0xb8;
	[tilespmem:$0x1F000] =	vst v63  }
0x57: {  	_ =	swait.ge [sflag:s8], $0x1C00  }
0x58: {  	[sflag:s8] =	ssyncset.done $0x0  }
0x59: {  	[sflag:s8] =	ssyncadd.s32 $0xFFFFE400  }
0x5a: {  	[tilespmem:s21], [sflag:$0x4] =	stream.indirect.gather [hbm4b:s2+s19], $0x80, s12, s19, $0xb8;
	[tilespmem:$0x1F000] =	vst v63  }
0x5b: {  	_ =	swait.ge [sflag:s13], $0x1C00  }
0x5c: {  	[sflag:s13] =	ssyncset.done $0x0  }
0x5d: {  	s6 =	simm.s32 $0x13D00;
	[sflag:s13] =	ssyncadd.s32 $0xFFFFE400  }
0x5e: {  	[tilespmem:s29], [sflag:$0x3] =	stream.indirect.gather.add.f32 [hbm:s5], $0x80, s6, s19, $0xb8;
	[tilespmem:$0x1F000] =	vst v63  }
0x5f: {  	_ =	swait.ge [sflag:s11], $0x1C00  }
0x60: {  	[sflag:s11] =	ssyncset.done $0x0  }
0x61: {  	s0 =	simm.s32 $0x14500;
	[sflag:s11] =	ssyncadd.s32 $0xFFFFE400  }
0x62: {  	[tilespmem:s30], [sflag:$0x6] =	stream.indirect.gather.add.f32 [hbm:s5], $0x80, s0, s19, $0xb8;
	[tilespmem:$0x1F000] =	vst v63  }
0x63: {  	_ =	swait.ge [sflag:s31], $0x1C00  }
0x64: {  	[sflag:s31] =	ssyncset.done $0x0  }
0x65: {  	[sflag:s31] =	ssyncadd.s32 $0xFFFFE400  }
0x66: {  	[spmem:s3] =	stream.indirect.scatter.add.f32 [tilespmem:s23], [sflag:$0x8], $0x80, s4, s19, $0xb8;
	[tilespmem:$0x1F000] =	vst v63  }
0x67: {  	_ =	swait.ge [sflag:s1], $0x1C00  }
0x68: {  	[sflag:s1] =	ssyncset.done $0x0  }
0x69: {  	[sflag:s1] =	ssyncadd.s32 $0xFFFFE400  }
0x6a: {  	[spmem:s3] =	stream.indirect.scatter.add.f32 [tilespmem:s24], [sflag:$0xB], $0x80, s14, s19, $0xb8;
	[tilespmem:$0x1F000] =	vst v63  }
0x6b: {  	_ =	swait.ge [sflag:s7], $0x1C00  }
0x6c: {  	[sflag:s7] =	ssyncset.done $0x0  }
0x6d: {  	s14 =	simm.s32 $0x14200;
	[sflag:s7] =	ssyncadd.s32 $0xFFFFE400  }
0x6e: {  	[tilespmem:s23], [sflag:$0x2] =	stream.indirect.gather [hbm4b:s2+s19], $0x80, s14, s19, $0xb8;
	[tilespmem:$0x1F000] =	vst v63  }
0x6f: {  	_ =	swait.ge [sflag:s28], $0x1C00  }
0x70: {  	[sflag:s28] =	ssyncset.done $0x0  }
0x71: {  	[sflag:s28] =	ssyncadd.s32 $0xFFFFE400  }
0x72: {  	[tilespmem:s24], [sflag:$0x5] =	stream.indirect.gather [hbm4b:s2+s19], $0x80, s14, s19, $0xb8;
	[tilespmem:$0x1F000] =	vst v63  }
0x73: {  	_ =	swait.ge [sflag:s25], $0x1C00  }
0x74: {  	[sflag:s25] =	ssyncset.done $0x0  }
0x75: {  	s12 =	simm.s32 $0x13D80;
	[sflag:s25] =	ssyncadd.s32 $0xFFFFE400  }
0x76: {  	[tilespmem:s20], [sflag:$0x1] =	stream.indirect.gather.add.f32 [hbm:s5], $0x80, s12, s19, $0xb8;
	[tilespmem:$0x1F000] =	vst v63  }
0x77: {  	_ =	swait.ge [sflag:s26], $0x1C00  }
0x78: {  	[sflag:s26] =	ssyncset.done $0x0  }
0x79: {  	s14 =	simm.s32 $0x14580;
	[sflag:s26] =	ssyncadd.s32 $0xFFFFE400  }
0x7a: {  	[tilespmem:s21], [sflag:$0x4] =	stream.indirect.gather.add.f32 [hbm:s5], $0x80, s14, s19, $0xb8;
	[tilespmem:$0x1F000] =	vst v63  }
0x7b: {  	_ =	swait.ge [sflag:s13], $0x1C00  }
0x7c: {  	[sflag:s13] =	ssyncset.done $0x0  }
0x7d: {  	[sflag:s13] =	ssyncadd.s32 $0xFFFFE400  }
0x7e: {  	[spmem:s3] =	stream.indirect.scatter.add.f32 [tilespmem:s29], [sflag:$0x9], $0x80, s0, s19, $0xb8;
	[tilespmem:$0x1F000] =	vst v63  }
0x7f: {  	_ =	swait.ge [sflag:s11], $0x1C00  }
0x80: {  	[sflag:s11] =	ssyncset.done $0x0  }
0x81: {  	[sflag:s11] =	ssyncadd.s32 $0xFFFFE400  }
0x82: {  	[spmem:s3] =	stream.indirect.scatter.add.f32 [tilespmem:s30], [sflag:$0xC], $0x80, s6, s19, $0xb8;
	[tilespmem:$0x1F000] =	vst v63  }
0x83: {  	_ =	swait.ge [sflag:s10], $0x1C00  }
0x84: {  	[sflag:s10] =	ssyncset.done $0x0  }
0x85: {  	s4 =	simm.s32 $0xC;
	s6 =	simm.s32 $0x14280;
	[sflag:s10] =	ssyncadd.s32 $0xFFFFE400  }
0x86: {  	[tilespmem:s29], [sflag:$0x3] =	stream.indirect.gather [hbm4b:s2+s19], $0x80, s6, s19, $0xb8;
	[tilespmem:$0x1F000] =	vst v63  }
0x87: {  	_ =	swait.ge [sflag:s4], $0x1C00  }
0x88: {  	[sflag:s4] =	ssyncset.done $0x0  }
0x89: {  	[sflag:s4] =	ssyncadd.s32 $0xFFFFE400  }
0x8a: {  	[tilespmem:s30], [sflag:$0x6] =	stream.indirect.gather [hbm4b:s2+s19], $0x80, s6, s19, $0xb8;
	[tilespmem:$0x1F000] =	vst v63  }
0x8b: {  	_ =	swait.ge [sflag:s31], $0x1C00  }
0x8c: {  	[sflag:s31] =	ssyncset.done $0x0  }
0x8d: {  	s0 =	simm.s32 $0x13E00;
	[sflag:s31] =	ssyncadd.s32 $0xFFFFE400  }
0x8e: {  	[tilespmem:s23], [sflag:$0x2] =	stream.indirect.gather.add.f32 [hbm:s5], $0x80, s0, s19, $0xb8;
	[tilespmem:$0x1F000] =	vst v63  }
0x8f: {  	_ =	swait.ge [sflag:s1], $0x1C00  }
0x90: {  	[sflag:s1] =	ssyncset.done $0x0  }
0x91: {  	s6 =	simm.s32 $0x14600;
	[sflag:s1] =	ssyncadd.s32 $0xFFFFE400  }
0x92: {  	[tilespmem:s24], [sflag:$0x5] =	stream.indirect.gather.add.f32 [hbm:s5], $0x80, s6, s19, $0xb8;
	[tilespmem:$0x1F000] =	vst v63  }
0x93: {  	_ =	swait.ge [sflag:s25], $0x1C00  }
0x94: {  	[sflag:s25] =	ssyncset.done $0x0  }
0x95: {  	[sflag:s25] =	ssyncadd.s32 $0xFFFFE400  }
0x96: {  	[spmem:s3] =	stream.indirect.scatter.add.f32 [tilespmem:s20], [sflag:$0x7], $0x80, s14, s19, $0xb8;
	[tilespmem:$0x1F000] =	vst v63  }
0x97: {  	_ =	swait.ge [sflag:s26], $0x1C00  }
0x98: {  	[sflag:s26] =	ssyncset.done $0x0  }
0x99: {  	[sflag:s26] =	ssyncadd.s32 $0xFFFFE400  }
0x9a: {  	[spmem:s3] =	stream.indirect.scatter.add.f32 [tilespmem:s21], [sflag:$0xA], $0x80, s12, s19, $0xb8;
	[tilespmem:$0x1F000] =	vst v63  }
0x9b: {  	_ =	swait.ge [sflag:s9], $0x1C00  }
0x9c: {  	[sflag:s9] =	ssyncset.done $0x0  }
0x9d: {  	s14 =	simm.s32 $0x14300;
	[sflag:s9] =	ssyncadd.s32 $0xFFFFE400  }
0x9e: {  	[tilespmem:s20], [sflag:$0x1] =	stream.indirect.gather [hbm4b:s2+s19], $0x80, s14, s19, $0xb8;
	[tilespmem:$0x1F000] =	vst v63  }
0x9f: {  	_ =	swait.ge [sflag:s8], $0x1C00  }
0xa0: {  	[sflag:s8] =	ssyncset.done $0x0  }
0xa1: {  	[sflag:s8] =	ssyncadd.s32 $0xFFFFE400  }
0xa2: {  	[tilespmem:s21], [sflag:$0x4] =	stream.indirect.gather [hbm4b:s2+s19], $0x80, s14, s19, $0xb8;
	[tilespmem:$0x1F000] =	vst v63  }
0xa3: {  	_ =	swait.ge [sflag:s13], $0x1C00  }
0xa4: {  	[sflag:s13] =	ssyncset.done $0x0  }
0xa5: {  	s12 =	simm.s32 $0x13E80;
	[sflag:s13] =	ssyncadd.s32 $0xFFFFE400  }
0xa6: {  	[tilespmem:s29], [sflag:$0x3] =	stream.indirect.gather.add.f32 [hbm:s5], $0x80, s12, s19, $0xb8;
	[tilespmem:$0x1F000] =	vst v63  }
0xa7: {  	_ =	swait.ge [sflag:s11], $0x1C00  }
0xa8: {  	[sflag:s11] =	ssyncset.done $0x0  }
0xa9: {  	s14 =	simm.s32 $0x14680;
	[sflag:s11] =	ssyncadd.s32 $0xFFFFE400  }
0xaa: {  	[tilespmem:s30], [sflag:$0x6] =	stream.indirect.gather.add.f32 [hbm:s5], $0x80, s14, s19, $0xb8;
	[tilespmem:$0x1F000] =	vst v63  }
0xab: {  	_ =	swait.ge [sflag:s31], $0x1C00  }
0xac: {  	[sflag:s31] =	ssyncset.done $0x0  }
0xad: {  	[sflag:s31] =	ssyncadd.s32 $0xFFFFE400  }
0xae: {  	[spmem:s3] =	stream.indirect.scatter.add.f32 [tilespmem:s23], [sflag:$0x8], $0x80, s6, s19, $0xb8;
	[tilespmem:$0x1F000] =	vst v63  }
0xaf: {  	_ =	swait.ge [sflag:s1], $0x1C00  }
0xb0: {  	[sflag:s1] =	ssyncset.done $0x0  }
0xb1: {  	[sflag:s1] =	ssyncadd.s32 $0xFFFFE400  }
0xb2: {  	[spmem:s3] =	stream.indirect.scatter.add.f32 [tilespmem:s24], [sflag:$0xB], $0x80, s0, s19, $0xb8;
	[tilespmem:$0x1F000] =	vst v63  }
0xb3: {  	_ =	swait.ge [sflag:s7], $0x1C00  }
0xb4: {  	[sflag:s7] =	ssyncset.done $0x0  }
0xb5: {  	s6 =	simm.s32 $0x14380;
	[sflag:s7] =	ssyncadd.s32 $0xFFFFE400  }
0xb6: {  	[tilespmem:s23], [sflag:$0x2] =	stream.indirect.gather [hbm4b:s2+s19], $0x80, s6, s19, $0xb8;
	[tilespmem:$0x1F000] =	vst v63  }
0xb7: {  	_ =	swait.ge [sflag:s28], $0x1C00  }
0xb8: {  	[sflag:s28] =	ssyncset.done $0x0  }
0xb9: {  	[sflag:s28] =	ssyncadd.s32 $0xFFFFE400  }
0xba: {  	[tilespmem:s24], [sflag:$0x5] =	stream.indirect.gather [hbm4b:s2+s19], $0x80, s6, s19, $0xb8;
	[tilespmem:$0x1F000] =	vst v63  }
0xbb: {  	_ =	swait.ge [sflag:s25], $0x1C00  }
0xbc: {  	[sflag:s25] =	ssyncset.done $0x0  }
0xbd: {  	s0 =	simm.s32 $0x13F00;
	[sflag:s25] =	ssyncadd.s32 $0xFFFFE400  }
0xbe: {  	[tilespmem:s20], [sflag:$0x1] =	stream.indirect.gather.add.f32 [hbm:s5], $0x80, s0, s19, $0xb8;
	[tilespmem:$0x1F000] =	vst v63  }
0xbf: {  	_ =	swait.ge [sflag:s26], $0x1C00  }
0xc0: {  	[sflag:s26] =	ssyncset.done $0x0  }
0xc1: {  	s6 =	simm.s32 $0x14700;
	[sflag:s26] =	ssyncadd.s32 $0xFFFFE400  }
0xc2: {  	[tilespmem:s21], [sflag:$0x4] =	stream.indirect.gather.add.f32 [hbm:s5], $0x80, s6, s19, $0xb8;
	[tilespmem:$0x1F000] =	vst v63  }
0xc3: {  	_ =	swait.ge [sflag:s13], $0x1C00  }
0xc4: {  	[sflag:s13] =	ssyncset.done $0x0  }
0xc5: {  	[sflag:s13] =	ssyncadd.s32 $0xFFFFE400  }
0xc6: {  	[spmem:s3] =	stream.indirect.scatter.add.f32 [tilespmem:s29], [sflag:$0x9], $0x80, s14, s19, $0xb8;
	[tilespmem:$0x1F000] =	vst v63  }
0xc7: {  	_ =	swait.ge [sflag:s11], $0x1C00  }
0xc8: {  	[sflag:s11] =	ssyncset.done $0x0  }
0xc9: {  	[sflag:s11] =	ssyncadd.s32 $0xFFFFE400  }
0xca: {  	[spmem:s3] =	stream.indirect.scatter.add.f32 [tilespmem:s30], [sflag:$0xC], $0x80, s12, s19, $0xb8;
	[tilespmem:$0x1F000] =	vst v63  }
0xcb: {  	_ =	swait.ge [sflag:s31], $0x1C00  }
0xcc: {  	[sflag:s31] =	ssyncset.done $0x0  }
0xcd: {  	s12 =	simm.s32 $0x13F80;
	[sflag:s31] =	ssyncadd.s32 $0xFFFFE400  }
0xce: {  	[tilespmem:s23], [sflag:$0x2] =	stream.indirect.gather.add.f32 [hbm:s5], $0x80, s12, s19, $0xb8;
	[tilespmem:$0x1F000] =	vst v63  }
0xcf: {  	_ =	swait.ge [sflag:s1], $0x1C00  }
0xd0: {  	[sflag:s1] =	ssyncset.done $0x0  }
0xd1: {  	s14 =	simm.s32 $0x14780;
	[sflag:s1] =	ssyncadd.s32 $0xFFFFE400  }
0xd2: {  	[tilespmem:s24], [sflag:$0x5] =	stream.indirect.gather.add.f32 [hbm:s5], $0x80, s14, s19, $0xb8;
	[tilespmem:$0x1F000] =	vst v63  }
0xd3: {  	_ =	swait.ge [sflag:s25], $0x1C00  }
0xd4: {  	[sflag:s25] =	ssyncset.done $0x0  }
0xd5: {  	[sflag:s25] =	ssyncadd.s32 $0xFFFFE400  }
0xd6: {  	[spmem:s3] =	stream.indirect.scatter.add.f32 [tilespmem:s20], [sflag:$0x7], $0x80, s6, s19, $0xb8;
	[tilespmem:$0x1F000] =	vst v63  }
0xd7: {  	_ =	swait.ge [sflag:s26], $0x1C00  }
0xd8: {  	[sflag:s26] =	ssyncset.done $0x0  }
0xd9: {  	[sflag:s26] =	ssyncadd.s32 $0xFFFFE400  }
0xda: {  	[spmem:s3] =	stream.indirect.scatter.add.f32 [tilespmem:s21], [sflag:$0xA], $0x80, s0, s19, $0xb8;
	[tilespmem:$0x1F000] =	vst v63  }
0xdb: {  	_ =	swait.ge [sflag:s31], $0x1C00  }
0xdc: {  	[sflag:s31] =	ssyncset.done $0x0  }
0xdd: {  	[sflag:s31] =	ssyncadd.s32 $0xFFFFE400  }
0xde: {  	[spmem:s3] =	stream.indirect.scatter.add.f32 [tilespmem:s23], [sflag:$0x8], $0x80, s14, s19, $0xb8;
	[tilespmem:$0x1F000] =	vst v63  }
0xdf: {  	_ =	swait.ge [sflag:s1], $0x1C00  }
0xe0: {  	[sflag:s1] =	ssyncset.done $0x0  }
0xe1: {  	[sflag:s1] =	ssyncadd.s32 $0xFFFFE400  }
0xe2: {  	[spmem:s3] =	stream.indirect.scatter.add.f32 [tilespmem:s24], [sflag:$0xB], $0x80, s12, s19, $0xb8;
	[tilespmem:$0x1F000] =	vst v63  }
0xe3: {  	_ =	swait.ge [sflag:s9], $0x1C00  }
0xe4: {  	[sflag:s9] =	ssyncset.done $0x0  }
0xe5: {  	[sflag:s9] =	ssyncadd.s32 $0xFFFFE400  }
0xe6: {  	_ =	swait.ge [sflag:s8], $0x1C00  }
0xe7: {  	[sflag:s8] =	ssyncset.done $0x0  }
0xe8: {  	[sflag:s8] =	ssyncadd.s32 $0xFFFFE400  }
0xe9: {  	_ =	swait.ge [sflag:s7], $0x1C00  }
0xea: {  	[sflag:s7] =	ssyncset.done $0x0  }
0xeb: {  	[sflag:s7] =	ssyncadd.s32 $0xFFFFE400  }
0xec: {  	_ =	swait.ge [sflag:s28], $0x1C00  }
0xed: {  	[sflag:s28] =	ssyncset.done $0x0  }
0xee: {  	[sflag:s28] =	ssyncadd.s32 $0xFFFFE400  }
0xef: {  	_ =	swait.ge [sflag:s10], $0x1C00  }
0xf0: {  	s14 =	rddreg [dreg:$0x6]  }
0xf1: {  	p0 =	sne.s32 s14, $0x1  }
.Ltmp0:
0xf2: {  	_ = 	snop;
	(pc) =	sbr.rel @!p0 .LBB2_3-.Ltmp0, $4  }
0xf3: {  	[sflag:s10] =	ssyncset.done $0x0  }
0xf4: {  	[sflag:s10] =	ssyncadd.s32 $0xFFFFE400  }
0xf5: {  	s12 =	simm.s32 $0xC;
	s6 =	sadd.s32 $0xFFFFFFFF, s14;
	_ =	swait.ge [sflag:s4], $0x1C00  }
0xf6: {  	s14 =	sadd.s32 $0x80, s15;
	[sflag:s4] =	ssyncset.done $0x0;
	s0 =	rddreg [dreg:$0xb]  }
.LBB2_2:
0xf7: {  	s15 =	simm.s32 $0xC;
	s22 =	sadd.s32 $0x80, s22;
	s0 =	sadd.s32 $0x80, s0  }
0xf8: {  	s10 =	simm.s32 $0x0;
	s4 =	simm.s32 $0xD;
	[sflag:s15] =	ssyncadd.s32 $0xFFFFE400  }
0xf9: {  	[tilespmem:s16], [sflag:$0xD] =	stream.linear.gather [hbm4b:s14+s10], $0x400, $0x38;
	[tilespmem:$0x1F000] =	vst v63  }
0xfa: {  	p0 =	sne.s32 s6, $0x1;
	s6 =	sadd.s32 $0xFFFFFFFF, s6;
	_ =	swait.ge [sflag:s4], $0x400  }
0xfb: {  	[sflag:s4] =	ssyncset.done $0x0  }
0xfc: {  	[sflag:s4] =	ssyncadd.s32 $0xFFFFFC00  }
0xfd: {  	[tilespmem:s17], [sflag:$0xD] =	stream.linear.gather [hbm4b:s0+s10], $0x400, $0x38;
	[tilespmem:$0x1F000] =	vst v63  }
0xfe: {  	_ =	swait.ge [sflag:s4], $0x400  }
0xff: {  	[sflag:s4] =	ssyncset.done $0x0  }
0x100: {  	[sflag:s4] =	ssyncadd.s32 $0xFFFFFC00  }
0x101: {  	[tilespmem:s18], [sflag:$0xD] =	stream.linear.gather [hbm4b:s22+s10], $0x400, $0x38;
	[tilespmem:$0x1F000] =	vst v63  }
0x102: {  	_ =	swait.ge [sflag:s4], $0x400  }
0x103: {  	[sflag:s4] =	ssyncset.done $0x0  }
0x104: {  	[sflag:s4] =	ssyncadd.s32 $0xFFFFFC00  }
0x105: {  	[tilespmem:s20], [sflag:$0x1] =	stream.indirect.gather [hbm4b:s2+s19], $0x80, s17, s19, $0xb8;
	[tilespmem:$0x1F000] =	vst v63  }
0x106: {  	_ = 	snop  }
0x107: {  	[tilespmem:s21], [sflag:$0x4] =	stream.indirect.gather [hbm4b:s2+s19], $0x80, s17, s19, $0xb8;
	[tilespmem:$0x1F000] =	vst v63  }
0x108: {  	s16 =	simm.s32 $0x14080  }
0x109: {  	[tilespmem:s23], [sflag:$0x2] =	stream.indirect.gather [hbm4b:s2+s19], $0x80, s16, s19, $0xb8;
	[tilespmem:$0x1F000] =	vst v63  }
0x10a: {  	_ = 	snop  }
0x10b: {  	[tilespmem:s24], [sflag:$0x5] =	stream.indirect.gather [hbm4b:s2+s19], $0x80, s16, s19, $0xb8;
	[tilespmem:$0x1F000] =	vst v63  }
0x10c: {  	s16 =	simm.s32 $0x13C00  }
0x10d: {  	_ =	swait.ge [sflag:s25], $0x1C00  }
0x10e: {  	[sflag:s25] =	ssyncset.done $0x0  }
0x10f: {  	[sflag:s25] =	ssyncadd.s32 $0xFFFFE400  }
0x110: {  	[tilespmem:s20], [sflag:$0x1] =	stream.indirect.gather.add.f32 [hbm:s5], $0x80, s16, s19, $0xb8;
	[tilespmem:$0x1F000] =	vst v63  }
0x111: {  	_ =	swait.ge [sflag:s26], $0x1C00  }
0x112: {  	[sflag:s26] =	ssyncset.done $0x0  }
0x113: {  	[sflag:s26] =	ssyncadd.s32 $0xFFFFE400  }
0x114: {  	[tilespmem:s21], [sflag:$0x4] =	stream.indirect.gather.add.f32 [hbm:s5], $0x80, s18, s19, $0xb8;
	[tilespmem:$0x1F000] =	vst v63  }
0x115: {  	s17 =	simm.s32 $0x14100  }
0x116: {  	[tilespmem:s29], [sflag:$0x3] =	stream.indirect.gather [hbm4b:s2+s19], $0x80, s17, s19, $0xb8;
	[tilespmem:$0x1F000] =	vst v63  }
0x117: {  	_ = 	snop  }
0x118: {  	[tilespmem:s30], [sflag:$0x6] =	stream.indirect.gather [hbm4b:s2+s19], $0x80, s17, s19, $0xb8;
	[tilespmem:$0x1F000] =	vst v63  }
0x119: {  	s17 =	simm.s32 $0x14000  }
0x11a: {  	_ =	swait.ge [sflag:s31], $0x1C00  }
0x11b: {  	[sflag:s31] =	ssyncset.done $0x0  }
0x11c: {  	s4 =	simm.s32 $0x14400;
	s18 =	simm.s32 $0x13C80;
	[sflag:s31] =	ssyncadd.s32 $0xFFFFE400  }
0x11d: {  	[tilespmem:s23], [sflag:$0x2] =	stream.indirect.gather.add.f32 [hbm:s5], $0x80, s18, s19, $0xb8;
	[tilespmem:$0x1F000] =	vst v63  }
0x11e: {  	_ =	swait.ge [sflag:s1], $0x1C00  }
0x11f: {  	[sflag:s1] =	ssyncset.done $0x0  }
0x120: {  	s29 =	simm.s32 $0x14480;
	s30 =	simm.s32 $0x18000;
	[sflag:s1] =	ssyncadd.s32 $0xFFFFE400  }
0x121: {  	[tilespmem:s24], [sflag:$0x5] =	stream.indirect.gather.add.f32 [hbm:s5], $0x80, s29, s19, $0xb8;
	[tilespmem:$0x1F000] =	vst v63  }
0x122: {  	_ =	swait.ge [sflag:s25], $0x1C00  }
0x123: {  	[sflag:s25] =	ssyncset.done $0x0  }
0x124: {  	[sflag:s25] =	ssyncadd.s32 $0xFFFFE400  }
0x125: {  	[spmem:s3] =	stream.indirect.scatter.add.f32 [tilespmem:s20], [sflag:$0x7], $0x80, s4, s19, $0xb8;
	[tilespmem:$0x1F000] =	vst v63  }
0x126: {  	_ =	swait.ge [sflag:s26], $0x1C00  }
0x127: {  	[sflag:s26] =	ssyncset.done $0x0  }
0x128: {  	[sflag:s26] =	ssyncadd.s32 $0xFFFFE400  }
0x129: {  	[spmem:s3] =	stream.indirect.scatter.add.f32 [tilespmem:s21], [sflag:$0xA], $0x80, s16, s19, $0xb8;
	[tilespmem:$0x1F000] =	vst v63  }
0x12a: {  	_ =	swait.ge [sflag:s9], $0x1C00  }
0x12b: {  	[sflag:s9] =	ssyncset.done $0x0  }
0x12c: {  	s4 =	simm.s32 $0x14180;
	[sflag:s9] =	ssyncadd.s32 $0xFFFFE400  }
0x12d: {  	[tilespmem:s20], [sflag:$0x1] =	stream.indirect.gather [hbm4b:s2+s19], $0x80, s4, s19, $0xb8;
	[tilespmem:$0x1F000] =	vst v63  }
0x12e: {  	_ =	swait.ge [sflag:s8], $0x1C00  }
0x12f: {  	[sflag:s8] =	ssyncset.done $0x0  }
0x130: {  	[sflag:s8] =	ssyncadd.s32 $0xFFFFE400  }
0x131: {  	[tilespmem:s21], [sflag:$0x4] =	stream.indirect.gather [hbm4b:s2+s19], $0x80, s4, s19, $0xb8;
	[tilespmem:$0x1F000] =	vst v63  }
0x132: {  	_ =	swait.ge [sflag:s13], $0x1C00  }
0x133: {  	[sflag:s13] =	ssyncset.done $0x0  }
0x134: {  	s4 =	simm.s32 $0x13D00;
	[sflag:s13] =	ssyncadd.s32 $0xFFFFE400  }
0x135: {  	[tilespmem:s30], [sflag:$0x3] =	stream.indirect.gather.add.f32 [hbm:s5], $0x80, s4, s19, $0xb8;
	[tilespmem:$0x1F000] =	vst v63  }
0x136: {  	s30 =	simm.s32 $0x1D400  }
0x137: {  	_ =	swait.ge [sflag:s11], $0x1C00  }
0x138: {  	[sflag:s11] =	ssyncset.done $0x0  }
0x139: {  	s10 =	simm.s32 $0x14500;
	[sflag:s11] =	ssyncadd.s32 $0xFFFFE400  }
0x13a: {  	[tilespmem:s30], [sflag:$0x6] =	stream.indirect.gather.add.f32 [hbm:s5], $0x80, s10, s19, $0xb8;
	[tilespmem:$0x1F000] =	vst v63  }
0x13b: {  	_ =	swait.ge [sflag:s31], $0x1C00  }
0x13c: {  	[sflag:s31] =	ssyncset.done $0x0  }
0x13d: {  	[sflag:s31] =	ssyncadd.s32 $0xFFFFE400  }
0x13e: {  	[spmem:s3] =	stream.indirect.scatter.add.f32 [tilespmem:s23], [sflag:$0x8], $0x80, s29, s19, $0xb8;
	[tilespmem:$0x1F000] =	vst v63  }
0x13f: {  	s29 =	simm.s32 $0x18000  }
0x140: {  	_ =	swait.ge [sflag:s1], $0x1C00  }
0x141: {  	[sflag:s1] =	ssyncset.done $0x0  }
0x142: {  	[sflag:s1] =	ssyncadd.s32 $0xFFFFE400  }
0x143: {  	[spmem:s3] =	stream.indirect.scatter.add.f32 [tilespmem:s24], [sflag:$0xB], $0x80, s18, s19, $0xb8;
	[tilespmem:$0x1F000] =	vst v63  }
0x144: {  	s18 =	simm.s32 $0x14400  }
0x145: {  	_ =	swait.ge [sflag:s7], $0x1C00  }
0x146: {  	[sflag:s7] =	ssyncset.done $0x0  }
0x147: {  	s12 =	simm.s32 $0x14200;
	[sflag:s7] =	ssyncadd.s32 $0xFFFFE400  }
0x148: {  	[tilespmem:s23], [sflag:$0x2] =	stream.indirect.gather [hbm4b:s2+s19], $0x80, s12, s19, $0xb8;
	[tilespmem:$0x1F000] =	vst v63  }
0x149: {  	_ =	swait.ge [sflag:s28], $0x1C00  }
0x14a: {  	[sflag:s28] =	ssyncset.done $0x0  }
0x14b: {  	[sflag:s28] =	ssyncadd.s32 $0xFFFFE400  }
0x14c: {  	[tilespmem:s24], [sflag:$0x5] =	stream.indirect.gather [hbm4b:s2+s19], $0x80, s12, s19, $0xb8;
	[tilespmem:$0x1F000] =	vst v63  }
0x14d: {  	_ =	swait.ge [sflag:s25], $0x1C00  }
0x14e: {  	[sflag:s25] =	ssyncset.done $0x0  }
0x14f: {  	s12 =	simm.s32 $0x13D80;
	[sflag:s25] =	ssyncadd.s32 $0xFFFFE400  }
0x150: {  	[tilespmem:s20], [sflag:$0x1] =	stream.indirect.gather.add.f32 [hbm:s5], $0x80, s12, s19, $0xb8;
	[tilespmem:$0x1F000] =	vst v63  }
0x151: {  	_ =	swait.ge [sflag:s26], $0x1C00  }
0x152: {  	[sflag:s26] =	ssyncset.done $0x0  }
0x153: {  	s23 =	simm.s32 $0x19C00;
	s20 =	simm.s32 $0x14580;
	[sflag:s26] =	ssyncadd.s32 $0xFFFFE400  }
0x154: {  	[tilespmem:s23], [sflag:$0x4] =	stream.indirect.gather.add.f32 [hbm:s5], $0x80, s20, s19, $0xb8;
	[tilespmem:$0x1F000] =	vst v63  }
0x155: {  	s21 =	simm.s32 $0x14800;
	s23 =	simm.s32 $0x16400  }
0x156: {  	_ =	swait.ge [sflag:s13], $0x1C00  }
0x157: {  	[sflag:s13] =	ssyncset.done $0x0  }
0x158: {  	[sflag:s13] =	ssyncadd.s32 $0xFFFFE400  }
0x159: {  	[spmem:s3] =	stream.indirect.scatter.add.f32 [tilespmem:s29], [sflag:$0x9], $0x80, s10, s19, $0xb8;
	[tilespmem:$0x1F000] =	vst v63  }
0x15a: {  	s10 =	simm.s32 $0x9  }
0x15b: {  	_ =	swait.ge [sflag:s11], $0x1C00  }
0x15c: {  	[sflag:s11] =	ssyncset.done $0x0  }
0x15d: {  	[sflag:s11] =	ssyncadd.s32 $0xFFFFE400  }
0x15e: {  	[spmem:s3] =	stream.indirect.scatter.add.f32 [tilespmem:s30], [sflag:$0xC], $0x80, s4, s19, $0xb8;
	[tilespmem:$0x1F000] =	vst v63  }
0x15f: {  	_ =	swait.ge [sflag:s10], $0x1C00  }
0x160: {  	[sflag:s10] =	ssyncset.done $0x0  }
0x161: {  	s4 =	simm.s32 $0x14280;
	[sflag:s10] =	ssyncadd.s32 $0xFFFFE400  }
0x162: {  	[tilespmem:s29], [sflag:$0x3] =	stream.indirect.gather [hbm4b:s2+s19], $0x80, s4, s19, $0xb8;
	[tilespmem:$0x1F000] =	vst v63  }
0x163: {  	_ =	swait.ge [sflag:s15], $0x1C00  }
0x164: {  	[sflag:s15] =	ssyncset.done $0x0  }
0x165: {  	[sflag:s15] =	ssyncadd.s32 $0xFFFFE400  }
0x166: {  	[tilespmem:s30], [sflag:$0x6] =	stream.indirect.gather [hbm4b:s2+s19], $0x80, s4, s19, $0xb8;
	[tilespmem:$0x1F000] =	vst v63  }
0x167: {  	_ =	swait.ge [sflag:s31], $0x1C00  }
0x168: {  	[sflag:s31] =	ssyncset.done $0x0  }
0x169: {  	s4 =	simm.s32 $0x13E00;
	[sflag:s31] =	ssyncadd.s32 $0xFFFFE400  }
0x16a: {  	[tilespmem:s23], [sflag:$0x2] =	stream.indirect.gather.add.f32 [hbm:s5], $0x80, s4, s19, $0xb8;
	[tilespmem:$0x1F000] =	vst v63  }
0x16b: {  	_ =	swait.ge [sflag:s1], $0x1C00  }
0x16c: {  	[sflag:s1] =	ssyncset.done $0x0  }
0x16d: {  	s9 =	simm.s32 $0x1B800;
	s24 =	simm.s32 $0x14600;
	[sflag:s1] =	ssyncadd.s32 $0xFFFFE400  }
0x16e: {  	[tilespmem:s9], [sflag:$0x5] =	stream.indirect.gather.add.f32 [hbm:s5], $0x80, s24, s19, $0xb8;
	[tilespmem:$0x1F000] =	vst v63  }
0x16f: {  	s9 =	simm.s32 $0x7  }
0x170: {  	_ =	swait.ge [sflag:s25], $0x1C00  }
0x171: {  	[sflag:s25] =	ssyncset.done $0x0  }
0x172: {  	[sflag:s25] =	ssyncadd.s32 $0xFFFFE400  }
0x173: {  	[spmem:s3] =	stream.indirect.scatter.add.f32 [tilespmem:s21], [sflag:$0x7], $0x80, s20, s19, $0xb8;
	[tilespmem:$0x1F000] =	vst v63  }
0x174: {  	s21 =	simm.s32 $0x19C00;
	s20 =	simm.s32 $0x14800  }
0x175: {  	_ =	swait.ge [sflag:s26], $0x1C00  }
0x176: {  	[sflag:s26] =	ssyncset.done $0x0  }
0x177: {  	[sflag:s26] =	ssyncadd.s32 $0xFFFFE400  }
0x178: {  	[spmem:s3] =	stream.indirect.scatter.add.f32 [tilespmem:s21], [sflag:$0xA], $0x80, s12, s19, $0xb8;
	[tilespmem:$0x1F000] =	vst v63  }
0x179: {  	_ =	swait.ge [sflag:s9], $0x1C00  }
0x17a: {  	[sflag:s9] =	ssyncset.done $0x0  }
0x17b: {  	s12 =	simm.s32 $0x14300;
	[sflag:s9] =	ssyncadd.s32 $0xFFFFE400  }
0x17c: {  	[tilespmem:s20], [sflag:$0x1] =	stream.indirect.gather [hbm4b:s2+s19], $0x80, s12, s19, $0xb8;
	[tilespmem:$0x1F000] =	vst v63  }
0x17d: {  	_ =	swait.ge [sflag:s8], $0x1C00  }
0x17e: {  	[sflag:s8] =	ssyncset.done $0x0  }
0x17f: {  	[sflag:s8] =	ssyncadd.s32 $0xFFFFE400  }
0x180: {  	[tilespmem:s21], [sflag:$0x4] =	stream.indirect.gather [hbm4b:s2+s19], $0x80, s12, s19, $0xb8;
	[tilespmem:$0x1F000] =	vst v63  }
0x181: {  	_ =	swait.ge [sflag:s13], $0x1C00  }
0x182: {  	[sflag:s13] =	ssyncset.done $0x0  }
0x183: {  	s12 =	simm.s32 $0x13E80;
	[sflag:s13] =	ssyncadd.s32 $0xFFFFE400  }
0x184: {  	[tilespmem:s29], [sflag:$0x3] =	stream.indirect.gather.add.f32 [hbm:s5], $0x80, s12, s19, $0xb8;
	[tilespmem:$0x1F000] =	vst v63  }
0x185: {  	_ =	swait.ge [sflag:s11], $0x1C00  }
0x186: {  	[sflag:s11] =	ssyncset.done $0x0  }
0x187: {  	s8 =	simm.s32 $0x14680;
	[sflag:s11] =	ssyncadd.s32 $0xFFFFE400  }
0x188: {  	[tilespmem:s30], [sflag:$0x6] =	stream.indirect.gather.add.f32 [hbm:s5], $0x80, s8, s19, $0xb8;
	[tilespmem:$0x1F000] =	vst v63  }
0x189: {  	_ =	swait.ge [sflag:s31], $0x1C00  }
0x18a: {  	[sflag:s31] =	ssyncset.done $0x0  }
0x18b: {  	[sflag:s31] =	ssyncadd.s32 $0xFFFFE400  }
0x18c: {  	[spmem:s3] =	stream.indirect.scatter.add.f32 [tilespmem:s23], [sflag:$0x8], $0x80, s24, s19, $0xb8;
	[tilespmem:$0x1F000] =	vst v63  }
0x18d: {  	s24 =	simm.s32 $0x1B800  }
0x18e: {  	_ =	swait.ge [sflag:s1], $0x1C00  }
0x18f: {  	[sflag:s1] =	ssyncset.done $0x0  }
0x190: {  	[sflag:s1] =	ssyncadd.s32 $0xFFFFE400  }
0x191: {  	[spmem:s3] =	stream.indirect.scatter.add.f32 [tilespmem:s24], [sflag:$0xB], $0x80, s4, s19, $0xb8;
	[tilespmem:$0x1F000] =	vst v63  }
0x192: {  	_ =	swait.ge [sflag:s7], $0x1C00  }
0x193: {  	[sflag:s7] =	ssyncset.done $0x0  }
0x194: {  	s4 =	simm.s32 $0x14380;
	[sflag:s7] =	ssyncadd.s32 $0xFFFFE400  }
0x195: {  	[tilespmem:s23], [sflag:$0x2] =	stream.indirect.gather [hbm4b:s2+s19], $0x80, s4, s19, $0xb8;
	[tilespmem:$0x1F000] =	vst v63  }
0x196: {  	_ =	swait.ge [sflag:s28], $0x1C00  }
0x197: {  	[sflag:s28] =	ssyncset.done $0x0  }
0x198: {  	[sflag:s28] =	ssyncadd.s32 $0xFFFFE400  }
0x199: {  	[tilespmem:s24], [sflag:$0x5] =	stream.indirect.gather [hbm4b:s2+s19], $0x80, s4, s19, $0xb8;
	[tilespmem:$0x1F000] =	vst v63  }
0x19a: {  	_ =	swait.ge [sflag:s25], $0x1C00  }
0x19b: {  	[sflag:s25] =	ssyncset.done $0x0  }
0x19c: {  	s4 =	simm.s32 $0x13F00;
	[sflag:s25] =	ssyncadd.s32 $0xFFFFE400  }
0x19d: {  	[tilespmem:s20], [sflag:$0x1] =	stream.indirect.gather.add.f32 [hbm:s5], $0x80, s4, s19, $0xb8;
	[tilespmem:$0x1F000] =	vst v63  }
0x19e: {  	_ =	swait.ge [sflag:s26], $0x1C00  }
0x19f: {  	[sflag:s26] =	ssyncset.done $0x0  }
0x1a0: {  	s7 =	simm.s32 $0x14700;
	[sflag:s26] =	ssyncadd.s32 $0xFFFFE400  }
0x1a1: {  	[tilespmem:s21], [sflag:$0x4] =	stream.indirect.gather.add.f32 [hbm:s5], $0x80, s7, s19, $0xb8;
	[tilespmem:$0x1F000] =	vst v63  }
0x1a2: {  	_ =	swait.ge [sflag:s13], $0x1C00  }
0x1a3: {  	[sflag:s13] =	ssyncset.done $0x0  }
0x1a4: {  	[sflag:s13] =	ssyncadd.s32 $0xFFFFE400  }
0x1a5: {  	[spmem:s3] =	stream.indirect.scatter.add.f32 [tilespmem:s29], [sflag:$0x9], $0x80, s8, s19, $0xb8;
	[tilespmem:$0x1F000] =	vst v63  }
0x1a6: {  	s8 =	simm.s32 $0xA  }
0x1a7: {  	_ =	swait.ge [sflag:s11], $0x1C00  }
0x1a8: {  	[sflag:s11] =	ssyncset.done $0x0  }
0x1a9: {  	[sflag:s11] =	ssyncadd.s32 $0xFFFFE400  }
0x1aa: {  	[spmem:s3] =	stream.indirect.scatter.add.f32 [tilespmem:s30], [sflag:$0xC], $0x80, s12, s19, $0xb8;
	[tilespmem:$0x1F000] =	vst v63  }
0x1ab: {  	_ =	swait.ge [sflag:s31], $0x1C00  }
0x1ac: {  	[sflag:s31] =	ssyncset.done $0x0  }
0x1ad: {  	s12 =	simm.s32 $0x13F80;
	[sflag:s31] =	ssyncadd.s32 $0xFFFFE400  }
0x1ae: {  	[tilespmem:s23], [sflag:$0x2] =	stream.indirect.gather.add.f32 [hbm:s5], $0x80, s12, s19, $0xb8;
	[tilespmem:$0x1F000] =	vst v63  }
0x1af: {  	_ =	swait.ge [sflag:s1], $0x1C00  }
0x1b0: {  	[sflag:s1] =	ssyncset.done $0x0  }
0x1b1: {  	s28 =	simm.s32 $0x14780;
	[sflag:s1] =	ssyncadd.s32 $0xFFFFE400  }
0x1b2: {  	[tilespmem:s24], [sflag:$0x5] =	stream.indirect.gather.add.f32 [hbm:s5], $0x80, s28, s19, $0xb8;
	[tilespmem:$0x1F000] =	vst v63  }
0x1b3: {  	_ =	swait.ge [sflag:s25], $0x1C00  }
0x1b4: {  	[sflag:s25] =	ssyncset.done $0x0  }
0x1b5: {  	[sflag:s25] =	ssyncadd.s32 $0xFFFFE400  }
0x1b6: {  	[spmem:s3] =	stream.indirect.scatter.add.f32 [tilespmem:s20], [sflag:$0x7], $0x80, s7, s19, $0xb8;
	[tilespmem:$0x1F000] =	vst v63  }
0x1b7: {  	s7 =	simm.s32 $0x8  }
0x1b8: {  	_ =	swait.ge [sflag:s26], $0x1C00  }
0x1b9: {  	[sflag:s26] =	ssyncset.done $0x0  }
0x1ba: {  	[sflag:s26] =	ssyncadd.s32 $0xFFFFE400  }
0x1bb: {  	[spmem:s3] =	stream.indirect.scatter.add.f32 [tilespmem:s21], [sflag:$0xA], $0x80, s4, s19, $0xb8;
	[tilespmem:$0x1F000] =	vst v63  }
0x1bc: {  	_ =	swait.ge [sflag:s31], $0x1C00  }
0x1bd: {  	[sflag:s31] =	ssyncset.done $0x0  }
0x1be: {  	[sflag:s31] =	ssyncadd.s32 $0xFFFFE400  }
0x1bf: {  	[spmem:s3] =	stream.indirect.scatter.add.f32 [tilespmem:s23], [sflag:$0x8], $0x80, s28, s19, $0xb8;
	[tilespmem:$0x1F000] =	vst v63  }
0x1c0: {  	s28 =	simm.s32 $0xB  }
0x1c1: {  	_ =	swait.ge [sflag:s1], $0x1C00  }
0x1c2: {  	[sflag:s1] =	ssyncset.done $0x0  }
0x1c3: {  	[sflag:s1] =	ssyncadd.s32 $0xFFFFE400  }
0x1c4: {  	[spmem:s3] =	stream.indirect.scatter.add.f32 [tilespmem:s24], [sflag:$0xB], $0x80, s12, s19, $0xb8;
	[tilespmem:$0x1F000] =	vst v63  }
0x1c5: {  	_ =	swait.ge [sflag:s9], $0x1C00  }
0x1c6: {  	[sflag:s9] =	ssyncset.done $0x0  }
0x1c7: {  	[sflag:s9] =	ssyncadd.s32 $0xFFFFE400  }
0x1c8: {  	_ =	swait.ge [sflag:s8], $0x1C00  }
0x1c9: {  	[sflag:s8] =	ssyncset.done $0x0  }
0x1ca: {  	[sflag:s8] =	ssyncadd.s32 $0xFFFFE400  }
0x1cb: {  	_ =	swait.ge [sflag:s7], $0x1C00  }
0x1cc: {  	[sflag:s7] =	ssyncset.done $0x0  }
0x1cd: {  	[sflag:s7] =	ssyncadd.s32 $0xFFFFE400  }
0x1ce: {  	_ =	swait.ge [sflag:s28], $0x1C00  }
0x1cf: {  	[sflag:s28] =	ssyncset.done $0x0  }
0x1d0: {  	[sflag:s28] =	ssyncadd.s32 $0xFFFFE400  }
.Ltmp1:
0x1d1: {  	_ =	swait.ge [sflag:s10], $0x1C00;
	(pc) =	sbr.rel @p0 .LBB2_2-.Ltmp1, $4  }
0x1d2: {  	[sflag:s10] =	ssyncset.done $0x0  }
0x1d3: {  	[sflag:s10] =	ssyncadd.s32 $0xFFFFE400  }
0x1d4: {  	_ =	swait.ge [sflag:s15], $0x1C00  }
0x1d5: {  	s14 =	sadd.s32 $0x80, s14;
	s12 =	simm.s32 $0xC;
	[sflag:s15] =	ssyncset.done $0x0  }
.LBB2_3:
0x1d6: {  	[sflag:s12] =	ssyncadd.s32 $0xFFFFE400  }
0x1d7: {  	[bflag:$0x0] =	sbarrier.arrive $0xFFFF  }
0x1d8: {  	s14 =	rddreg [dreg:$0x7]  }
0x1d9: {  	s0 =	rddreg [dreg:$0x8]  }
0x1da: {  	s4 =	simm.s32 $0xD;
	s6 =	rddreg [dreg:$0xd]  }
0x1db: {  	[hbm:s0], [sflag:s14] =	dma.local [spmem:s6], $0x2780  }
0x1dc: {  	_ =	swait.ge [sflag:s4], $0x2780  }
0x1dd: {  	s22 =	rddreg [dreg:$0xe]  }
0x1de: {  	s15 =	rddreg [dreg:$0x9];
	s22 =	sadd.s32 $0x1, s22  }
0x1df: {  	p0 =	sne.s32 s22, s15  }
.Ltmp2:
0x1e0: {  	_ = 	snop;
	(pc) =	sbr.rel @p0 .LBB2_1-.Ltmp2, $3  }
0x1e1: {  	_ =	sdelay $0x1  }
0x1e2: {  	[sflag:s4] =	ssyncset.done $0x0  }
0x1e3: {  	[sflag:s4] =	ssyncadd.s32 $0xFFFFD880;
	s4 =	simm.s32 $0x0  }
0x1e4: {  	_ =	sfence.sel $0x180000  }
0x1e5: {  	[bflag:$0x0] =	sbarrier.arrive $0xFFFF  }
0x1e6: {  	_ =	strace $0x90000047  }
0x1e7: {  	s0 =	stileid.u32;
	[bflag:$0x2] =	sbarrier.arrive $0xFFFF  }
0x1e8: {  	p0 =	sne.s32 s0, $0x0;
	s0 =	rddreg [dreg:$0x4]  }
0x1e9: {  	s0 =	sadd.s32 @!p0 $0x100000, s0  }
0x1ea: {  	[sflag:s0] =	ssyncadd.tile.s32 @!p0 $0x1;
	_ =	shalt  }
.Lfunc_end2:
_tile_overlayer_lowered:
.L_overlay_start_2:
0x1eb: {  	(tag) =	ssettag $0x2  }
0x1ec: {  	s0 =	rddreg [dreg:$0x0];
	s2 =	stileid.u32  }
0x1ed: {  	s1 =	rddreg [dreg:$0x1];
	p0 =	sne.s32 s2, $0x0  }
0x1ee: {  	s3 =	rddreg [dreg:$0x2];
	[bflag:$0x3] =	sbarrier.arrive $0xFFFF;
	s2 =	simm.s32 @!p0 $0x1C0D  }
0x1ef: {  	[timem:s3], [sflag:s2] =	dma.local @!p0 [hbm:s0], s1  }
0x1f0: {  	s0 =	simm.s32 @!p0 $0xD  }
0x1f1: {  	_ =	swait.ge @!p0 [sflag:s0], s1  }
0x1f2: {  	s1 =	ssub.s32 @!p0 $0x0, s1;
	[sflag:s0] =	ssyncset.done @!p0 $0x0  }
0x1f3: {  	[sflag:s0] =	ssyncadd.s32 @!p0 s1  }
0x1f4: {  	[bflag:$0x3] =	sbarrier.arrive $0xFFFF  }
0x1f5: {  	_ =	shalt  }

</sc_bundles>
